<compile_context>
chip_gen: v7x
topology: tpu7x:2x2x1
jax: 0.10.2.dev20260603
libtpu: 0.0.44.dev20260713+nightly
codegen_flags: <defaults>
</compile_context>

<pallas_src>
import jax
import jax.numpy as jnp
from jax import lax
from jax.experimental import pallas as pl
from jax.experimental.pallas import tpu as pltpu
from jax.experimental.pallas import tpu_sc as plsc

N = 10000
E = 160000
G = 512
NEMB = 32
NSTEM = 20
NBLK = 106
STEPS = 3

R = 2000
GRID = N // R

NC, NS = 2, 16
NW = NC * NS
CL = 128
CHUNKS = 40
EPW = CHUNKS * CL
EPAD = NW * EPW
QCOLS = NSTEM + 1
NQ = 10112
QSIZE = NQ * QCOLS
QS = QSIZE // NS
NP = 10016
PFLAT = NP * NSTEM
PTS = PFLAT // NS


def _leaky(t):
    return jnp.where(t >= 0, t, 0.01 * t)



def _encode_body(x_ref, b_ref, vec_ref, blk_ref, w1_ref, b1_ref, w2_ref,
                 b2_ref, bond_ref, out_ref, p_ref):
    xb = x_ref[0, 0, :]
    oh_x = (xb[:, None] == lax.broadcasted_iota(jnp.int32, (R, NBLK), 1)
            ).astype(jnp.float32)
    hx = jnp.dot(oh_x, blk_ref[...], preferred_element_type=jnp.float32)
    bb = b_ref[0, 0, :]
    oh_b = (bb[:, None] == lax.broadcasted_iota(jnp.int32, (R, G), 1)
            ).astype(jnp.float32)
    bv = jnp.dot(oh_b, vec_ref[...], preferred_element_type=jnp.float32)
    cat = jnp.concatenate([hx, bv], axis=1)
    t = _leaky(jnp.dot(cat, w1_ref[...], preferred_element_type=jnp.float32)
               + b1_ref[...])
    out = jnp.dot(t, w2_ref[...], preferred_element_type=jnp.float32) + b2_ref[...]
    out_ref[...] = out
    p_ref[...] = lax.dot_general(out, bond_ref[...], (((1,), (1,)), ((), ())),
                                 preferred_element_type=jnp.float32)


def _gru(o, m, wih_ref, whh_ref, bih_ref, bhh_ref):
    wih = wih_ref[...]
    whh = whh_ref[...]
    bih = bih_ref[...]
    bhh = bhh_ref[...]

    def gate(xv, w, k):
        return lax.dot_general(xv, w[32 * k:32 * (k + 1), :],
                               (((1,), (1,)), ((), ())),
                               preferred_element_type=jnp.float32)

    r = jax.nn.sigmoid(gate(m, wih, 0) + bih[0:1, :]
                       + gate(o, whh, 0) + bhh[0:1, :])
    z = jax.nn.sigmoid(gate(m, wih, 1) + bih[1:2, :]
                       + gate(o, whh, 1) + bhh[1:2, :])
    n = jnp.tanh(gate(m, wih, 2) + bih[2:3, :]
                 + r * (gate(o, whh, 2) + bhh[2:3, :]))
    return (1.0 - z) * n + z * o


def _step_first_body(o_ref, q_ref, bond_ref, cr_ref, cb_ref, wih_ref, whh_ref,
                     bih_ref, bhh_ref, h_ref, p_ref, dinv_ref):
    o = o_ref[...]
    q = q_ref[0] + q_ref[1]
    dinv = 1.0 / jnp.maximum(q[:, NSTEM:NSTEM + 1], 1.0)
    dinv_ref[...] = dinv
    aggr = jnp.dot(q[:, :NSTEM], bond_ref[...],
                   preferred_element_type=jnp.float32) * dinv
    m = _leaky(jnp.dot(o, cr_ref[...], preferred_element_type=jnp.float32)
               + aggr + cb_ref[...])
    h = _gru(o, m, wih_ref, whh_ref, bih_ref, bhh_ref)
    h_ref[...] = h
    p_ref[...] = lax.dot_general(h, bond_ref[...], (((1,), (1,)), ((), ())),
                                 preferred_element_type=jnp.float32)


def _step_rest_body(o_ref, q_ref, dinv_ref, bond_ref, cr_ref, cb_ref, wih_ref,
                    whh_ref, bih_ref, bhh_ref, h_ref, p_ref):
    o = o_ref[...]
    q = q_ref[0] + q_ref[1]
    aggr = jnp.dot(q[:, :NSTEM], bond_ref[...],
                   preferred_element_type=jnp.float32) * dinv_ref[...]
    m = _leaky(jnp.dot(o, cr_ref[...], preferred_element_type=jnp.float32)
               + aggr + cb_ref[...])
    h = _gru(o, m, wih_ref, whh_ref, bih_ref, bhh_ref)
    h_ref[...] = h
    p_ref[...] = lax.dot_general(h, bond_ref[...], (((1,), (1,)), ((), ())),
                                 preferred_element_type=jnp.float32)


def _step_last_body(o_ref, q_ref, dinv_ref, b_ref, bond_ref, cr_ref, cb_ref,
                    wih_ref, whh_ref, bih_ref, bhh_ref, res_ref, acc_ref):
    i = pl.program_id(0)
    o = o_ref[...]
    q = q_ref[0] + q_ref[1]
    aggr = jnp.dot(q[:, :NSTEM], bond_ref[...],
                   preferred_element_type=jnp.float32) * dinv_ref[...]
    m = _leaky(jnp.dot(o, cr_ref[...], preferred_element_type=jnp.float32)
               + aggr + cb_ref[...])
    h = _gru(o, m, wih_ref, whh_ref, bih_ref, bhh_ref)

    @pl.when(i == 0)
    def _():
        acc_ref[...] = jnp.zeros((G, NEMB + 1), jnp.float32)

    bb = b_ref[0, 0, :]
    oh = (bb[:, None] == lax.broadcasted_iota(jnp.int32, (R, G), 1)
          ).astype(jnp.float32)
    aug = jnp.concatenate([h, jnp.ones((R, 1), jnp.float32)], axis=1)
    acc_ref[...] += lax.dot_general(oh, aug, (((0,), (0,)), ((), ())),
                                    preferred_element_type=jnp.float32)

    @pl.when(i == GRID - 1)
    def _():
        sacc = acc_ref[...]
        res_ref[...] = sacc[:, :NEMB] / jnp.maximum(sacc[:, NEMB:NEMB + 1],
                                                    1.0)


def _full(shape):
    return pl.BlockSpec(shape, lambda i: tuple(0 for _ in shape))


_encode = pl.pallas_call(
    _encode_body,
    grid=(GRID,),
    in_specs=[
        pl.BlockSpec((1, 1, R), lambda i: (i, 0, 0)),
        pl.BlockSpec((1, 1, R), lambda i: (i, 0, 0)),
        _full((G, NEMB)),
        _full((NBLK, NEMB)),
        _full((2 * NEMB, NEMB)),
        _full((1, NEMB)),
        _full((NEMB, NEMB)),
        _full((1, NEMB)),
        _full((NSTEM, NEMB)),
    ],
    out_specs=[
        pl.BlockSpec((R, NEMB), lambda i: (i, 0)),
        pl.BlockSpec((R, NSTEM), lambda i: (i, 0)),
    ],
    out_shape=[
        jax.ShapeDtypeStruct((N, NEMB), jnp.float32),
        jax.ShapeDtypeStruct((NP, NSTEM), jnp.float32),
    ],
)

_WSPECS = [
    _full((NSTEM, NEMB)),
    _full((NEMB, NEMB)),
    _full((1, NEMB)),
    _full((3 * NEMB, NEMB)),
    _full((3 * NEMB, NEMB)),
    _full((3, NEMB)),
    _full((3, NEMB)),
]

_QSPEC = pl.BlockSpec((NC, R, QCOLS), lambda i: (0, i, 0))

_step_first = pl.pallas_call(
    _step_first_body,
    grid=(GRID,),
    in_specs=[pl.BlockSpec((R, NEMB), lambda i: (i, 0)), _QSPEC] + _WSPECS,
    out_specs=[
        pl.BlockSpec((R, NEMB), lambda i: (i, 0)),
        pl.BlockSpec((R, NSTEM), lambda i: (i, 0)),
        pl.BlockSpec((R, 1), lambda i: (i, 0)),
    ],
    out_shape=[
        jax.ShapeDtypeStruct((N, NEMB), jnp.float32),
        jax.ShapeDtypeStruct((NP, NSTEM), jnp.float32),
        jax.ShapeDtypeStruct((N, 1), jnp.float32),
    ],
)

_step_rest = pl.pallas_call(
    _step_rest_body,
    grid=(GRID,),
    in_specs=[
        pl.BlockSpec((R, NEMB), lambda i: (i, 0)),
        _QSPEC,
        pl.BlockSpec((R, 1), lambda i: (i, 0)),
    ] + _WSPECS,
    out_specs=[
        pl.BlockSpec((R, NEMB), lambda i: (i, 0)),
        pl.BlockSpec((R, NSTEM), lambda i: (i, 0)),
    ],
    out_shape=[
        jax.ShapeDtypeStruct((N, NEMB), jnp.float32),
        jax.ShapeDtypeStruct((NP, NSTEM), jnp.float32),
    ],
)

_step_last = pl.pallas_call(
    _step_last_body,
    grid=(GRID,),
    in_specs=[
        pl.BlockSpec((R, NEMB), lambda i: (i, 0)),
        _QSPEC,
        pl.BlockSpec((R, 1), lambda i: (i, 0)),
        pl.BlockSpec((1, 1, R), lambda i: (i, 0, 0)),
    ] + _WSPECS,
    out_specs=pl.BlockSpec((G, NEMB), lambda i: (0, 0)),
    out_shape=jax.ShapeDtypeStruct((G, NEMB), jnp.float32),
    scratch_shapes=[pltpu.VMEM((G, NEMB + 1), jnp.float32)],
)



def _make_sc_edge(with_deg):
    def body(p_hbm, gidx_hbm, sidx_hbm, didx_hbm, zeros_hbm, out_hbm,
             gi_v, si_v, di_v, vals_v, ones_v, stage_v, zst_v, psh, qsh,
             isem, gsem, ssem):
        c = lax.axis_index("c")
        s = lax.axis_index("s")
        w = c * NS + s
        pltpu.async_copy(gidx_hbm.at[w], gi_v, isem.at[0])
        pltpu.async_copy(sidx_hbm.at[w], si_v, isem.at[1])
        if with_deg:
            pltpu.async_copy(didx_hbm.at[w], di_v, isem.at[2])
            for i in range(CL // 16):
                ones_v[pl.ds(16 * i, 16)] = jnp.full((16,), 1.0, jnp.float32)
        pltpu.async_copy(p_hbm.at[pl.ds(s * PTS, PTS)],
                         stage_v.at[pl.ds(0, PTS)], isem.at[3])
        pltpu.async_copy(zeros_hbm.at[pl.ds(s * QS, QS)], zst_v, isem.at[4])
        pltpu.make_async_copy(p_hbm.at[pl.ds(s * PTS, PTS)],
                              stage_v.at[pl.ds(0, PTS)], isem.at[3]).wait()
        pltpu.sync_copy(stage_v.at[pl.ds(0, PTS)], psh.at[pl.ds(s * PTS, PTS)])
        pltpu.make_async_copy(zeros_hbm.at[pl.ds(s * QS, QS)], zst_v,
                              isem.at[4]).wait()
        pltpu.sync_copy(zst_v, qsh.at[pl.ds(s * QS, QS)])
        pltpu.make_async_copy(gidx_hbm.at[w], gi_v, isem.at[0]).wait()
        if with_deg:
            pltpu.make_async_copy(didx_hbm.at[w], di_v, isem.at[2]).wait()
        plsc.subcore_barrier()

        def gfire(j, carry):
            pltpu.async_copy(psh.at[gi_v.at[j]], vals_v.at[j], gsem)
            return carry

        lax.fori_loop(0, CHUNKS, gfire, 0)
        pltpu.make_async_copy(sidx_hbm.at[w], si_v, isem.at[1]).wait()
        if with_deg:
            def dscat(j, carry):
                pltpu.async_copy(ones_v, qsh.at[di_v.at[j]], ssem, add=True)
                return carry

            lax.fori_loop(0, CHUNKS, dscat, 0)

        def gdrain(j, carry):
            pltpu.make_async_copy(psh.at[gi_v.at[0]], vals_v.at[0],
                                  gsem).wait()
            return carry

        lax.fori_loop(0, CHUNKS, gdrain, 0)

        def sfire(j, carry):
            pltpu.async_copy(vals_v.at[j], qsh.at[si_v.at[j]], ssem, add=True)
            return carry

        lax.fori_loop(0, CHUNKS, sfire, 0)

        n_drain = 2 * CHUNKS if with_deg else CHUNKS

        def sdrain(j, carry):
            pltpu.make_async_copy(vals_v.at[0], qsh.at[si_v.at[0]],
                                  ssem).wait()
            return carry

        lax.fori_loop(0, n_drain, sdrain, 0)
        plsc.subcore_barrier()
        pltpu.sync_copy(qsh.at[pl.ds(s * QS, QS)], stage_v)
        pltpu.sync_copy(stage_v, out_hbm.at[pl.ds(c * QSIZE + s * QS, QS)])

    return pl.kernel(
        body,
        out_type=jax.ShapeDtypeStruct((NC * QSIZE,), jnp.float32),
        mesh=plsc.VectorSubcoreMesh(core_axis_name="c", subcore_axis_name="s",
                                    num_cores=NC, num_subcores=NS),
        scratch_types=[
            pltpu.VMEM((CHUNKS, CL), jnp.int32),
            pltpu.VMEM((CHUNKS, CL), jnp.int32),
            pltpu.VMEM((CHUNKS, CL), jnp.int32),
            pltpu.VMEM((CHUNKS, CL), jnp.float32),
            pltpu.VMEM((CL,), jnp.float32),
            pltpu.VMEM((QS,), jnp.float32),
            pltpu.VMEM((QS,), jnp.float32),
            pltpu.VMEM_SHARED((PFLAT,), jnp.float32),
            pltpu.VMEM_SHARED((QSIZE,), jnp.float32),
            pltpu.SemaphoreType.DMA((5,)),
            pltpu.SemaphoreType.DMA,
            pltpu.SemaphoreType.DMA,
        ],
    )


_sc_edge_first = _make_sc_edge(True)
_sc_edge_rest = _make_sc_edge(False)



def kernel(x, edge_index, edge_attr, batch, vec_data, block_emb, bond_emb,
           W1, b1, W2, b2, conv_root, conv_bias, W_ih, W_hh, b_ih, b_hh):
    x3 = x.astype(jnp.int32).reshape(GRID, 1, R)
    batch3 = batch.astype(jnp.int32).reshape(GRID, 1, R)
    src = edge_index[0].astype(jnp.int32)
    dst = edge_index[1].astype(jnp.int32)
    a0 = edge_attr[:, 0].astype(jnp.int32)
    a1 = edge_attr[:, 1].astype(jnp.int32)

    pad = EPAD - E
    gidx = jnp.concatenate([src * NSTEM + a0, jnp.zeros((pad,), jnp.int32)])
    sidx = jnp.concatenate([dst * QCOLS + a1,
                            jnp.full((pad,), N * QCOLS, jnp.int32)])
    didx = jnp.concatenate([dst * QCOLS + NSTEM,
                            jnp.full((pad,), N * QCOLS + 1, jnp.int32)])
    gidx = gidx.reshape(NW, CHUNKS, CL)
    sidx = sidx.reshape(NW, CHUNKS, CL)
    didx = didx.reshape(NW, CHUNKS, CL)
    zeros = jnp.zeros((QSIZE,), jnp.float32)

    b1r = b1.reshape(1, NEMB)
    b2r = b2.reshape(1, NEMB)
    cbr = conv_bias.reshape(1, NEMB)
    bihr = b_ih.reshape(3, NEMB)
    bhhr = b_hh.reshape(3, NEMB)

    wargs = (bond_emb, conv_root, cbr, W_ih, W_hh, bihr, bhhr)
    out, P = _encode(x3, batch3, vec_data, block_emb, W1, b1r, W2, b2r,
                     bond_emb)
    qraw = _sc_edge_first(P.reshape(PFLAT), gidx, sidx, didx, zeros)
    out, P, dinv = _step_first(out, qraw.reshape(NC, NQ, QCOLS), *wargs)
    qraw = _sc_edge_rest(P.reshape(PFLAT), gidx, sidx, didx, zeros)
    out, P = _step_rest(out, qraw.reshape(NC, NQ, QCOLS), dinv, *wargs)
    qraw = _sc_edge_rest(P.reshape(PFLAT), gidx, sidx, didx, zeros)
    return _step_last(out, qraw.reshape(NC, NQ, QCOLS), dinv, batch3, *wargs)

# --- scband reference (transcript-rebuilt; emitter-appended) ---
"""Pipeline reference for scband-state-embedding-net-65429531787467 (READ-ONLY COPY).

The authoritative reference and input builder live on the scoring server;
editing this copy changes nothing except your own understanding.
"""

import jax, jax.numpy as jnp
import numpy as np

NEMB = 32
NVEC = 32
NUM_CONV_STEPS = 3
N_NODES = 10000
N_EDGES = 160000
N_GRAPHS = 512
NUM_TRUE_BLOCKS = 105
NUM_STEM_TYPES = 20


def setup_inputs(seed: int = 0) -> dict:
    key = jax.random.key(seed)
    ks = jax.random.split(key, 20)
    s = 0.1
    x = jax.random.randint(ks[0], (N_NODES,), 0, NUM_TRUE_BLOCKS + 1)
    edge_index = jax.random.randint(ks[1], (2, N_EDGES), 0, N_NODES)
    edge_attr = jax.random.randint(ks[2], (N_EDGES, 2), 0, NUM_STEM_TYPES)
    batch = jnp.sort(jax.random.randint(ks[3], (N_NODES,), 0, N_GRAPHS))
    vec_data = jax.random.normal(ks[4], (N_GRAPHS, NVEC), dtype=jnp.float32)
    params = {
        'block_emb': jax.random.normal(ks[5], (NUM_TRUE_BLOCKS + 1, NEMB), dtype=jnp.float32) * s,
        'bond_emb': jax.random.normal(ks[6], (NUM_STEM_TYPES, NEMB), dtype=jnp.float32) * s,
        'W1': jax.random.normal(ks[7], (NEMB + NVEC, NEMB), dtype=jnp.float32) * s,
        'b1': jnp.zeros((NEMB,), dtype=jnp.float32),
        'W2': jax.random.normal(ks[8], (NEMB, NEMB), dtype=jnp.float32) * s,
        'b2': jnp.zeros((NEMB,), dtype=jnp.float32),
        'conv_root': jax.random.normal(ks[9], (NEMB, NEMB), dtype=jnp.float32) * s,
        'conv_bias': jnp.zeros((NEMB,), dtype=jnp.float32),
        'W_ih': jax.random.normal(ks[10], (3 * NEMB, NEMB), dtype=jnp.float32) * s,
        'W_hh': jax.random.normal(ks[11], (3 * NEMB, NEMB), dtype=jnp.float32) * s,
        'b_ih': jnp.zeros((3 * NEMB,), dtype=jnp.float32),
        'b_hh': jnp.zeros((3 * NEMB,), dtype=jnp.float32),
    }
    out = {'x': x, 'edge_index': edge_index, 'edge_attr': edge_attr, 'batch': batch, 'vec_data': vec_data}
    out.update(params)
    return out


def _gru_cell(xt, ht, W_ih, W_hh, b_ih, b_hh):
    gi = xt @ W_ih.T + b_ih
    gh = ht @ W_hh.T + b_hh
    i_r, i_z, i_n = jnp.split(gi, 3, axis=1)
    h_r, h_z, h_n = jnp.split(gh, 3, axis=1)
    r = jax.nn.sigmoid(i_r + h_r)
    z = jax.nn.sigmoid(i_z + h_z)
    n = jnp.tanh(i_n + r * h_n)
    return (1.0 - z) * n + z * ht


def reference(x, edge_index, edge_attr, batch, vec_data, block_emb, bond_emb, W1, b1, W2, b2, conv_root, conv_bias, W_ih, W_hh, b_ih, b_hh):
    N = x.shape[0]
    E = edge_index.shape[1]
    # embeddings (gather)
    hx = jnp.take(block_emb, x, axis=0)                      # [N, nemb]
    be = jnp.take(bond_emb, edge_attr, axis=0)               # [E, 2, nemb]
    ea = (be[:, 0][:, :, None] * be[:, 1][:, None, :]).reshape(E, NEMB * NEMB)
    # v1: concat per-graph conditioning vector gathered by batch id
    batch_vec = jnp.take(vec_data, batch, axis=0)            # [N, nvec]
    out = jnp.concatenate([hx, batch_vec], axis=1)
    out = jax.nn.leaky_relu(out @ W1 + b1)
    out = out @ W2 + b2
    h = out
    src = edge_index[0]
    dst = edge_index[1]
    W_e = ea.reshape(E, NEMB, NEMB)
    deg = jax.ops.segment_sum(jnp.ones((E,), jnp.float32), dst, num_segments=N)
    deg = jnp.maximum(deg, 1.0)
    for _ in range(NUM_CONV_STEPS):
        msg = jnp.einsum('ed,edf->ef', jnp.take(out, src, axis=0), W_e)   # per-edge matvec
        aggr = jax.ops.segment_sum(msg, dst, num_segments=N) / deg[:, None]  # mean aggr
        m = jax.nn.leaky_relu(out @ conv_root + aggr + conv_bias)
        h = _gru_cell(m, h, W_ih, W_hh, b_ih, b_hh)
        out = h
    counts = jax.ops.segment_sum(jnp.ones((N,), jnp.float32), batch, num_segments=N_GRAPHS)
    sums = jax.ops.segment_sum(out, batch, num_segments=N_GRAPHS)
    return sums / jnp.maximum(counts, 1.0)[:, None]

if __name__ == "__main__":
    import jax
    _d = setup_inputs()
    print(jax.jit(kernel)(*tuple(_d.values())))

</pallas_src>

<mosaic_0001>
#map = affine_map<(d0, d1) -> (0)>
#map1 = affine_map<(d0, d1) -> (0, 0, 0)>
module attributes {stable_mosaic.version = 14 : i64} {
  func.func @body(%arg0: i32, %arg1: i32, %arg2: memref<200320xf32, #tpu.memory_space<hbm>>, %arg3: memref<32x40x128xi32, #tpu.memory_space<hbm>>, %arg4: memref<32x40x128xi32, #tpu.memory_space<hbm>>, %arg5: memref<32x40x128xi32, #tpu.memory_space<hbm>>, %arg6: memref<212352xf32, #tpu.memory_space<hbm>>, %arg7: memref<424704xf32, #tpu.memory_space<hbm>>, %arg8: memref<40x128xi32, #tpu.memory_space<vmem>>, %arg9: memref<40x128xi32, #tpu.memory_space<vmem>>, %arg10: memref<40x128xi32, #tpu.memory_space<vmem>>, %arg11: memref<40x128xf32, #tpu.memory_space<vmem>>, %arg12: memref<128xf32, #tpu.memory_space<vmem>>, %arg13: memref<13272xf32, #tpu.memory_space<vmem>>, %arg14: memref<13272xf32, #tpu.memory_space<vmem>>, %arg15: memref<200320xf32, #tpu.memory_space<vmem_shared>>, %arg16: memref<212352xf32, #tpu.memory_space<vmem_shared>>, %arg17: memref<5x!tpu.dma_semaphore, #tpu.memory_space<semaphore_mem>>, %arg18: memref<!tpu.dma_semaphore, #tpu.memory_space<semaphore_mem>>, %arg19: memref<!tpu.dma_semaphore, #tpu.memory_space<semaphore_mem>>) attributes {dimension_semantics = [#tpu.dimension_semantics<core_parallel>, #tpu.dimension_semantics<subcore_parallel>], iteration_bounds = array<i64: 2, 16>, scalar_prefetch = 0 : i64, scratch_operands = 12 : i64, tpu.core_type = #tpu.core_type<sc_vector_subcore>, window_params = [{transform_indices = #map}, {transform_indices = #map1}, {transform_indices = #map1}, {transform_indices = #map1}, {transform_indices = #map}, {transform_indices = #map}]} {
    %mul3A = arith.constant 16 : i32
    %mul3A_0 = arith.muli %arg0, %mul3A : i32
    %add3A = arith.addi %mul3A_0, %arg1 : i32
    %dma_start3A = arith.constant 0 : i32
    %dma_start3A_1 = arith.constant 0 : i32
    %dma_start3A_2 = arith.constant 0 : i32
    %dma_start3A_3 = tpu.memref_slice %arg3[%add3A, %dma_start3A_1, %dma_start3A_2] : memref<32x40x128xi32, #tpu.memory_space<hbm>> -> memref<1x40x128xi32, #tpu.memory_space<hbm>>
    %dma_start3A_4 = tpu.memref_squeeze %dma_start3A_3 : memref<1x40x128xi32, #tpu.memory_space<hbm>> -> memref<40x128xi32, #tpu.memory_space<hbm>>
    %dma_start3A_5 = tpu.memref_slice %arg17[%dma_start3A] : memref<5x!tpu.dma_semaphore, #tpu.memory_space<semaphore_mem>> -> memref<1x!tpu.dma_semaphore, #tpu.memory_space<semaphore_mem>>
    %dma_start3A_6 = tpu.memref_squeeze %dma_start3A_5 : memref<1x!tpu.dma_semaphore, #tpu.memory_space<semaphore_mem>> -> memref<!tpu.dma_semaphore, #tpu.memory_space<semaphore_mem>>
    %dma_start3A_7 = arith.constant 0 : i32
    %dma_start3A_8 = arith.constant 0 : i32
    %dma_start3A_9 = tpu.memref_slice %arg3[%add3A, %dma_start3A_7, %dma_start3A_8] : memref<32x40x128xi32, #tpu.memory_space<hbm>> -> memref<1x40x128xi32, #tpu.memory_space<hbm>>
    %dma_start3A_10 = tpu.memref_squeeze %dma_start3A_9 : memref<1x40x128xi32, #tpu.memory_space<hbm>> -> memref<40x128xi32, #tpu.memory_space<hbm>>
    tpu.enqueue_dma source(%dma_start3A_10 : memref<40x128xi32, #tpu.memory_space<hbm>>) target(%arg8 : memref<40x128xi32, #tpu.memory_space<vmem>>) target_semaphore(%dma_start3A_6 : memref<!tpu.dma_semaphore, #tpu.memory_space<semaphore_mem>>)
    %dma_start3A_11 = arith.constant 1 : i32
    %dma_start3A_12 = arith.constant 0 : i32
    %dma_start3A_13 = arith.constant 0 : i32
    %dma_start3A_14 = tpu.memref_slice %arg4[%add3A, %dma_start3A_12, %dma_start3A_13] : memref<32x40x128xi32, #tpu.memory_space<hbm>> -> memref<1x40x128xi32, #tpu.memory_space<hbm>>
    %dma_start3A_15 = tpu.memref_squeeze %dma_start3A_14 : memref<1x40x128xi32, #tpu.memory_space<hbm>> -> memref<40x128xi32, #tpu.memory_space<hbm>>
    %dma_start3A_16 = tpu.memref_slice %arg17[%dma_start3A_11] : memref<5x!tpu.dma_semaphore, #tpu.memory_space<semaphore_mem>> -> memref<1x!tpu.dma_semaphore, #tpu.memory_space<semaphore_mem>>
    %dma_start3A_17 = tpu.memref_squeeze %dma_start3A_16 : memref<1x!tpu.dma_semaphore, #tpu.memory_space<semaphore_mem>> -> memref<!tpu.dma_semaphore, #tpu.memory_space<semaphore_mem>>
    %dma_start3A_18 = arith.constant 0 : i32
    %dma_start3A_19 = arith.constant 0 : i32
    %dma_start3A_20 = tpu.memref_slice %arg4[%add3A, %dma_start3A_18, %dma_start3A_19] : memref<32x40x128xi32, #tpu.memory_space<hbm>> -> memref<1x40x128xi32, #tpu.memory_space<hbm>>
    %dma_start3A_21 = tpu.memref_squeeze %dma_start3A_20 : memref<1x40x128xi32, #tpu.memory_space<hbm>> -> memref<40x128xi32, #tpu.memory_space<hbm>>
    tpu.enqueue_dma source(%dma_start3A_21 : memref<40x128xi32, #tpu.memory_space<hbm>>) target(%arg9 : memref<40x128xi32, #tpu.memory_space<vmem>>) target_semaphore(%dma_start3A_17 : memref<!tpu.dma_semaphore, #tpu.memory_space<semaphore_mem>>)
    %mul3A_22 = arith.constant 12520 : i32
    %mul3A_23 = arith.muli %arg1, %mul3A_22 : i32
    %dma_start3A_24 = arith.constant 3 : i32
    %dma_start3A_25 = arith.constant 0 : i32
    %dma_start3A_26 = tpu.memref_slice %arg13[%dma_start3A_25] : memref<13272xf32, #tpu.memory_space<vmem>> -> memref<12520xf32, #tpu.memory_space<vmem>>
    %dma_start3A_27 = tpu.memref_slice %arg2[%mul3A_23] : memref<200320xf32, #tpu.memory_space<hbm>> -> memref<12520xf32, #tpu.memory_space<hbm>>
    %dma_start3A_28 = tpu.memref_slice %arg17[%dma_start3A_24] : memref<5x!tpu.dma_semaphore, #tpu.memory_space<semaphore_mem>> -> memref<1x!tpu.dma_semaphore, #tpu.memory_space<semaphore_mem>>
    %dma_start3A_29 = tpu.memref_squeeze %dma_start3A_28 : memref<1x!tpu.dma_semaphore, #tpu.memory_space<semaphore_mem>> -> memref<!tpu.dma_semaphore, #tpu.memory_space<semaphore_mem>>
    %dma_start3A_30 = arith.constant 0 : i32
    %dma_start3A_31 = tpu.memref_slice %arg13[%dma_start3A_30] : memref<13272xf32, #tpu.memory_space<vmem>> -> memref<12520xf32, #tpu.memory_space<vmem>>
    %dma_start3A_32 = tpu.memref_slice %arg2[%mul3A_23] : memref<200320xf32, #tpu.memory_space<hbm>> -> memref<12520xf32, #tpu.memory_space<hbm>>
    tpu.enqueue_dma source(%dma_start3A_32 : memref<12520xf32, #tpu.memory_space<hbm>>) target(%dma_start3A_31 : memref<12520xf32, #tpu.memory_space<vmem>>) target_semaphore(%dma_start3A_29 : memref<!tpu.dma_semaphore, #tpu.memory_space<semaphore_mem>>)
    %mul3A_33 = arith.constant 13272 : i32
    %mul3A_34 = arith.muli %arg1, %mul3A_33 : i32
    %dma_start3A_35 = arith.constant 4 : i32
    %dma_start3A_36 = tpu.memref_slice %arg6[%mul3A_34] : memref<212352xf32, #tpu.memory_space<hbm>> -> memref<13272xf32, #tpu.memory_space<hbm>>
    %dma_start3A_37 = tpu.memref_slice %arg17[%dma_start3A_35] : memref<5x!tpu.dma_semaphore, #tpu.memory_space<semaphore_mem>> -> memref<1x!tpu.dma_semaphore, #tpu.memory_space<semaphore_mem>>
    %dma_start3A_38 = tpu.memref_squeeze %dma_start3A_37 : memref<1x!tpu.dma_semaphore, #tpu.memory_space<semaphore_mem>> -> memref<!tpu.dma_semaphore, #tpu.memory_space<semaphore_mem>>
    %dma_start3A_39 = tpu.memref_slice %arg6[%mul3A_34] : memref<212352xf32, #tpu.memory_space<hbm>> -> memref<13272xf32, #tpu.memory_space<hbm>>
    tpu.enqueue_dma source(%dma_start3A_39 : memref<13272xf32, #tpu.memory_space<hbm>>) target(%arg14 : memref<13272xf32, #tpu.memory_space<vmem>>) target_semaphore(%dma_start3A_38 : memref<!tpu.dma_semaphore, #tpu.memory_space<semaphore_mem>>)
    %mul3A_40 = arith.constant 12520 : i32
    %mul3A_41 = arith.muli %arg1, %mul3A_40 : i32
    %dma_wait3A = arith.constant 3 : i32
    %dma_wait3A_42 = arith.constant 0 : i32
    %dma_wait3A_43 = tpu.memref_slice %arg13[%dma_wait3A_42] : memref<13272xf32, #tpu.memory_space<vmem>> -> memref<12520xf32, #tpu.memory_space<vmem>>
    %dma_wait3A_44 = tpu.memref_slice %arg2[%mul3A_41] : memref<200320xf32, #tpu.memory_space<hbm>> -> memref<12520xf32, #tpu.memory_space<hbm>>
    %dma_wait3A_45 = tpu.memref_slice %arg17[%dma_wait3A] : memref<5x!tpu.dma_semaphore, #tpu.memory_space<semaphore_mem>> -> memref<1x!tpu.dma_semaphore, #tpu.memory_space<semaphore_mem>>
    %dma_wait3A_46 = tpu.memref_squeeze %dma_wait3A_45 : memref<1x!tpu.dma_semaphore, #tpu.memory_space<semaphore_mem>> -> memref<!tpu.dma_semaphore, #tpu.memory_space<semaphore_mem>>
    %dma_wait3A_47 = arith.constant 0 : i32
    %dma_wait3A_48 = tpu.memref_slice %arg13[%dma_wait3A_47] : memref<13272xf32, #tpu.memory_space<vmem>> -> memref<12520xf32, #tpu.memory_space<vmem>>
    %dma_wait3A_49 = tpu.memref_slice %arg2[%mul3A_41] : memref<200320xf32, #tpu.memory_space<hbm>> -> memref<12520xf32, #tpu.memory_space<hbm>>
    tpu.wait_dma2 semaphore(%dma_wait3A_46 : memref<!tpu.dma_semaphore, #tpu.memory_space<semaphore_mem>>) src(%dma_wait3A_49 : memref<12520xf32, #tpu.memory_space<hbm>>) dst(%dma_wait3A_48 : memref<12520xf32, #tpu.memory_space<vmem>>)
    %mul3A_50 = arith.constant 12520 : i32
    %mul3A_51 = arith.muli %arg1, %mul3A_50 : i32
    "tpu.region"() ({
      %run_scoped3A = tpu.sem_alloc : memref<!tpu.dma_semaphore, #tpu.memory_space<semaphore_mem>>
      %dma_start3A_114 = arith.constant 0 : i32
      %dma_start3A_115 = tpu.memref_slice %arg13[%dma_start3A_114] : memref<13272xf32, #tpu.memory_space<vmem>> -> memref<12520xf32, #tpu.memory_space<vmem>>
      %dma_start3A_116 = tpu.memref_slice %arg15[%mul3A_51] : memref<200320xf32, #tpu.memory_space<vmem_shared>> -> memref<12520xf32, #tpu.memory_space<vmem_shared>>
      %dma_start3A_117 = tpu.memref_slice %arg15[%mul3A_51] : memref<200320xf32, #tpu.memory_space<vmem_shared>> -> memref<12520xf32, #tpu.memory_space<vmem_shared>>
      %dma_start3A_118 = arith.constant 0 : i32
      %dma_start3A_119 = tpu.memref_slice %arg13[%dma_start3A_118] : memref<13272xf32, #tpu.memory_space<vmem>> -> memref<12520xf32, #tpu.memory_space<vmem>>
      tpu.enqueue_dma source(%dma_start3A_119 : memref<12520xf32, #tpu.memory_space<vmem>>) target(%dma_start3A_117 : memref<12520xf32, #tpu.memory_space<vmem_shared>>) target_semaphore(%run_scoped3A : memref<!tpu.dma_semaphore, #tpu.memory_space<semaphore_mem>>)
      %dma_wait3A_120 = arith.constant 0 : i32
      %dma_wait3A_121 = tpu.memref_slice %arg13[%dma_wait3A_120] : memref<13272xf32, #tpu.memory_space<vmem>> -> memref<12520xf32, #tpu.memory_space<vmem>>
      %dma_wait3A_122 = tpu.memref_slice %arg15[%mul3A_51] : memref<200320xf32, #tpu.memory_space<vmem_shared>> -> memref<12520xf32, #tpu.memory_space<vmem_shared>>
      %dma_wait3A_123 = tpu.memref_slice %arg15[%mul3A_51] : memref<200320xf32, #tpu.memory_space<vmem_shared>> -> memref<12520xf32, #tpu.memory_space<vmem_shared>>
      %dma_wait3A_124 = arith.constant 0 : i32
      %dma_wait3A_125 = tpu.memref_slice %arg13[%dma_wait3A_124] : memref<13272xf32, #tpu.memory_space<vmem>> -> memref<12520xf32, #tpu.memory_space<vmem>>
      tpu.wait_dma2 semaphore(%run_scoped3A : memref<!tpu.dma_semaphore, #tpu.memory_space<semaphore_mem>>) src(%dma_wait3A_125 : memref<12520xf32, #tpu.memory_space<vmem>>) dst(%dma_wait3A_123 : memref<12520xf32, #tpu.memory_space<vmem_shared>>)
      tpu.yield
    }) : () -> ()
    %mul3A_52 = arith.constant 13272 : i32
    %mul3A_53 = arith.muli %arg1, %mul3A_52 : i32
    %dma_wait3A_54 = arith.constant 4 : i32
    %dma_wait3A_55 = tpu.memref_slice %arg6[%mul3A_53] : memref<212352xf32, #tpu.memory_space<hbm>> -> memref<13272xf32, #tpu.memory_space<hbm>>
    %dma_wait3A_56 = tpu.memref_slice %arg17[%dma_wait3A_54] : memref<5x!tpu.dma_semaphore, #tpu.memory_space<semaphore_mem>> -> memref<1x!tpu.dma_semaphore, #tpu.memory_space<semaphore_mem>>
    %dma_wait3A_57 = tpu.memref_squeeze %dma_wait3A_56 : memref<1x!tpu.dma_semaphore, #tpu.memory_space<semaphore_mem>> -> memref<!tpu.dma_semaphore, #tpu.memory_space<semaphore_mem>>
    %dma_wait3A_58 = tpu.memref_slice %arg6[%mul3A_53] : memref<212352xf32, #tpu.memory_space<hbm>> -> memref<13272xf32, #tpu.memory_space<hbm>>
    tpu.wait_dma2 semaphore(%dma_wait3A_57 : memref<!tpu.dma_semaphore, #tpu.memory_space<semaphore_mem>>) src(%dma_wait3A_58 : memref<13272xf32, #tpu.memory_space<hbm>>) dst(%arg14 : memref<13272xf32, #tpu.memory_space<vmem>>)
    %mul3A_59 = arith.constant 13272 : i32
    %mul3A_60 = arith.muli %arg1, %mul3A_59 : i32
    "tpu.region"() ({
      %run_scoped3A = tpu.sem_alloc : memref<!tpu.dma_semaphore, #tpu.memory_space<semaphore_mem>>
      %dma_start3A_114 = tpu.memref_slice %arg16[%mul3A_60] : memref<212352xf32, #tpu.memory_space<vmem_shared>> -> memref<13272xf32, #tpu.memory_space<vmem_shared>>
      %dma_start3A_115 = tpu.memref_slice %arg16[%mul3A_60] : memref<212352xf32, #tpu.memory_space<vmem_shared>> -> memref<13272xf32, #tpu.memory_space<vmem_shared>>
      tpu.enqueue_dma source(%arg14 : memref<13272xf32, #tpu.memory_space<vmem>>) target(%dma_start3A_115 : memref<13272xf32, #tpu.memory_space<vmem_shared>>) target_semaphore(%run_scoped3A : memref<!tpu.dma_semaphore, #tpu.memory_space<semaphore_mem>>)
      %dma_wait3A_116 = tpu.memref_slice %arg16[%mul3A_60] : memref<212352xf32, #tpu.memory_space<vmem_shared>> -> memref<13272xf32, #tpu.memory_space<vmem_shared>>
      %dma_wait3A_117 = tpu.memref_slice %arg16[%mul3A_60] : memref<212352xf32, #tpu.memory_space<vmem_shared>> -> memref<13272xf32, #tpu.memory_space<vmem_shared>>
      tpu.wait_dma2 semaphore(%run_scoped3A : memref<!tpu.dma_semaphore, #tpu.memory_space<semaphore_mem>>) src(%arg14 : memref<13272xf32, #tpu.memory_space<vmem>>) dst(%dma_wait3A_117 : memref<13272xf32, #tpu.memory_space<vmem_shared>>)
      tpu.yield
    }) : () -> ()
    %dma_wait3A_61 = arith.constant 0 : i32
    %dma_wait3A_62 = arith.constant 0 : i32
    %dma_wait3A_63 = arith.constant 0 : i32
    %dma_wait3A_64 = tpu.memref_slice %arg3[%add3A, %dma_wait3A_62, %dma_wait3A_63] : memref<32x40x128xi32, #tpu.memory_space<hbm>> -> memref<1x40x128xi32, #tpu.memory_space<hbm>>
    %dma_wait3A_65 = tpu.memref_squeeze %dma_wait3A_64 : memref<1x40x128xi32, #tpu.memory_space<hbm>> -> memref<40x128xi32, #tpu.memory_space<hbm>>
    %dma_wait3A_66 = tpu.memref_slice %arg17[%dma_wait3A_61] : memref<5x!tpu.dma_semaphore, #tpu.memory_space<semaphore_mem>> -> memref<1x!tpu.dma_semaphore, #tpu.memory_space<semaphore_mem>>
    %dma_wait3A_67 = tpu.memref_squeeze %dma_wait3A_66 : memref<1x!tpu.dma_semaphore, #tpu.memory_space<semaphore_mem>> -> memref<!tpu.dma_semaphore, #tpu.memory_space<semaphore_mem>>
    %dma_wait3A_68 = arith.constant 0 : i32
    %dma_wait3A_69 = arith.constant 0 : i32
    %dma_wait3A_70 = tpu.memref_slice %arg3[%add3A, %dma_wait3A_68, %dma_wait3A_69] : memref<32x40x128xi32, #tpu.memory_space<hbm>> -> memref<1x40x128xi32, #tpu.memory_space<hbm>>
    %dma_wait3A_71 = tpu.memref_squeeze %dma_wait3A_70 : memref<1x40x128xi32, #tpu.memory_space<hbm>> -> memref<40x128xi32, #tpu.memory_space<hbm>>
    tpu.wait_dma2 semaphore(%dma_wait3A_67 : memref<!tpu.dma_semaphore, #tpu.memory_space<semaphore_mem>>) src(%dma_wait3A_71 : memref<40x128xi32, #tpu.memory_space<hbm>>) dst(%arg8 : memref<40x128xi32, #tpu.memory_space<vmem>>)
    %barrier3A = arith.constant 0 : index
    tpu.barrier barrier_id(%barrier3A)
    %scan3A = arith.constant 0 : i32
    %scan3A_72 = arith.constant 0 : i32
    %scan3A_73 = arith.constant 40 : i32
    %scan3A_74 = arith.addi %scan3A_72, %scan3A_73 : i32
    %scan3A_75 = arith.constant 1 : i32
    scf.for %scan3A_114 = %scan3A_72 to %scan3A_74 step %scan3A_75  : i32 {
      %dma_start3A_115 = arith.constant 0 : i32
      %dma_start3A_116 = tpu.memref_slice %arg11[%scan3A_114, %dma_start3A_115] : memref<40x128xf32, #tpu.memory_space<vmem>> -> memref<1x128xf32, #tpu.memory_space<vmem>>
      %dma_start3A_117 = tpu.memref_squeeze %dma_start3A_116 : memref<1x128xf32, #tpu.memory_space<vmem>> -> memref<128xf32, #tpu.memory_space<vmem>>
      %dma_start3A_118 = arith.constant 0 : i32
      %dma_start3A_119 = tpu.memref_slice %arg8[%scan3A_114, %dma_start3A_118] : memref<40x128xi32, #tpu.memory_space<vmem>> -> memref<1x128xi32, #tpu.memory_space<vmem>>
      %dma_start3A_120 = tpu.memref_squeeze %dma_start3A_119 : memref<1x128xi32, #tpu.memory_space<vmem>> -> memref<128xi32, #tpu.memory_space<vmem>>
      %dma_start3A_121 = arith.constant 0 : i32
      %dma_start3A_122 = tpu.memref_slice %arg15[%dma_start3A_121] : memref<200320xf32, #tpu.memory_space<vmem_shared>> -> memref<200320xf32, #tpu.memory_space<vmem_shared>>
      tpu.enqueue_indirect_dma source(%dma_start3A_122 : memref<200320xf32, #tpu.memory_space<vmem_shared>>) target(%dma_start3A_117 : memref<128xf32, #tpu.memory_space<vmem>>) offsets(%dma_start3A_120 : memref<128xi32, #tpu.memory_space<vmem>>) semaphore(%arg18 : memref<!tpu.dma_semaphore, #tpu.memory_space<semaphore_mem>>)
    }
    %scan3A_76 = arith.constant 40 : i32
    %dma_wait3A_77 = arith.constant 1 : i32
    %dma_wait3A_78 = arith.constant 0 : i32
    %dma_wait3A_79 = arith.constant 0 : i32
    %dma_wait3A_80 = tpu.memref_slice %arg4[%add3A, %dma_wait3A_78, %dma_wait3A_79] : memref<32x40x128xi32, #tpu.memory_space<hbm>> -> memref<1x40x128xi32, #tpu.memory_space<hbm>>
    %dma_wait3A_81 = tpu.memref_squeeze %dma_wait3A_80 : memref<1x40x128xi32, #tpu.memory_space<hbm>> -> memref<40x128xi32, #tpu.memory_space<hbm>>
    %dma_wait3A_82 = tpu.memref_slice %arg17[%dma_wait3A_77] : memref<5x!tpu.dma_semaphore, #tpu.memory_space<semaphore_mem>> -> memref<1x!tpu.dma_semaphore, #tpu.memory_space<semaphore_mem>>
    %dma_wait3A_83 = tpu.memref_squeeze %dma_wait3A_82 : memref<1x!tpu.dma_semaphore, #tpu.memory_space<semaphore_mem>> -> memref<!tpu.dma_semaphore, #tpu.memory_space<semaphore_mem>>
    %dma_wait3A_84 = arith.constant 0 : i32
    %dma_wait3A_85 = arith.constant 0 : i32
    %dma_wait3A_86 = tpu.memref_slice %arg4[%add3A, %dma_wait3A_84, %dma_wait3A_85] : memref<32x40x128xi32, #tpu.memory_space<hbm>> -> memref<1x40x128xi32, #tpu.memory_space<hbm>>
    %dma_wait3A_87 = tpu.memref_squeeze %dma_wait3A_86 : memref<1x40x128xi32, #tpu.memory_space<hbm>> -> memref<40x128xi32, #tpu.memory_space<hbm>>
    tpu.wait_dma2 semaphore(%dma_wait3A_83 : memref<!tpu.dma_semaphore, #tpu.memory_space<semaphore_mem>>) src(%dma_wait3A_87 : memref<40x128xi32, #tpu.memory_space<hbm>>) dst(%arg9 : memref<40x128xi32, #tpu.memory_space<vmem>>)
    %scan3A_88 = arith.constant 0 : i32
    %scan3A_89 = arith.constant 0 : i32
    %scan3A_90 = arith.constant 40 : i32
    %scan3A_91 = arith.addi %scan3A_89, %scan3A_90 : i32
    %scan3A_92 = arith.constant 1 : i32
    scf.for %scan3A_114 = %scan3A_89 to %scan3A_91 step %scan3A_92  : i32 {
      %dma_wait3A_115 = arith.constant 0 : i32
      %dma_wait3A_116 = arith.constant 0 : i32
      %dma_wait3A_117 = arith.constant 0 : i32
      %dma_wait3A_118 = tpu.memref_slice %arg11[%dma_wait3A_116, %dma_wait3A_117] : memref<40x128xf32, #tpu.memory_space<vmem>> -> memref<1x128xf32, #tpu.memory_space<vmem>>
      %dma_wait3A_119 = tpu.memref_squeeze %dma_wait3A_118 : memref<1x128xf32, #tpu.memory_space<vmem>> -> memref<128xf32, #tpu.memory_space<vmem>>
      %dma_wait3A_120 = arith.constant 0 : i32
      %dma_wait3A_121 = tpu.memref_slice %arg8[%dma_wait3A_115, %dma_wait3A_120] : memref<40x128xi32, #tpu.memory_space<vmem>> -> memref<1x128xi32, #tpu.memory_space<vmem>>
      %dma_wait3A_122 = tpu.memref_squeeze %dma_wait3A_121 : memref<1x128xi32, #tpu.memory_space<vmem>> -> memref<128xi32, #tpu.memory_space<vmem>>
      %dma_wait3A_123 = arith.constant 0 : i32
      %dma_wait3A_124 = tpu.memref_slice %arg15[%dma_wait3A_123] : memref<200320xf32, #tpu.memory_space<vmem_shared>> -> memref<200320xf32, #tpu.memory_space<vmem_shared>>
      tpu.wait_indirect_dma semaphore(%arg18 : memref<!tpu.dma_semaphore, #tpu.memory_space<semaphore_mem>>) src(%dma_wait3A_124 : memref<200320xf32, #tpu.memory_space<vmem_shared>>) dst(%dma_wait3A_119 : memref<128xf32, #tpu.memory_space<vmem>>)
    }
    %scan3A_93 = arith.constant 40 : i32
    %scan3A_94 = arith.constant 0 : i32
    %scan3A_95 = arith.constant 0 : i32
    %scan3A_96 = arith.constant 40 : i32
    %scan3A_97 = arith.addi %scan3A_95, %scan3A_96 : i32
    %scan3A_98 = arith.constant 1 : i32
    scf.for %scan3A_114 = %scan3A_95 to %scan3A_97 step %scan3A_98  : i32 {
      %dma_start3A_115 = arith.constant 0 : i32
      %dma_start3A_116 = tpu.memref_slice %arg11[%scan3A_114, %dma_start3A_115] : memref<40x128xf32, #tpu.memory_space<vmem>> -> memref<1x128xf32, #tpu.memory_space<vmem>>
      %dma_start3A_117 = tpu.memref_squeeze %dma_start3A_116 : memref<1x128xf32, #tpu.memory_space<vmem>> -> memref<128xf32, #tpu.memory_space<vmem>>
      %dma_start3A_118 = arith.constant 0 : i32
      %dma_start3A_119 = tpu.memref_slice %arg9[%scan3A_114, %dma_start3A_118] : memref<40x128xi32, #tpu.memory_space<vmem>> -> memref<1x128xi32, #tpu.memory_space<vmem>>
      %dma_start3A_120 = tpu.memref_squeeze %dma_start3A_119 : memref<1x128xi32, #tpu.memory_space<vmem>> -> memref<128xi32, #tpu.memory_space<vmem>>
      %dma_start3A_121 = arith.constant 0 : i32
      %dma_start3A_122 = tpu.memref_slice %arg16[%dma_start3A_121] : memref<212352xf32, #tpu.memory_space<vmem_shared>> -> memref<212352xf32, #tpu.memory_space<vmem_shared>>
      tpu.enqueue_indirect_dma source(%dma_start3A_117 : memref<128xf32, #tpu.memory_space<vmem>>) target(%dma_start3A_122 : memref<212352xf32, #tpu.memory_space<vmem_shared>>) offsets(%dma_start3A_120 : memref<128xi32, #tpu.memory_space<vmem>>) semaphore(%arg19 : memref<!tpu.dma_semaphore, #tpu.memory_space<semaphore_mem>>) {add = true}
    }
    %scan3A_99 = arith.constant 40 : i32
    %scan3A_100 = arith.constant 0 : i32
    %scan3A_101 = arith.constant 0 : i32
    %scan3A_102 = arith.constant 40 : i32
    %scan3A_103 = arith.addi %scan3A_101, %scan3A_102 : i32
    %scan3A_104 = arith.constant 1 : i32
    scf.for %scan3A_114 = %scan3A_101 to %scan3A_103 step %scan3A_104  : i32 {
      %dma_wait3A_115 = arith.constant 0 : i32
      %dma_wait3A_116 = arith.constant 0 : i32
      %dma_wait3A_117 = arith.constant 0 : i32
      %dma_wait3A_118 = tpu.memref_slice %arg11[%dma_wait3A_115, %dma_wait3A_117] : memref<40x128xf32, #tpu.memory_space<vmem>> -> memref<1x128xf32, #tpu.memory_space<vmem>>
      %dma_wait3A_119 = tpu.memref_squeeze %dma_wait3A_118 : memref<1x128xf32, #tpu.memory_space<vmem>> -> memref<128xf32, #tpu.memory_space<vmem>>
      %dma_wait3A_120 = arith.constant 0 : i32
      %dma_wait3A_121 = tpu.memref_slice %arg9[%dma_wait3A_116, %dma_wait3A_120] : memref<40x128xi32, #tpu.memory_space<vmem>> -> memref<1x128xi32, #tpu.memory_space<vmem>>
      %dma_wait3A_122 = tpu.memref_squeeze %dma_wait3A_121 : memref<1x128xi32, #tpu.memory_space<vmem>> -> memref<128xi32, #tpu.memory_space<vmem>>
      %dma_wait3A_123 = arith.constant 0 : i32
      %dma_wait3A_124 = tpu.memref_slice %arg16[%dma_wait3A_123] : memref<212352xf32, #tpu.memory_space<vmem_shared>> -> memref<212352xf32, #tpu.memory_space<vmem_shared>>
      tpu.wait_indirect_dma semaphore(%arg19 : memref<!tpu.dma_semaphore, #tpu.memory_space<semaphore_mem>>) src(%dma_wait3A_119 : memref<128xf32, #tpu.memory_space<vmem>>) dst(%dma_wait3A_124 : memref<212352xf32, #tpu.memory_space<vmem_shared>>)
    }
    %scan3A_105 = arith.constant 40 : i32
    %barrier3A_106 = arith.constant 0 : index
    tpu.barrier barrier_id(%barrier3A_106)
    %mul3A_107 = arith.constant 13272 : i32
    %mul3A_108 = arith.muli %arg1, %mul3A_107 : i32
    "tpu.region"() ({
      %run_scoped3A = tpu.sem_alloc : memref<!tpu.dma_semaphore, #tpu.memory_space<semaphore_mem>>
      %dma_start3A_114 = tpu.memref_slice %arg16[%mul3A_108] : memref<212352xf32, #tpu.memory_space<vmem_shared>> -> memref<13272xf32, #tpu.memory_space<vmem_shared>>
      %dma_start3A_115 = tpu.memref_slice %arg16[%mul3A_108] : memref<212352xf32, #tpu.memory_space<vmem_shared>> -> memref<13272xf32, #tpu.memory_space<vmem_shared>>
      tpu.enqueue_dma source(%dma_start3A_115 : memref<13272xf32, #tpu.memory_space<vmem_shared>>) target(%arg13 : memref<13272xf32, #tpu.memory_space<vmem>>) target_semaphore(%run_scoped3A : memref<!tpu.dma_semaphore, #tpu.memory_space<semaphore_mem>>)
      %dma_wait3A_116 = tpu.memref_slice %arg16[%mul3A_108] : memref<212352xf32, #tpu.memory_space<vmem_shared>> -> memref<13272xf32, #tpu.memory_space<vmem_shared>>
      %dma_wait3A_117 = tpu.memref_slice %arg16[%mul3A_108] : memref<212352xf32, #tpu.memory_space<vmem_shared>> -> memref<13272xf32, #tpu.memory_space<vmem_shared>>
      tpu.wait_dma2 semaphore(%run_scoped3A : memref<!tpu.dma_semaphore, #tpu.memory_space<semaphore_mem>>) src(%dma_wait3A_117 : memref<13272xf32, #tpu.memory_space<vmem_shared>>) dst(%arg13 : memref<13272xf32, #tpu.memory_space<vmem>>)
      tpu.yield
    }) : () -> ()
    %mul3A_109 = arith.constant 212352 : i32
    %mul3A_110 = arith.muli %arg0, %mul3A_109 : i32
    %mul3A_111 = arith.constant 13272 : i32
    %mul3A_112 = arith.muli %arg1, %mul3A_111 : i32
    %add3A_113 = arith.addi %mul3A_110, %mul3A_112 : i32
    "tpu.region"() ({
      %run_scoped3A = tpu.sem_alloc : memref<!tpu.dma_semaphore, #tpu.memory_space<semaphore_mem>>
      %dma_start3A_114 = tpu.memref_slice %arg7[%add3A_113] : memref<424704xf32, #tpu.memory_space<hbm>> -> memref<13272xf32, #tpu.memory_space<hbm>>
      %dma_start3A_115 = tpu.memref_slice %arg7[%add3A_113] : memref<424704xf32, #tpu.memory_space<hbm>> -> memref<13272xf32, #tpu.memory_space<hbm>>
      tpu.enqueue_dma source(%arg13 : memref<13272xf32, #tpu.memory_space<vmem>>) target(%dma_start3A_115 : memref<13272xf32, #tpu.memory_space<hbm>>) target_semaphore(%run_scoped3A : memref<!tpu.dma_semaphore, #tpu.memory_space<semaphore_mem>>)
      %dma_wait3A_116 = tpu.memref_slice %arg7[%add3A_113] : memref<424704xf32, #tpu.memory_space<hbm>> -> memref<13272xf32, #tpu.memory_space<hbm>>
      %dma_wait3A_117 = tpu.memref_slice %arg7[%add3A_113] : memref<424704xf32, #tpu.memory_space<hbm>> -> memref<13272xf32, #tpu.memory_space<hbm>>
      tpu.wait_dma2 semaphore(%run_scoped3A : memref<!tpu.dma_semaphore, #tpu.memory_space<semaphore_mem>>) src(%arg13 : memref<13272xf32, #tpu.memory_space<vmem>>) dst(%dma_wait3A_117 : memref<13272xf32, #tpu.memory_space<hbm>>)
      tpu.yield
    }) : () -> ()
    return
  }
}

#map = affine_map<(d0, d1) -> (0)>
#map1 = affine_map<(d0, d1) -> (0, 0, 0)>
module attributes {stable_mosaic.version = 14 : i64} {
  func.func @body(%arg0: i32, %arg1: i32, %arg2: memref<200320xf32, #tpu.memory_space<hbm>>, %arg3: memref<32x40x128xi32, #tpu.memory_space<hbm>>, %arg4: memref<32x40x128xi32, #tpu.memory_space<hbm>>, %arg5: memref<32x40x128xi32, #tpu.memory_space<hbm>>, %arg6: memref<212352xf32, #tpu.memory_space<hbm>>, %arg7: memref<424704xf32, #tpu.memory_space<hbm>>, %arg8: memref<40x128xi32, #tpu.memory_space<vmem>>, %arg9: memref<40x128xi32, #tpu.memory_space<vmem>>, %arg10: memref<40x128xi32, #tpu.memory_space<vmem>>, %arg11: memref<40x128xf32, #tpu.memory_space<vmem>>, %arg12: memref<128xf32, #tpu.memory_space<vmem>>, %arg13: memref<13272xf32, #tpu.memory_space<vmem>>, %arg14: memref<13272xf32, #tpu.memory_space<vmem>>, %arg15: memref<200320xf32, #tpu.memory_space<vmem_shared>>, %arg16: memref<212352xf32, #tpu.memory_space<vmem_shared>>, %arg17: memref<5x!tpu.dma_semaphore, #tpu.memory_space<semaphore_mem>>, %arg18: memref<!tpu.dma_semaphore, #tpu.memory_space<semaphore_mem>>, %arg19: memref<!tpu.dma_semaphore, #tpu.memory_space<semaphore_mem>>) attributes {dimension_semantics = [#tpu.dimension_semantics<core_parallel>, #tpu.dimension_semantics<subcore_parallel>], iteration_bounds = array<i64: 2, 16>, scalar_prefetch = 0 : i64, scratch_operands = 12 : i64, tpu.core_type = #tpu.core_type<sc_vector_subcore>, window_params = [{transform_indices = #map}, {transform_indices = #map1}, {transform_indices = #map1}, {transform_indices = #map1}, {transform_indices = #map}, {transform_indices = #map}]} {
    %mul3A = arith.constant 16 : i32
    %mul3A_0 = arith.muli %arg0, %mul3A : i32
    %add3A = arith.addi %mul3A_0, %arg1 : i32
    %dma_start3A = arith.constant 0 : i32
    %dma_start3A_1 = arith.constant 0 : i32
    %dma_start3A_2 = arith.constant 0 : i32
    %dma_start3A_3 = tpu.memref_slice %arg3[%add3A, %dma_start3A_1, %dma_start3A_2] : memref<32x40x128xi32, #tpu.memory_space<hbm>> -> memref<1x40x128xi32, #tpu.memory_space<hbm>>
    %dma_start3A_4 = tpu.memref_squeeze %dma_start3A_3 : memref<1x40x128xi32, #tpu.memory_space<hbm>> -> memref<40x128xi32, #tpu.memory_space<hbm>>
    %dma_start3A_5 = tpu.memref_slice %arg17[%dma_start3A] : memref<5x!tpu.dma_semaphore, #tpu.memory_space<semaphore_mem>> -> memref<1x!tpu.dma_semaphore, #tpu.memory_space<semaphore_mem>>
    %dma_start3A_6 = tpu.memref_squeeze %dma_start3A_5 : memref<1x!tpu.dma_semaphore, #tpu.memory_space<semaphore_mem>> -> memref<!tpu.dma_semaphore, #tpu.memory_space<semaphore_mem>>
    %dma_start3A_7 = arith.constant 0 : i32
    %dma_start3A_8 = arith.constant 0 : i32
    %dma_start3A_9 = tpu.memref_slice %arg3[%add3A, %dma_start3A_7, %dma_start3A_8] : memref<32x40x128xi32, #tpu.memory_space<hbm>> -> memref<1x40x128xi32, #tpu.memory_space<hbm>>
    %dma_start3A_10 = tpu.memref_squeeze %dma_start3A_9 : memref<1x40x128xi32, #tpu.memory_space<hbm>> -> memref<40x128xi32, #tpu.memory_space<hbm>>
    tpu.enqueue_dma source(%dma_start3A_10 : memref<40x128xi32, #tpu.memory_space<hbm>>) target(%arg8 : memref<40x128xi32, #tpu.memory_space<vmem>>) target_semaphore(%dma_start3A_6 : memref<!tpu.dma_semaphore, #tpu.memory_space<semaphore_mem>>)
    %dma_start3A_11 = arith.constant 1 : i32
    %dma_start3A_12 = arith.constant 0 : i32
    %dma_start3A_13 = arith.constant 0 : i32
    %dma_start3A_14 = tpu.memref_slice %arg4[%add3A, %dma_start3A_12, %dma_start3A_13] : memref<32x40x128xi32, #tpu.memory_space<hbm>> -> memref<1x40x128xi32, #tpu.memory_space<hbm>>
    %dma_start3A_15 = tpu.memref_squeeze %dma_start3A_14 : memref<1x40x128xi32, #tpu.memory_space<hbm>> -> memref<40x128xi32, #tpu.memory_space<hbm>>
    %dma_start3A_16 = tpu.memref_slice %arg17[%dma_start3A_11] : memref<5x!tpu.dma_semaphore, #tpu.memory_space<semaphore_mem>> -> memref<1x!tpu.dma_semaphore, #tpu.memory_space<semaphore_mem>>
    %dma_start3A_17 = tpu.memref_squeeze %dma_start3A_16 : memref<1x!tpu.dma_semaphore, #tpu.memory_space<semaphore_mem>> -> memref<!tpu.dma_semaphore, #tpu.memory_space<semaphore_mem>>
    %dma_start3A_18 = arith.constant 0 : i32
    %dma_start3A_19 = arith.constant 0 : i32
    %dma_start3A_20 = tpu.memref_slice %arg4[%add3A, %dma_start3A_18, %dma_start3A_19] : memref<32x40x128xi32, #tpu.memory_space<hbm>> -> memref<1x40x128xi32, #tpu.memory_space<hbm>>
    %dma_start3A_21 = tpu.memref_squeeze %dma_start3A_20 : memref<1x40x128xi32, #tpu.memory_space<hbm>> -> memref<40x128xi32, #tpu.memory_space<hbm>>
    tpu.enqueue_dma source(%dma_start3A_21 : memref<40x128xi32, #tpu.memory_space<hbm>>) target(%arg9 : memref<40x128xi32, #tpu.memory_space<vmem>>) target_semaphore(%dma_start3A_17 : memref<!tpu.dma_semaphore, #tpu.memory_space<semaphore_mem>>)
    %dma_start3A_22 = arith.constant 2 : i32
    %dma_start3A_23 = arith.constant 0 : i32
    %dma_start3A_24 = arith.constant 0 : i32
    %dma_start3A_25 = tpu.memref_slice %arg5[%add3A, %dma_start3A_23, %dma_start3A_24] : memref<32x40x128xi32, #tpu.memory_space<hbm>> -> memref<1x40x128xi32, #tpu.memory_space<hbm>>
    %dma_start3A_26 = tpu.memref_squeeze %dma_start3A_25 : memref<1x40x128xi32, #tpu.memory_space<hbm>> -> memref<40x128xi32, #tpu.memory_space<hbm>>
    %dma_start3A_27 = tpu.memref_slice %arg17[%dma_start3A_22] : memref<5x!tpu.dma_semaphore, #tpu.memory_space<semaphore_mem>> -> memref<1x!tpu.dma_semaphore, #tpu.memory_space<semaphore_mem>>
    %dma_start3A_28 = tpu.memref_squeeze %dma_start3A_27 : memref<1x!tpu.dma_semaphore, #tpu.memory_space<semaphore_mem>> -> memref<!tpu.dma_semaphore, #tpu.memory_space<semaphore_mem>>
    %dma_start3A_29 = arith.constant 0 : i32
    %dma_start3A_30 = arith.constant 0 : i32
    %dma_start3A_31 = tpu.memref_slice %arg5[%add3A, %dma_start3A_29, %dma_start3A_30] : memref<32x40x128xi32, #tpu.memory_space<hbm>> -> memref<1x40x128xi32, #tpu.memory_space<hbm>>
    %dma_start3A_32 = tpu.memref_squeeze %dma_start3A_31 : memref<1x40x128xi32, #tpu.memory_space<hbm>> -> memref<40x128xi32, #tpu.memory_space<hbm>>
    tpu.enqueue_dma source(%dma_start3A_32 : memref<40x128xi32, #tpu.memory_space<hbm>>) target(%arg10 : memref<40x128xi32, #tpu.memory_space<vmem>>) target_semaphore(%dma_start3A_28 : memref<!tpu.dma_semaphore, #tpu.memory_space<semaphore_mem>>)
    %broadcast_in_dim3A = arith.constant 1.000000e+00 : f32
    %broadcast_in_dim3A_33 = vector.broadcast %broadcast_in_dim3A : f32 to vector<16xf32>
    %swap3A = arith.constant 0 : index
    %swap3A_34 = tpu.vector_load %arg12[%swap3A] {strides = array<i32>} : memref<128xf32, #tpu.memory_space<vmem>>, vector<16xf32>,
    %swap3A_35 = vector.shape_cast %swap3A_34 : vector<16xf32> to vector<16xf32>
    %swap3A_36 = vector.shape_cast %broadcast_in_dim3A_33 : vector<16xf32> to vector<16xf32>
    tpu.vector_store %arg12[%swap3A], %swap3A_36 {strides = array<i32>} : memref<128xf32, #tpu.memory_space<vmem>>, vector<16xf32>,
    %broadcast_in_dim3A_37 = arith.constant 1.000000e+00 : f32
    %broadcast_in_dim3A_38 = vector.broadcast %broadcast_in_dim3A_37 : f32 to vector<16xf32>
    %swap3A_39 = arith.constant 16 : index
    %swap3A_40 = tpu.vector_load %arg12[%swap3A_39] {strides = array<i32>} : memref<128xf32, #tpu.memory_space<vmem>>, vector<16xf32>,
    %swap3A_41 = vector.shape_cast %swap3A_40 : vector<16xf32> to vector<16xf32>
    %swap3A_42 = vector.shape_cast %broadcast_in_dim3A_38 : vector<16xf32> to vector<16xf32>
    tpu.vector_store %arg12[%swap3A_39], %swap3A_42 {strides = array<i32>} : memref<128xf32, #tpu.memory_space<vmem>>, vector<16xf32>,
    %broadcast_in_dim3A_43 = arith.constant 1.000000e+00 : f32
    %broadcast_in_dim3A_44 = vector.broadcast %broadcast_in_dim3A_43 : f32 to vector<16xf32>
    %swap3A_45 = arith.constant 32 : index
    %swap3A_46 = tpu.vector_load %arg12[%swap3A_45] {strides = array<i32>} : memref<128xf32, #tpu.memory_space<vmem>>, vector<16xf32>,
    %swap3A_47 = vector.shape_cast %swap3A_46 : vector<16xf32> to vector<16xf32>
    %swap3A_48 = vector.shape_cast %broadcast_in_dim3A_44 : vector<16xf32> to vector<16xf32>
    tpu.vector_store %arg12[%swap3A_45], %swap3A_48 {strides = array<i32>} : memref<128xf32, #tpu.memory_space<vmem>>, vector<16xf32>,
    %broadcast_in_dim3A_49 = arith.constant 1.000000e+00 : f32
    %broadcast_in_dim3A_50 = vector.broadcast %broadcast_in_dim3A_49 : f32 to vector<16xf32>
    %swap3A_51 = arith.constant 48 : index
    %swap3A_52 = tpu.vector_load %arg12[%swap3A_51] {strides = array<i32>} : memref<128xf32, #tpu.memory_space<vmem>>, vector<16xf32>,
    %swap3A_53 = vector.shape_cast %swap3A_52 : vector<16xf32> to vector<16xf32>
    %swap3A_54 = vector.shape_cast %broadcast_in_dim3A_50 : vector<16xf32> to vector<16xf32>
    tpu.vector_store %arg12[%swap3A_51], %swap3A_54 {strides = array<i32>} : memref<128xf32, #tpu.memory_space<vmem>>, vector<16xf32>,
    %broadcast_in_dim3A_55 = arith.constant 1.000000e+00 : f32
    %broadcast_in_dim3A_56 = vector.broadcast %broadcast_in_dim3A_55 : f32 to vector<16xf32>
    %swap3A_57 = arith.constant 64 : index
    %swap3A_58 = tpu.vector_load %arg12[%swap3A_57] {strides = array<i32>} : memref<128xf32, #tpu.memory_space<vmem>>, vector<16xf32>,
    %swap3A_59 = vector.shape_cast %swap3A_58 : vector<16xf32> to vector<16xf32>
    %swap3A_60 = vector.shape_cast %broadcast_in_dim3A_56 : vector<16xf32> to vector<16xf32>
    tpu.vector_store %arg12[%swap3A_57], %swap3A_60 {strides = array<i32>} : memref<128xf32, #tpu.memory_space<vmem>>, vector<16xf32>,
    %broadcast_in_dim3A_61 = arith.constant 1.000000e+00 : f32
    %broadcast_in_dim3A_62 = vector.broadcast %broadcast_in_dim3A_61 : f32 to vector<16xf32>
    %swap3A_63 = arith.constant 80 : index
    %swap3A_64 = tpu.vector_load %arg12[%swap3A_63] {strides = array<i32>} : memref<128xf32, #tpu.memory_space<vmem>>, vector<16xf32>,
    %swap3A_65 = vector.shape_cast %swap3A_64 : vector<16xf32> to vector<16xf32>
    %swap3A_66 = vector.shape_cast %broadcast_in_dim3A_62 : vector<16xf32> to vector<16xf32>
    tpu.vector_store %arg12[%swap3A_63], %swap3A_66 {strides = array<i32>} : memref<128xf32, #tpu.memory_space<vmem>>, vector<16xf32>,
    %broadcast_in_dim3A_67 = arith.constant 1.000000e+00 : f32
    %broadcast_in_dim3A_68 = vector.broadcast %broadcast_in_dim3A_67 : f32 to vector<16xf32>
    %swap3A_69 = arith.constant 96 : index
    %swap3A_70 = tpu.vector_load %arg12[%swap3A_69] {strides = array<i32>} : memref<128xf32, #tpu.memory_space<vmem>>, vector<16xf32>,
    %swap3A_71 = vector.shape_cast %swap3A_70 : vector<16xf32> to vector<16xf32>
    %swap3A_72 = vector.shape_cast %broadcast_in_dim3A_68 : vector<16xf32> to vector<16xf32>
    tpu.vector_store %arg12[%swap3A_69], %swap3A_72 {strides = array<i32>} : memref<128xf32, #tpu.memory_space<vmem>>, vector<16xf32>,
    %broadcast_in_dim3A_73 = arith.constant 1.000000e+00 : f32
    %broadcast_in_dim3A_74 = vector.broadcast %broadcast_in_dim3A_73 : f32 to vector<16xf32>
    %swap3A_75 = arith.constant 112 : index
    %swap3A_76 = tpu.vector_load %arg12[%swap3A_75] {strides = array<i32>} : memref<128xf32, #tpu.memory_space<vmem>>, vector<16xf32>,
    %swap3A_77 = vector.shape_cast %swap3A_76 : vector<16xf32> to vector<16xf32>
    %swap3A_78 = vector.shape_cast %broadcast_in_dim3A_74 : vector<16xf32> to vector<16xf32>
    tpu.vector_store %arg12[%swap3A_75], %swap3A_78 {strides = array<i32>} : memref<128xf32, #tpu.memory_space<vmem>>, vector<16xf32>,
    %mul3A_79 = arith.constant 12520 : i32
    %mul3A_80 = arith.muli %arg1, %mul3A_79 : i32
    %dma_start3A_81 = arith.constant 3 : i32
    %dma_start3A_82 = arith.constant 0 : i32
    %dma_start3A_83 = tpu.memref_slice %arg13[%dma_start3A_82] : memref<13272xf32, #tpu.memory_space<vmem>> -> memref<12520xf32, #tpu.memory_space<vmem>>
    %dma_start3A_84 = tpu.memref_slice %arg2[%mul3A_80] : memref<200320xf32, #tpu.memory_space<hbm>> -> memref<12520xf32, #tpu.memory_space<hbm>>
    %dma_start3A_85 = tpu.memref_slice %arg17[%dma_start3A_81] : memref<5x!tpu.dma_semaphore, #tpu.memory_space<semaphore_mem>> -> memref<1x!tpu.dma_semaphore, #tpu.memory_space<semaphore_mem>>
    %dma_start3A_86 = tpu.memref_squeeze %dma_start3A_85 : memref<1x!tpu.dma_semaphore, #tpu.memory_space<semaphore_mem>> -> memref<!tpu.dma_semaphore, #tpu.memory_space<semaphore_mem>>
    %dma_start3A_87 = arith.constant 0 : i32
    %dma_start3A_88 = tpu.memref_slice %arg13[%dma_start3A_87] : memref<13272xf32, #tpu.memory_space<vmem>> -> memref<12520xf32, #tpu.memory_space<vmem>>
    %dma_start3A_89 = tpu.memref_slice %arg2[%mul3A_80] : memref<200320xf32, #tpu.memory_space<hbm>> -> memref<12520xf32, #tpu.memory_space<hbm>>
    tpu.enqueue_dma source(%dma_start3A_89 : memref<12520xf32, #tpu.memory_space<hbm>>) target(%dma_start3A_88 : memref<12520xf32, #tpu.memory_space<vmem>>) target_semaphore(%dma_start3A_86 : memref<!tpu.dma_semaphore, #tpu.memory_space<semaphore_mem>>)
    %mul3A_90 = arith.constant 13272 : i32
    %mul3A_91 = arith.muli %arg1, %mul3A_90 : i32
    %dma_start3A_92 = arith.constant 4 : i32
    %dma_start3A_93 = tpu.memref_slice %arg6[%mul3A_91] : memref<212352xf32, #tpu.memory_space<hbm>> -> memref<13272xf32, #tpu.memory_space<hbm>>
    %dma_start3A_94 = tpu.memref_slice %arg17[%dma_start3A_92] : memref<5x!tpu.dma_semaphore, #tpu.memory_space<semaphore_mem>> -> memref<1x!tpu.dma_semaphore, #tpu.memory_space<semaphore_mem>>
    %dma_start3A_95 = tpu.memref_squeeze %dma_start3A_94 : memref<1x!tpu.dma_semaphore, #tpu.memory_space<semaphore_mem>> -> memref<!tpu.dma_semaphore, #tpu.memory_space<semaphore_mem>>
    %dma_start3A_96 = tpu.memref_slice %arg6[%mul3A_91] : memref<212352xf32, #tpu.memory_space<hbm>> -> memref<13272xf32, #tpu.memory_space<hbm>>
    tpu.enqueue_dma source(%dma_start3A_96 : memref<13272xf32, #tpu.memory_space<hbm>>) target(%arg14 : memref<13272xf32, #tpu.memory_space<vmem>>) target_semaphore(%dma_start3A_95 : memref<!tpu.dma_semaphore, #tpu.memory_space<semaphore_mem>>)
    %mul3A_97 = arith.constant 12520 : i32
    %mul3A_98 = arith.muli %arg1, %mul3A_97 : i32
    %dma_wait3A = arith.constant 3 : i32
    %dma_wait3A_99 = arith.constant 0 : i32
    %dma_wait3A_100 = tpu.memref_slice %arg13[%dma_wait3A_99] : memref<13272xf32, #tpu.memory_space<vmem>> -> memref<12520xf32, #tpu.memory_space<vmem>>
    %dma_wait3A_101 = tpu.memref_slice %arg2[%mul3A_98] : memref<200320xf32, #tpu.memory_space<hbm>> -> memref<12520xf32, #tpu.memory_space<hbm>>
    %dma_wait3A_102 = tpu.memref_slice %arg17[%dma_wait3A] : memref<5x!tpu.dma_semaphore, #tpu.memory_space<semaphore_mem>> -> memref<1x!tpu.dma_semaphore, #tpu.memory_space<semaphore_mem>>
    %dma_wait3A_103 = tpu.memref_squeeze %dma_wait3A_102 : memref<1x!tpu.dma_semaphore, #tpu.memory_space<semaphore_mem>> -> memref<!tpu.dma_semaphore, #tpu.memory_space<semaphore_mem>>
    %dma_wait3A_104 = arith.constant 0 : i32
    %dma_wait3A_105 = tpu.memref_slice %arg13[%dma_wait3A_104] : memref<13272xf32, #tpu.memory_space<vmem>> -> memref<12520xf32, #tpu.memory_space<vmem>>
    %dma_wait3A_106 = tpu.memref_slice %arg2[%mul3A_98] : memref<200320xf32, #tpu.memory_space<hbm>> -> memref<12520xf32, #tpu.memory_space<hbm>>
    tpu.wait_dma2 semaphore(%dma_wait3A_103 : memref<!tpu.dma_semaphore, #tpu.memory_space<semaphore_mem>>) src(%dma_wait3A_106 : memref<12520xf32, #tpu.memory_space<hbm>>) dst(%dma_wait3A_105 : memref<12520xf32, #tpu.memory_space<vmem>>)
    %mul3A_107 = arith.constant 12520 : i32
    %mul3A_108 = arith.muli %arg1, %mul3A_107 : i32
    "tpu.region"() ({
      %run_scoped3A = tpu.sem_alloc : memref<!tpu.dma_semaphore, #tpu.memory_space<semaphore_mem>>
      %dma_start3A_188 = arith.constant 0 : i32
      %dma_start3A_189 = tpu.memref_slice %arg13[%dma_start3A_188] : memref<13272xf32, #tpu.memory_space<vmem>> -> memref<12520xf32, #tpu.memory_space<vmem>>
      %dma_start3A_190 = tpu.memref_slice %arg15[%mul3A_108] : memref<200320xf32, #tpu.memory_space<vmem_shared>> -> memref<12520xf32, #tpu.memory_space<vmem_shared>>
      %dma_start3A_191 = tpu.memref_slice %arg15[%mul3A_108] : memref<200320xf32, #tpu.memory_space<vmem_shared>> -> memref<12520xf32, #tpu.memory_space<vmem_shared>>
      %dma_start3A_192 = arith.constant 0 : i32
      %dma_start3A_193 = tpu.memref_slice %arg13[%dma_start3A_192] : memref<13272xf32, #tpu.memory_space<vmem>> -> memref<12520xf32, #tpu.memory_space<vmem>>
      tpu.enqueue_dma source(%dma_start3A_193 : memref<12520xf32, #tpu.memory_space<vmem>>) target(%dma_start3A_191 : memref<12520xf32, #tpu.memory_space<vmem_shared>>) target_semaphore(%run_scoped3A : memref<!tpu.dma_semaphore, #tpu.memory_space<semaphore_mem>>)
      %dma_wait3A_194 = arith.constant 0 : i32
      %dma_wait3A_195 = tpu.memref_slice %arg13[%dma_wait3A_194] : memref<13272xf32, #tpu.memory_space<vmem>> -> memref<12520xf32, #tpu.memory_space<vmem>>
      %dma_wait3A_196 = tpu.memref_slice %arg15[%mul3A_108] : memref<200320xf32, #tpu.memory_space<vmem_shared>> -> memref<12520xf32, #tpu.memory_space<vmem_shared>>
      %dma_wait3A_197 = tpu.memref_slice %arg15[%mul3A_108] : memref<200320xf32, #tpu.memory_space<vmem_shared>> -> memref<12520xf32, #tpu.memory_space<vmem_shared>>
      %dma_wait3A_198 = arith.constant 0 : i32
      %dma_wait3A_199 = tpu.memref_slice %arg13[%dma_wait3A_198] : memref<13272xf32, #tpu.memory_space<vmem>> -> memref<12520xf32, #tpu.memory_space<vmem>>
      tpu.wait_dma2 semaphore(%run_scoped3A : memref<!tpu.dma_semaphore, #tpu.memory_space<semaphore_mem>>) src(%dma_wait3A_199 : memref<12520xf32, #tpu.memory_space<vmem>>) dst(%dma_wait3A_197 : memref<12520xf32, #tpu.memory_space<vmem_shared>>)
      tpu.yield
    }) : () -> ()
    %mul3A_109 = arith.constant 13272 : i32
    %mul3A_110 = arith.muli %arg1, %mul3A_109 : i32
    %dma_wait3A_111 = arith.constant 4 : i32
    %dma_wait3A_112 = tpu.memref_slice %arg6[%mul3A_110] : memref<212352xf32, #tpu.memory_space<hbm>> -> memref<13272xf32, #tpu.memory_space<hbm>>
    %dma_wait3A_113 = tpu.memref_slice %arg17[%dma_wait3A_111] : memref<5x!tpu.dma_semaphore, #tpu.memory_space<semaphore_mem>> -> memref<1x!tpu.dma_semaphore, #tpu.memory_space<semaphore_mem>>
    %dma_wait3A_114 = tpu.memref_squeeze %dma_wait3A_113 : memref<1x!tpu.dma_semaphore, #tpu.memory_space<semaphore_mem>> -> memref<!tpu.dma_semaphore, #tpu.memory_space<semaphore_mem>>
    %dma_wait3A_115 = tpu.memref_slice %arg6[%mul3A_110] : memref<212352xf32, #tpu.memory_space<hbm>> -> memref<13272xf32, #tpu.memory_space<hbm>>
    tpu.wait_dma2 semaphore(%dma_wait3A_114 : memref<!tpu.dma_semaphore, #tpu.memory_space<semaphore_mem>>) src(%dma_wait3A_115 : memref<13272xf32, #tpu.memory_space<hbm>>) dst(%arg14 : memref<13272xf32, #tpu.memory_space<vmem>>)
    %mul3A_116 = arith.constant 13272 : i32
    %mul3A_117 = arith.muli %arg1, %mul3A_116 : i32
    "tpu.region"() ({
      %run_scoped3A = tpu.sem_alloc : memref<!tpu.dma_semaphore, #tpu.memory_space<semaphore_mem>>
      %dma_start3A_188 = tpu.memref_slice %arg16[%mul3A_117] : memref<212352xf32, #tpu.memory_space<vmem_shared>> -> memref<13272xf32, #tpu.memory_space<vmem_shared>>
      %dma_start3A_189 = tpu.memref_slice %arg16[%mul3A_117] : memref<212352xf32, #tpu.memory_space<vmem_shared>> -> memref<13272xf32, #tpu.memory_space<vmem_shared>>
      tpu.enqueue_dma source(%arg14 : memref<13272xf32, #tpu.memory_space<vmem>>) target(%dma_start3A_189 : memref<13272xf32, #tpu.memory_space<vmem_shared>>) target_semaphore(%run_scoped3A : memref<!tpu.dma_semaphore, #tpu.memory_space<semaphore_mem>>)
      %dma_wait3A_190 = tpu.memref_slice %arg16[%mul3A_117] : memref<212352xf32, #tpu.memory_space<vmem_shared>> -> memref<13272xf32, #tpu.memory_space<vmem_shared>>
      %dma_wait3A_191 = tpu.memref_slice %arg16[%mul3A_117] : memref<212352xf32, #tpu.memory_space<vmem_shared>> -> memref<13272xf32, #tpu.memory_space<vmem_shared>>
      tpu.wait_dma2 semaphore(%run_scoped3A : memref<!tpu.dma_semaphore, #tpu.memory_space<semaphore_mem>>) src(%arg14 : memref<13272xf32, #tpu.memory_space<vmem>>) dst(%dma_wait3A_191 : memref<13272xf32, #tpu.memory_space<vmem_shared>>)
      tpu.yield
    }) : () -> ()
    %dma_wait3A_118 = arith.constant 0 : i32
    %dma_wait3A_119 = arith.constant 0 : i32
    %dma_wait3A_120 = arith.constant 0 : i32
    %dma_wait3A_121 = tpu.memref_slice %arg3[%add3A, %dma_wait3A_119, %dma_wait3A_120] : memref<32x40x128xi32, #tpu.memory_space<hbm>> -> memref<1x40x128xi32, #tpu.memory_space<hbm>>
    %dma_wait3A_122 = tpu.memref_squeeze %dma_wait3A_121 : memref<1x40x128xi32, #tpu.memory_space<hbm>> -> memref<40x128xi32, #tpu.memory_space<hbm>>
    %dma_wait3A_123 = tpu.memref_slice %arg17[%dma_wait3A_118] : memref<5x!tpu.dma_semaphore, #tpu.memory_space<semaphore_mem>> -> memref<1x!tpu.dma_semaphore, #tpu.memory_space<semaphore_mem>>
    %dma_wait3A_124 = tpu.memref_squeeze %dma_wait3A_123 : memref<1x!tpu.dma_semaphore, #tpu.memory_space<semaphore_mem>> -> memref<!tpu.dma_semaphore, #tpu.memory_space<semaphore_mem>>
    %dma_wait3A_125 = arith.constant 0 : i32
    %dma_wait3A_126 = arith.constant 0 : i32
    %dma_wait3A_127 = tpu.memref_slice %arg3[%add3A, %dma_wait3A_125, %dma_wait3A_126] : memref<32x40x128xi32, #tpu.memory_space<hbm>> -> memref<1x40x128xi32, #tpu.memory_space<hbm>>
    %dma_wait3A_128 = tpu.memref_squeeze %dma_wait3A_127 : memref<1x40x128xi32, #tpu.memory_space<hbm>> -> memref<40x128xi32, #tpu.memory_space<hbm>>
    tpu.wait_dma2 semaphore(%dma_wait3A_124 : memref<!tpu.dma_semaphore, #tpu.memory_space<semaphore_mem>>) src(%dma_wait3A_128 : memref<40x128xi32, #tpu.memory_space<hbm>>) dst(%arg8 : memref<40x128xi32, #tpu.memory_space<vmem>>)
    %dma_wait3A_129 = arith.constant 2 : i32
    %dma_wait3A_130 = arith.constant 0 : i32
    %dma_wait3A_131 = arith.constant 0 : i32
    %dma_wait3A_132 = tpu.memref_slice %arg5[%add3A, %dma_wait3A_130, %dma_wait3A_131] : memref<32x40x128xi32, #tpu.memory_space<hbm>> -> memref<1x40x128xi32, #tpu.memory_space<hbm>>
    %dma_wait3A_133 = tpu.memref_squeeze %dma_wait3A_132 : memref<1x40x128xi32, #tpu.memory_space<hbm>> -> memref<40x128xi32, #tpu.memory_space<hbm>>
    %dma_wait3A_134 = tpu.memref_slice %arg17[%dma_wait3A_129] : memref<5x!tpu.dma_semaphore, #tpu.memory_space<semaphore_mem>> -> memref<1x!tpu.dma_semaphore, #tpu.memory_space<semaphore_mem>>
    %dma_wait3A_135 = tpu.memref_squeeze %dma_wait3A_134 : memref<1x!tpu.dma_semaphore, #tpu.memory_space<semaphore_mem>> -> memref<!tpu.dma_semaphore, #tpu.memory_space<semaphore_mem>>
    %dma_wait3A_136 = arith.constant 0 : i32
    %dma_wait3A_137 = arith.constant 0 : i32
    %dma_wait3A_138 = tpu.memref_slice %arg5[%add3A, %dma_wait3A_136, %dma_wait3A_137] : memref<32x40x128xi32, #tpu.memory_space<hbm>> -> memref<1x40x128xi32, #tpu.memory_space<hbm>>
    %dma_wait3A_139 = tpu.memref_squeeze %dma_wait3A_138 : memref<1x40x128xi32, #tpu.memory_space<hbm>> -> memref<40x128xi32, #tpu.memory_space<hbm>>
    tpu.wait_dma2 semaphore(%dma_wait3A_135 : memref<!tpu.dma_semaphore, #tpu.memory_space<semaphore_mem>>) src(%dma_wait3A_139 : memref<40x128xi32, #tpu.memory_space<hbm>>) dst(%arg10 : memref<40x128xi32, #tpu.memory_space<vmem>>)
    %barrier3A = arith.constant 0 : index
    tpu.barrier barrier_id(%barrier3A)
    %scan3A = arith.constant 0 : i32
    %scan3A_140 = arith.constant 0 : i32
    %scan3A_141 = arith.constant 40 : i32
    %scan3A_142 = arith.addi %scan3A_140, %scan3A_141 : i32
    %scan3A_143 = arith.constant 1 : i32
    scf.for %scan3A_188 = %scan3A_140 to %scan3A_142 step %scan3A_143  : i32 {
      %dma_start3A_189 = arith.constant 0 : i32
      %dma_start3A_190 = tpu.memref_slice %arg11[%scan3A_188, %dma_start3A_189] : memref<40x128xf32, #tpu.memory_space<vmem>> -> memref<1x128xf32, #tpu.memory_space<vmem>>
      %dma_start3A_191 = tpu.memref_squeeze %dma_start3A_190 : memref<1x128xf32, #tpu.memory_space<vmem>> -> memref<128xf32, #tpu.memory_space<vmem>>
      %dma_start3A_192 = arith.constant 0 : i32
      %dma_start3A_193 = tpu.memref_slice %arg8[%scan3A_188, %dma_start3A_192] : memref<40x128xi32, #tpu.memory_space<vmem>> -> memref<1x128xi32, #tpu.memory_space<vmem>>
      %dma_start3A_194 = tpu.memref_squeeze %dma_start3A_193 : memref<1x128xi32, #tpu.memory_space<vmem>> -> memref<128xi32, #tpu.memory_space<vmem>>
      %dma_start3A_195 = arith.constant 0 : i32
      %dma_start3A_196 = tpu.memref_slice %arg15[%dma_start3A_195] : memref<200320xf32, #tpu.memory_space<vmem_shared>> -> memref<200320xf32, #tpu.memory_space<vmem_shared>>
      tpu.enqueue_indirect_dma source(%dma_start3A_196 : memref<200320xf32, #tpu.memory_space<vmem_shared>>) target(%dma_start3A_191 : memref<128xf32, #tpu.memory_space<vmem>>) offsets(%dma_start3A_194 : memref<128xi32, #tpu.memory_space<vmem>>) semaphore(%arg18 : memref<!tpu.dma_semaphore, #tpu.memory_space<semaphore_mem>>)
    }
    %scan3A_144 = arith.constant 40 : i32
    %dma_wait3A_145 = arith.constant 1 : i32
    %dma_wait3A_146 = arith.constant 0 : i32
    %dma_wait3A_147 = arith.constant 0 : i32
    %dma_wait3A_148 = tpu.memref_slice %arg4[%add3A, %dma_wait3A_146, %dma_wait3A_147] : memref<32x40x128xi32, #tpu.memory_space<hbm>> -> memref<1x40x128xi32, #tpu.memory_space<hbm>>
    %dma_wait3A_149 = tpu.memref_squeeze %dma_wait3A_148 : memref<1x40x128xi32, #tpu.memory_space<hbm>> -> memref<40x128xi32, #tpu.memory_space<hbm>>
    %dma_wait3A_150 = tpu.memref_slice %arg17[%dma_wait3A_145] : memref<5x!tpu.dma_semaphore, #tpu.memory_space<semaphore_mem>> -> memref<1x!tpu.dma_semaphore, #tpu.memory_space<semaphore_mem>>
    %dma_wait3A_151 = tpu.memref_squeeze %dma_wait3A_150 : memref<1x!tpu.dma_semaphore, #tpu.memory_space<semaphore_mem>> -> memref<!tpu.dma_semaphore, #tpu.memory_space<semaphore_mem>>
    %dma_wait3A_152 = arith.constant 0 : i32
    %dma_wait3A_153 = arith.constant 0 : i32
    %dma_wait3A_154 = tpu.memref_slice %arg4[%add3A, %dma_wait3A_152, %dma_wait3A_153] : memref<32x40x128xi32, #tpu.memory_space<hbm>> -> memref<1x40x128xi32, #tpu.memory_space<hbm>>
    %dma_wait3A_155 = tpu.memref_squeeze %dma_wait3A_154 : memref<1x40x128xi32, #tpu.memory_space<hbm>> -> memref<40x128xi32, #tpu.memory_space<hbm>>
    tpu.wait_dma2 semaphore(%dma_wait3A_151 : memref<!tpu.dma_semaphore, #tpu.memory_space<semaphore_mem>>) src(%dma_wait3A_155 : memref<40x128xi32, #tpu.memory_space<hbm>>) dst(%arg9 : memref<40x128xi32, #tpu.memory_space<vmem>>)
    %scan3A_156 = arith.constant 0 : i32
    %scan3A_157 = arith.constant 0 : i32
    %scan3A_158 = arith.constant 40 : i32
    %scan3A_159 = arith.addi %scan3A_157, %scan3A_158 : i32
    %scan3A_160 = arith.constant 1 : i32
    scf.for %scan3A_188 = %scan3A_157 to %scan3A_159 step %scan3A_160  : i32 {
      %dma_start3A_189 = arith.constant 0 : i32
      %dma_start3A_190 = tpu.memref_slice %arg10[%scan3A_188, %dma_start3A_189] : memref<40x128xi32, #tpu.memory_space<vmem>> -> memref<1x128xi32, #tpu.memory_space<vmem>>
      %dma_start3A_191 = tpu.memref_squeeze %dma_start3A_190 : memref<1x128xi32, #tpu.memory_space<vmem>> -> memref<128xi32, #tpu.memory_space<vmem>>
      %dma_start3A_192 = arith.constant 0 : i32
      %dma_start3A_193 = tpu.memref_slice %arg16[%dma_start3A_192] : memref<212352xf32, #tpu.memory_space<vmem_shared>> -> memref<212352xf32, #tpu.memory_space<vmem_shared>>
      tpu.enqueue_indirect_dma source(%arg12 : memref<128xf32, #tpu.memory_space<vmem>>) target(%dma_start3A_193 : memref<212352xf32, #tpu.memory_space<vmem_shared>>) offsets(%dma_start3A_191 : memref<128xi32, #tpu.memory_space<vmem>>) semaphore(%arg19 : memref<!tpu.dma_semaphore, #tpu.memory_space<semaphore_mem>>) {add = true}
    }
    %scan3A_161 = arith.constant 40 : i32
    %scan3A_162 = arith.constant 0 : i32
    %scan3A_163 = arith.constant 0 : i32
    %scan3A_164 = arith.constant 40 : i32
    %scan3A_165 = arith.addi %scan3A_163, %scan3A_164 : i32
    %scan3A_166 = arith.constant 1 : i32
    scf.for %scan3A_188 = %scan3A_163 to %scan3A_165 step %scan3A_166  : i32 {
      %dma_wait3A_189 = arith.constant 0 : i32
      %dma_wait3A_190 = arith.constant 0 : i32
      %dma_wait3A_191 = arith.constant 0 : i32
      %dma_wait3A_192 = tpu.memref_slice %arg11[%dma_wait3A_190, %dma_wait3A_191] : memref<40x128xf32, #tpu.memory_space<vmem>> -> memref<1x128xf32, #tpu.memory_space<vmem>>
      %dma_wait3A_193 = tpu.memref_squeeze %dma_wait3A_192 : memref<1x128xf32, #tpu.memory_space<vmem>> -> memref<128xf32, #tpu.memory_space<vmem>>
      %dma_wait3A_194 = arith.constant 0 : i32
      %dma_wait3A_195 = tpu.memref_slice %arg8[%dma_wait3A_189, %dma_wait3A_194] : memref<40x128xi32, #tpu.memory_space<vmem>> -> memref<1x128xi32, #tpu.memory_space<vmem>>
      %dma_wait3A_196 = tpu.memref_squeeze %dma_wait3A_195 : memref<1x128xi32, #tpu.memory_space<vmem>> -> memref<128xi32, #tpu.memory_space<vmem>>
      %dma_wait3A_197 = arith.constant 0 : i32
      %dma_wait3A_198 = tpu.memref_slice %arg15[%dma_wait3A_197] : memref<200320xf32, #tpu.memory_space<vmem_shared>> -> memref<200320xf32, #tpu.memory_space<vmem_shared>>
      tpu.wait_indirect_dma semaphore(%arg18 : memref<!tpu.dma_semaphore, #tpu.memory_space<semaphore_mem>>) src(%dma_wait3A_198 : memref<200320xf32, #tpu.memory_space<vmem_shared>>) dst(%dma_wait3A_193 : memref<128xf32, #tpu.memory_space<vmem>>)
    }
    %scan3A_167 = arith.constant 40 : i32
    %scan3A_168 = arith.constant 0 : i32
    %scan3A_169 = arith.constant 0 : i32
    %scan3A_170 = arith.constant 40 : i32
    %scan3A_171 = arith.addi %scan3A_169, %scan3A_170 : i32
    %scan3A_172 = arith.constant 1 : i32
    scf.for %scan3A_188 = %scan3A_169 to %scan3A_171 step %scan3A_172  : i32 {
      %dma_start3A_189 = arith.constant 0 : i32
      %dma_start3A_190 = tpu.memref_slice %arg11[%scan3A_188, %dma_start3A_189] : memref<40x128xf32, #tpu.memory_space<vmem>> -> memref<1x128xf32, #tpu.memory_space<vmem>>
      %dma_start3A_191 = tpu.memref_squeeze %dma_start3A_190 : memref<1x128xf32, #tpu.memory_space<vmem>> -> memref<128xf32, #tpu.memory_space<vmem>>
      %dma_start3A_192 = arith.constant 0 : i32
      %dma_start3A_193 = tpu.memref_slice %arg9[%scan3A_188, %dma_start3A_192] : memref<40x128xi32, #tpu.memory_space<vmem>> -> memref<1x128xi32, #tpu.memory_space<vmem>>
      %dma_start3A_194 = tpu.memref_squeeze %dma_start3A_193 : memref<1x128xi32, #tpu.memory_space<vmem>> -> memref<128xi32, #tpu.memory_space<vmem>>
      %dma_start3A_195 = arith.constant 0 : i32
      %dma_start3A_196 = tpu.memref_slice %arg16[%dma_start3A_195] : memref<212352xf32, #tpu.memory_space<vmem_shared>> -> memref<212352xf32, #tpu.memory_space<vmem_shared>>
      tpu.enqueue_indirect_dma source(%dma_start3A_191 : memref<128xf32, #tpu.memory_space<vmem>>) target(%dma_start3A_196 : memref<212352xf32, #tpu.memory_space<vmem_shared>>) offsets(%dma_start3A_194 : memref<128xi32, #tpu.memory_space<vmem>>) semaphore(%arg19 : memref<!tpu.dma_semaphore, #tpu.memory_space<semaphore_mem>>) {add = true}
    }
    %scan3A_173 = arith.constant 40 : i32
    %scan3A_174 = arith.constant 0 : i32
    %scan3A_175 = arith.constant 0 : i32
    %scan3A_176 = arith.constant 80 : i32
    %scan3A_177 = arith.addi %scan3A_175, %scan3A_176 : i32
    %scan3A_178 = arith.constant 1 : i32
    scf.for %scan3A_188 = %scan3A_175 to %scan3A_177 step %scan3A_178  : i32 {
      %dma_wait3A_189 = arith.constant 0 : i32
      %dma_wait3A_190 = arith.constant 0 : i32
      %dma_wait3A_191 = arith.constant 0 : i32
      %dma_wait3A_192 = tpu.memref_slice %arg11[%dma_wait3A_189, %dma_wait3A_191] : memref<40x128xf32, #tpu.memory_space<vmem>> -> memref<1x128xf32, #tpu.memory_space<vmem>>
      %dma_wait3A_193 = tpu.memref_squeeze %dma_wait3A_192 : memref<1x128xf32, #tpu.memory_space<vmem>> -> memref<128xf32, #tpu.memory_space<vmem>>
      %dma_wait3A_194 = arith.constant 0 : i32
      %dma_wait3A_195 = tpu.memref_slice %arg9[%dma_wait3A_190, %dma_wait3A_194] : memref<40x128xi32, #tpu.memory_space<vmem>> -> memref<1x128xi32, #tpu.memory_space<vmem>>
      %dma_wait3A_196 = tpu.memref_squeeze %dma_wait3A_195 : memref<1x128xi32, #tpu.memory_space<vmem>> -> memref<128xi32, #tpu.memory_space<vmem>>
      %dma_wait3A_197 = arith.constant 0 : i32
      %dma_wait3A_198 = tpu.memref_slice %arg16[%dma_wait3A_197] : memref<212352xf32, #tpu.memory_space<vmem_shared>> -> memref<212352xf32, #tpu.memory_space<vmem_shared>>
      tpu.wait_indirect_dma semaphore(%arg19 : memref<!tpu.dma_semaphore, #tpu.memory_space<semaphore_mem>>) src(%dma_wait3A_193 : memref<128xf32, #tpu.memory_space<vmem>>) dst(%dma_wait3A_198 : memref<212352xf32, #tpu.memory_space<vmem_shared>>)
    }
    %scan3A_179 = arith.constant 80 : i32
    %barrier3A_180 = arith.constant 0 : index
    tpu.barrier barrier_id(%barrier3A_180)
    %mul3A_181 = arith.constant 13272 : i32
    %mul3A_182 = arith.muli %arg1, %mul3A_181 : i32
    "tpu.region"() ({
      %run_scoped3A = tpu.sem_alloc : memref<!tpu.dma_semaphore, #tpu.memory_space<semaphore_mem>>
      %dma_start3A_188 = tpu.memref_slice %arg16[%mul3A_182] : memref<212352xf32, #tpu.memory_space<vmem_shared>> -> memref<13272xf32, #tpu.memory_space<vmem_shared>>
      %dma_start3A_189 = tpu.memref_slice %arg16[%mul3A_182] : memref<212352xf32, #tpu.memory_space<vmem_shared>> -> memref<13272xf32, #tpu.memory_space<vmem_shared>>
      tpu.enqueue_dma source(%dma_start3A_189 : memref<13272xf32, #tpu.memory_space<vmem_shared>>) target(%arg13 : memref<13272xf32, #tpu.memory_space<vmem>>) target_semaphore(%run_scoped3A : memref<!tpu.dma_semaphore, #tpu.memory_space<semaphore_mem>>)
      %dma_wait3A_190 = tpu.memref_slice %arg16[%mul3A_182] : memref<212352xf32, #tpu.memory_space<vmem_shared>> -> memref<13272xf32, #tpu.memory_space<vmem_shared>>
      %dma_wait3A_191 = tpu.memref_slice %arg16[%mul3A_182] : memref<212352xf32, #tpu.memory_space<vmem_shared>> -> memref<13272xf32, #tpu.memory_space<vmem_shared>>
      tpu.wait_dma2 semaphore(%run_scoped3A : memref<!tpu.dma_semaphore, #tpu.memory_space<semaphore_mem>>) src(%dma_wait3A_191 : memref<13272xf32, #tpu.memory_space<vmem_shared>>) dst(%arg13 : memref<13272xf32, #tpu.memory_space<vmem>>)
      tpu.yield
    }) : () -> ()
    %mul3A_183 = arith.constant 212352 : i32
    %mul3A_184 = arith.muli %arg0, %mul3A_183 : i32
    %mul3A_185 = arith.constant 13272 : i32
    %mul3A_186 = arith.muli %arg1, %mul3A_185 : i32
    %add3A_187 = arith.addi %mul3A_184, %mul3A_186 : i32
    "tpu.region"() ({
      %run_scoped3A = tpu.sem_alloc : memref<!tpu.dma_semaphore, #tpu.memory_space<semaphore_mem>>
      %dma_start3A_188 = tpu.memref_slice %arg7[%add3A_187] : memref<424704xf32, #tpu.memory_space<hbm>> -> memref<13272xf32, #tpu.memory_space<hbm>>
      %dma_start3A_189 = tpu.memref_slice %arg7[%add3A_187] : memref<424704xf32, #tpu.memory_space<hbm>> -> memref<13272xf32, #tpu.memory_space<hbm>>
      tpu.enqueue_dma source(%arg13 : memref<13272xf32, #tpu.memory_space<vmem>>) target(%dma_start3A_189 : memref<13272xf32, #tpu.memory_space<hbm>>) target_semaphore(%run_scoped3A : memref<!tpu.dma_semaphore, #tpu.memory_space<semaphore_mem>>)
      %dma_wait3A_190 = tpu.memref_slice %arg7[%add3A_187] : memref<424704xf32, #tpu.memory_space<hbm>> -> memref<13272xf32, #tpu.memory_space<hbm>>
      %dma_wait3A_191 = tpu.memref_slice %arg7[%add3A_187] : memref<424704xf32, #tpu.memory_space<hbm>> -> memref<13272xf32, #tpu.memory_space<hbm>>
      tpu.wait_dma2 semaphore(%run_scoped3A : memref<!tpu.dma_semaphore, #tpu.memory_space<semaphore_mem>>) src(%arg13 : memref<13272xf32, #tpu.memory_space<vmem>>) dst(%dma_wait3A_191 : memref<13272xf32, #tpu.memory_space<hbm>>)
      tpu.yield
    }) : () -> ()
    return
  }
}

#map = affine_map<(d0, d1) -> (0)>
#map1 = affine_map<(d0, d1) -> (0, 0, 0)>
module attributes {stable_mosaic.version = 14 : i64} {
  func.func @body(%arg0: i32, %arg1: i32, %arg2: memref<200320xf32, #tpu.memory_space<hbm>>, %arg3: memref<32x40x128xi32, #tpu.memory_space<hbm>>, %arg4: memref<32x40x128xi32, #tpu.memory_space<hbm>>, %arg5: memref<32x40x128xi32, #tpu.memory_space<hbm>>, %arg6: memref<212352xf32, #tpu.memory_space<hbm>>, %arg7: memref<424704xf32, #tpu.memory_space<hbm>>, %arg8: memref<40x128xi32, #tpu.memory_space<vmem>>, %arg9: memref<40x128xi32, #tpu.memory_space<vmem>>, %arg10: memref<40x128xi32, #tpu.memory_space<vmem>>, %arg11: memref<40x128xf32, #tpu.memory_space<vmem>>, %arg12: memref<128xf32, #tpu.memory_space<vmem>>, %arg13: memref<13272xf32, #tpu.memory_space<vmem>>, %arg14: memref<13272xf32, #tpu.memory_space<vmem>>, %arg15: memref<200320xf32, #tpu.memory_space<vmem_shared>>, %arg16: memref<212352xf32, #tpu.memory_space<vmem_shared>>, %arg17: memref<5x!tpu.dma_semaphore, #tpu.memory_space<semaphore_mem>>, %arg18: memref<!tpu.dma_semaphore, #tpu.memory_space<semaphore_mem>>, %arg19: memref<!tpu.dma_semaphore, #tpu.memory_space<semaphore_mem>>) attributes {dimension_semantics = [#tpu.dimension_semantics<core_parallel>, #tpu.dimension_semantics<subcore_parallel>], iteration_bounds = array<i64: 2, 16>, scalar_prefetch = 0 : i64, scratch_operands = 12 : i64, tpu.core_type = #tpu.core_type<sc_vector_subcore>, window_params = [{transform_indices = #map}, {transform_indices = #map1}, {transform_indices = #map1}, {transform_indices = #map1}, {transform_indices = #map}, {transform_indices = #map}]} {
    %mul3A = arith.constant 16 : i32
    %mul3A_0 = arith.muli %arg0, %mul3A : i32
    %add3A = arith.addi %mul3A_0, %arg1 : i32
    %dma_start3A = arith.constant 0 : i32
    %dma_start3A_1 = arith.constant 0 : i32
    %dma_start3A_2 = arith.constant 0 : i32
    %dma_start3A_3 = tpu.memref_slice %arg3[%add3A, %dma_start3A_1, %dma_start3A_2] : memref<32x40x128xi32, #tpu.memory_space<hbm>> -> memref<1x40x128xi32, #tpu.memory_space<hbm>>
    %dma_start3A_4 = tpu.memref_squeeze %dma_start3A_3 : memref<1x40x128xi32, #tpu.memory_space<hbm>> -> memref<40x128xi32, #tpu.memory_space<hbm>>
    %dma_start3A_5 = tpu.memref_slice %arg17[%dma_start3A] : memref<5x!tpu.dma_semaphore, #tpu.memory_space<semaphore_mem>> -> memref<1x!tpu.dma_semaphore, #tpu.memory_space<semaphore_mem>>
    %dma_start3A_6 = tpu.memref_squeeze %dma_start3A_5 : memref<1x!tpu.dma_semaphore, #tpu.memory_space<semaphore_mem>> -> memref<!tpu.dma_semaphore, #tpu.memory_space<semaphore_mem>>
    %dma_start3A_7 = arith.constant 0 : i32
    %dma_start3A_8 = arith.constant 0 : i32
    %dma_start3A_9 = tpu.memref_slice %arg3[%add3A, %dma_start3A_7, %dma_start3A_8] : memref<32x40x128xi32, #tpu.memory_space<hbm>> -> memref<1x40x128xi32, #tpu.memory_space<hbm>>
    %dma_start3A_10 = tpu.memref_squeeze %dma_start3A_9 : memref<1x40x128xi32, #tpu.memory_space<hbm>> -> memref<40x128xi32, #tpu.memory_space<hbm>>
    tpu.enqueue_dma source(%dma_start3A_10 : memref<40x128xi32, #tpu.memory_space<hbm>>) target(%arg8 : memref<40x128xi32, #tpu.memory_space<vmem>>) target_semaphore(%dma_start3A_6 : memref<!tpu.dma_semaphore, #tpu.memory_space<semaphore_mem>>)
    %dma_start3A_11 = arith.constant 1 : i32
    %dma_start3A_12 = arith.constant 0 : i32
    %dma_start3A_13 = arith.constant 0 : i32
    %dma_start3A_14 = tpu.memref_slice %arg4[%add3A, %dma_start3A_12, %dma_start3A_13] : memref<32x40x128xi32, #tpu.memory_space<hbm>> -> memref<1x40x128xi32, #tpu.memory_space<hbm>>
    %dma_start3A_15 = tpu.memref_squeeze %dma_start3A_14 : memref<1x40x128xi32, #tpu.memory_space<hbm>> -> memref<40x128xi32, #tpu.memory_space<hbm>>
    %dma_start3A_16 = tpu.memref_slice %arg17[%dma_start3A_11] : memref<5x!tpu.dma_semaphore, #tpu.memory_space<semaphore_mem>> -> memref<1x!tpu.dma_semaphore, #tpu.memory_space<semaphore_mem>>
    %dma_start3A_17 = tpu.memref_squeeze %dma_start3A_16 : memref<1x!tpu.dma_semaphore, #tpu.memory_space<semaphore_mem>> -> memref<!tpu.dma_semaphore, #tpu.memory_space<semaphore_mem>>
    %dma_start3A_18 = arith.constant 0 : i32
    %dma_start3A_19 = arith.constant 0 : i32
    %dma_start3A_20 = tpu.memref_slice %arg4[%add3A, %dma_start3A_18, %dma_start3A_19] : memref<32x40x128xi32, #tpu.memory_space<hbm>> -> memref<1x40x128xi32, #tpu.memory_space<hbm>>
    %dma_start3A_21 = tpu.memref_squeeze %dma_start3A_20 : memref<1x40x128xi32, #tpu.memory_space<hbm>> -> memref<40x128xi32, #tpu.memory_space<hbm>>
    tpu.enqueue_dma source(%dma_start3A_21 : memref<40x128xi32, #tpu.memory_space<hbm>>) target(%arg9 : memref<40x128xi32, #tpu.memory_space<vmem>>) target_semaphore(%dma_start3A_17 : memref<!tpu.dma_semaphore, #tpu.memory_space<semaphore_mem>>)
    %mul3A_22 = arith.constant 12520 : i32
    %mul3A_23 = arith.muli %arg1, %mul3A_22 : i32
    %dma_start3A_24 = arith.constant 3 : i32
    %dma_start3A_25 = arith.constant 0 : i32
    %dma_start3A_26 = tpu.memref_slice %arg13[%dma_start3A_25] : memref<13272xf32, #tpu.memory_space<vmem>> -> memref<12520xf32, #tpu.memory_space<vmem>>
    %dma_start3A_27 = tpu.memref_slice %arg2[%mul3A_23] : memref<200320xf32, #tpu.memory_space<hbm>> -> memref<12520xf32, #tpu.memory_space<hbm>>
    %dma_start3A_28 = tpu.memref_slice %arg17[%dma_start3A_24] : memref<5x!tpu.dma_semaphore, #tpu.memory_space<semaphore_mem>> -> memref<1x!tpu.dma_semaphore, #tpu.memory_space<semaphore_mem>>
    %dma_start3A_29 = tpu.memref_squeeze %dma_start3A_28 : memref<1x!tpu.dma_semaphore, #tpu.memory_space<semaphore_mem>> -> memref<!tpu.dma_semaphore, #tpu.memory_space<semaphore_mem>>
    %dma_start3A_30 = arith.constant 0 : i32
    %dma_start3A_31 = tpu.memref_slice %arg13[%dma_start3A_30] : memref<13272xf32, #tpu.memory_space<vmem>> -> memref<12520xf32, #tpu.memory_space<vmem>>
    %dma_start3A_32 = tpu.memref_slice %arg2[%mul3A_23] : memref<200320xf32, #tpu.memory_space<hbm>> -> memref<12520xf32, #tpu.memory_space<hbm>>
    tpu.enqueue_dma source(%dma_start3A_32 : memref<12520xf32, #tpu.memory_space<hbm>>) target(%dma_start3A_31 : memref<12520xf32, #tpu.memory_space<vmem>>) target_semaphore(%dma_start3A_29 : memref<!tpu.dma_semaphore, #tpu.memory_space<semaphore_mem>>)
    %mul3A_33 = arith.constant 13272 : i32
    %mul3A_34 = arith.muli %arg1, %mul3A_33 : i32
    %dma_start3A_35 = arith.constant 4 : i32
    %dma_start3A_36 = tpu.memref_slice %arg6[%mul3A_34] : memref<212352xf32, #tpu.memory_space<hbm>> -> memref<13272xf32, #tpu.memory_space<hbm>>
    %dma_start3A_37 = tpu.memref_slice %arg17[%dma_start3A_35] : memref<5x!tpu.dma_semaphore, #tpu.memory_space<semaphore_mem>> -> memref<1x!tpu.dma_semaphore, #tpu.memory_space<semaphore_mem>>
    %dma_start3A_38 = tpu.memref_squeeze %dma_start3A_37 : memref<1x!tpu.dma_semaphore, #tpu.memory_space<semaphore_mem>> -> memref<!tpu.dma_semaphore, #tpu.memory_space<semaphore_mem>>
    %dma_start3A_39 = tpu.memref_slice %arg6[%mul3A_34] : memref<212352xf32, #tpu.memory_space<hbm>> -> memref<13272xf32, #tpu.memory_space<hbm>>
    tpu.enqueue_dma source(%dma_start3A_39 : memref<13272xf32, #tpu.memory_space<hbm>>) target(%arg14 : memref<13272xf32, #tpu.memory_space<vmem>>) target_semaphore(%dma_start3A_38 : memref<!tpu.dma_semaphore, #tpu.memory_space<semaphore_mem>>)
    %mul3A_40 = arith.constant 12520 : i32
    %mul3A_41 = arith.muli %arg1, %mul3A_40 : i32
    %dma_wait3A = arith.constant 3 : i32
    %dma_wait3A_42 = arith.constant 0 : i32
    %dma_wait3A_43 = tpu.memref_slice %arg13[%dma_wait3A_42] : memref<13272xf32, #tpu.memory_space<vmem>> -> memref<12520xf32, #tpu.memory_space<vmem>>
    %dma_wait3A_44 = tpu.memref_slice %arg2[%mul3A_41] : memref<200320xf32, #tpu.memory_space<hbm>> -> memref<12520xf32, #tpu.memory_space<hbm>>
    %dma_wait3A_45 = tpu.memref_slice %arg17[%dma_wait3A] : memref<5x!tpu.dma_semaphore, #tpu.memory_space<semaphore_mem>> -> memref<1x!tpu.dma_semaphore, #tpu.memory_space<semaphore_mem>>
    %dma_wait3A_46 = tpu.memref_squeeze %dma_wait3A_45 : memref<1x!tpu.dma_semaphore, #tpu.memory_space<semaphore_mem>> -> memref<!tpu.dma_semaphore, #tpu.memory_space<semaphore_mem>>
    %dma_wait3A_47 = arith.constant 0 : i32
    %dma_wait3A_48 = tpu.memref_slice %arg13[%dma_wait3A_47] : memref<13272xf32, #tpu.memory_space<vmem>> -> memref<12520xf32, #tpu.memory_space<vmem>>
    %dma_wait3A_49 = tpu.memref_slice %arg2[%mul3A_41] : memref<200320xf32, #tpu.memory_space<hbm>> -> memref<12520xf32, #tpu.memory_space<hbm>>
    tpu.wait_dma2 semaphore(%dma_wait3A_46 : memref<!tpu.dma_semaphore, #tpu.memory_space<semaphore_mem>>) src(%dma_wait3A_49 : memref<12520xf32, #tpu.memory_space<hbm>>) dst(%dma_wait3A_48 : memref<12520xf32, #tpu.memory_space<vmem>>)
    %mul3A_50 = arith.constant 12520 : i32
    %mul3A_51 = arith.muli %arg1, %mul3A_50 : i32
    "tpu.region"() ({
      %run_scoped3A = tpu.sem_alloc : memref<!tpu.dma_semaphore, #tpu.memory_space<semaphore_mem>>
      %dma_start3A_114 = arith.constant 0 : i32
      %dma_start3A_115 = tpu.memref_slice %arg13[%dma_start3A_114] : memref<13272xf32, #tpu.memory_space<vmem>> -> memref<12520xf32, #tpu.memory_space<vmem>>
      %dma_start3A_116 = tpu.memref_slice %arg15[%mul3A_51] : memref<200320xf32, #tpu.memory_space<vmem_shared>> -> memref<12520xf32, #tpu.memory_space<vmem_shared>>
      %dma_start3A_117 = tpu.memref_slice %arg15[%mul3A_51] : memref<200320xf32, #tpu.memory_space<vmem_shared>> -> memref<12520xf32, #tpu.memory_space<vmem_shared>>
      %dma_start3A_118 = arith.constant 0 : i32
      %dma_start3A_119 = tpu.memref_slice %arg13[%dma_start3A_118] : memref<13272xf32, #tpu.memory_space<vmem>> -> memref<12520xf32, #tpu.memory_space<vmem>>
      tpu.enqueue_dma source(%dma_start3A_119 : memref<12520xf32, #tpu.memory_space<vmem>>) target(%dma_start3A_117 : memref<12520xf32, #tpu.memory_space<vmem_shared>>) target_semaphore(%run_scoped3A : memref<!tpu.dma_semaphore, #tpu.memory_space<semaphore_mem>>)
      %dma_wait3A_120 = arith.constant 0 : i32
      %dma_wait3A_121 = tpu.memref_slice %arg13[%dma_wait3A_120] : memref<13272xf32, #tpu.memory_space<vmem>> -> memref<12520xf32, #tpu.memory_space<vmem>>
      %dma_wait3A_122 = tpu.memref_slice %arg15[%mul3A_51] : memref<200320xf32, #tpu.memory_space<vmem_shared>> -> memref<12520xf32, #tpu.memory_space<vmem_shared>>
      %dma_wait3A_123 = tpu.memref_slice %arg15[%mul3A_51] : memref<200320xf32, #tpu.memory_space<vmem_shared>> -> memref<12520xf32, #tpu.memory_space<vmem_shared>>
      %dma_wait3A_124 = arith.constant 0 : i32
      %dma_wait3A_125 = tpu.memref_slice %arg13[%dma_wait3A_124] : memref<13272xf32, #tpu.memory_space<vmem>> -> memref<12520xf32, #tpu.memory_space<vmem>>
      tpu.wait_dma2 semaphore(%run_scoped3A : memref<!tpu.dma_semaphore, #tpu.memory_space<semaphore_mem>>) src(%dma_wait3A_125 : memref<12520xf32, #tpu.memory_space<vmem>>) dst(%dma_wait3A_123 : memref<12520xf32, #tpu.memory_space<vmem_shared>>)
      tpu.yield
    }) : () -> ()
    %mul3A_52 = arith.constant 13272 : i32
    %mul3A_53 = arith.muli %arg1, %mul3A_52 : i32
    %dma_wait3A_54 = arith.constant 4 : i32
    %dma_wait3A_55 = tpu.memref_slice %arg6[%mul3A_53] : memref<212352xf32, #tpu.memory_space<hbm>> -> memref<13272xf32, #tpu.memory_space<hbm>>
    %dma_wait3A_56 = tpu.memref_slice %arg17[%dma_wait3A_54] : memref<5x!tpu.dma_semaphore, #tpu.memory_space<semaphore_mem>> -> memref<1x!tpu.dma_semaphore, #tpu.memory_space<semaphore_mem>>
    %dma_wait3A_57 = tpu.memref_squeeze %dma_wait3A_56 : memref<1x!tpu.dma_semaphore, #tpu.memory_space<semaphore_mem>> -> memref<!tpu.dma_semaphore, #tpu.memory_space<semaphore_mem>>
    %dma_wait3A_58 = tpu.memref_slice %arg6[%mul3A_53] : memref<212352xf32, #tpu.memory_space<hbm>> -> memref<13272xf32, #tpu.memory_space<hbm>>
    tpu.wait_dma2 semaphore(%dma_wait3A_57 : memref<!tpu.dma_semaphore, #tpu.memory_space<semaphore_mem>>) src(%dma_wait3A_58 : memref<13272xf32, #tpu.memory_space<hbm>>) dst(%arg14 : memref<13272xf32, #tpu.memory_space<vmem>>)
    %mul3A_59 = arith.constant 13272 : i32
    %mul3A_60 = arith.muli %arg1, %mul3A_59 : i32
    "tpu.region"() ({
      %run_scoped3A = tpu.sem_alloc : memref<!tpu.dma_semaphore, #tpu.memory_space<semaphore_mem>>
      %dma_start3A_114 = tpu.memref_slice %arg16[%mul3A_60] : memref<212352xf32, #tpu.memory_space<vmem_shared>> -> memref<13272xf32, #tpu.memory_space<vmem_shared>>
      %dma_start3A_115 = tpu.memref_slice %arg16[%mul3A_60] : memref<212352xf32, #tpu.memory_space<vmem_shared>> -> memref<13272xf32, #tpu.memory_space<vmem_shared>>
      tpu.enqueue_dma source(%arg14 : memref<13272xf32, #tpu.memory_space<vmem>>) target(%dma_start3A_115 : memref<13272xf32, #tpu.memory_space<vmem_shared>>) target_semaphore(%run_scoped3A : memref<!tpu.dma_semaphore, #tpu.memory_space<semaphore_mem>>)
      %dma_wait3A_116 = tpu.memref_slice %arg16[%mul3A_60] : memref<212352xf32, #tpu.memory_space<vmem_shared>> -> memref<13272xf32, #tpu.memory_space<vmem_shared>>
      %dma_wait3A_117 = tpu.memref_slice %arg16[%mul3A_60] : memref<212352xf32, #tpu.memory_space<vmem_shared>> -> memref<13272xf32, #tpu.memory_space<vmem_shared>>
      tpu.wait_dma2 semaphore(%run_scoped3A : memref<!tpu.dma_semaphore, #tpu.memory_space<semaphore_mem>>) src(%arg14 : memref<13272xf32, #tpu.memory_space<vmem>>) dst(%dma_wait3A_117 : memref<13272xf32, #tpu.memory_space<vmem_shared>>)
      tpu.yield
    }) : () -> ()
    %dma_wait3A_61 = arith.constant 0 : i32
    %dma_wait3A_62 = arith.constant 0 : i32
    %dma_wait3A_63 = arith.constant 0 : i32
    %dma_wait3A_64 = tpu.memref_slice %arg3[%add3A, %dma_wait3A_62, %dma_wait3A_63] : memref<32x40x128xi32, #tpu.memory_space<hbm>> -> memref<1x40x128xi32, #tpu.memory_space<hbm>>
    %dma_wait3A_65 = tpu.memref_squeeze %dma_wait3A_64 : memref<1x40x128xi32, #tpu.memory_space<hbm>> -> memref<40x128xi32, #tpu.memory_space<hbm>>
    %dma_wait3A_66 = tpu.memref_slice %arg17[%dma_wait3A_61] : memref<5x!tpu.dma_semaphore, #tpu.memory_space<semaphore_mem>> -> memref<1x!tpu.dma_semaphore, #tpu.memory_space<semaphore_mem>>
    %dma_wait3A_67 = tpu.memref_squeeze %dma_wait3A_66 : memref<1x!tpu.dma_semaphore, #tpu.memory_space<semaphore_mem>> -> memref<!tpu.dma_semaphore, #tpu.memory_space<semaphore_mem>>
    %dma_wait3A_68 = arith.constant 0 : i32
    %dma_wait3A_69 = arith.constant 0 : i32
    %dma_wait3A_70 = tpu.memref_slice %arg3[%add3A, %dma_wait3A_68, %dma_wait3A_69] : memref<32x40x128xi32, #tpu.memory_space<hbm>> -> memref<1x40x128xi32, #tpu.memory_space<hbm>>
    %dma_wait3A_71 = tpu.memref_squeeze %dma_wait3A_70 : memref<1x40x128xi32, #tpu.memory_space<hbm>> -> memref<40x128xi32, #tpu.memory_space<hbm>>
    tpu.wait_dma2 semaphore(%dma_wait3A_67 : memref<!tpu.dma_semaphore, #tpu.memory_space<semaphore_mem>>) src(%dma_wait3A_71 : memref<40x128xi32, #tpu.memory_space<hbm>>) dst(%arg8 : memref<40x128xi32, #tpu.memory_space<vmem>>)
    %barrier3A = arith.constant 0 : index
    tpu.barrier barrier_id(%barrier3A)
    %scan3A = arith.constant 0 : i32
    %scan3A_72 = arith.constant 0 : i32
    %scan3A_73 = arith.constant 40 : i32
    %scan3A_74 = arith.addi %scan3A_72, %scan3A_73 : i32
    %scan3A_75 = arith.constant 1 : i32
    scf.for %scan3A_114 = %scan3A_72 to %scan3A_74 step %scan3A_75  : i32 {
      %dma_start3A_115 = arith.constant 0 : i32
      %dma_start3A_116 = tpu.memref_slice %arg11[%scan3A_114, %dma_start3A_115] : memref<40x128xf32, #tpu.memory_space<vmem>> -> memref<1x128xf32, #tpu.memory_space<vmem>>
      %dma_start3A_117 = tpu.memref_squeeze %dma_start3A_116 : memref<1x128xf32, #tpu.memory_space<vmem>> -> memref<128xf32, #tpu.memory_space<vmem>>
      %dma_start3A_118 = arith.constant 0 : i32
      %dma_start3A_119 = tpu.memref_slice %arg8[%scan3A_114, %dma_start3A_118] : memref<40x128xi32, #tpu.memory_space<vmem>> -> memref<1x128xi32, #tpu.memory_space<vmem>>
      %dma_start3A_120 = tpu.memref_squeeze %dma_start3A_119 : memref<1x128xi32, #tpu.memory_space<vmem>> -> memref<128xi32, #tpu.memory_space<vmem>>
      %dma_start3A_121 = arith.constant 0 : i32
      %dma_start3A_122 = tpu.memref_slice %arg15[%dma_start3A_121] : memref<200320xf32, #tpu.memory_space<vmem_shared>> -> memref<200320xf32, #tpu.memory_space<vmem_shared>>
      tpu.enqueue_indirect_dma source(%dma_start3A_122 : memref<200320xf32, #tpu.memory_space<vmem_shared>>) target(%dma_start3A_117 : memref<128xf32, #tpu.memory_space<vmem>>) offsets(%dma_start3A_120 : memref<128xi32, #tpu.memory_space<vmem>>) semaphore(%arg18 : memref<!tpu.dma_semaphore, #tpu.memory_space<semaphore_mem>>)
    }
    %scan3A_76 = arith.constant 40 : i32
    %dma_wait3A_77 = arith.constant 1 : i32
    %dma_wait3A_78 = arith.constant 0 : i32
    %dma_wait3A_79 = arith.constant 0 : i32
    %dma_wait3A_80 = tpu.memref_slice %arg4[%add3A, %dma_wait3A_78, %dma_wait3A_79] : memref<32x40x128xi32, #tpu.memory_space<hbm>> -> memref<1x40x128xi32, #tpu.memory_space<hbm>>
    %dma_wait3A_81 = tpu.memref_squeeze %dma_wait3A_80 : memref<1x40x128xi32, #tpu.memory_space<hbm>> -> memref<40x128xi32, #tpu.memory_space<hbm>>
    %dma_wait3A_82 = tpu.memref_slice %arg17[%dma_wait3A_77] : memref<5x!tpu.dma_semaphore, #tpu.memory_space<semaphore_mem>> -> memref<1x!tpu.dma_semaphore, #tpu.memory_space<semaphore_mem>>
    %dma_wait3A_83 = tpu.memref_squeeze %dma_wait3A_82 : memref<1x!tpu.dma_semaphore, #tpu.memory_space<semaphore_mem>> -> memref<!tpu.dma_semaphore, #tpu.memory_space<semaphore_mem>>
    %dma_wait3A_84 = arith.constant 0 : i32
    %dma_wait3A_85 = arith.constant 0 : i32
    %dma_wait3A_86 = tpu.memref_slice %arg4[%add3A, %dma_wait3A_84, %dma_wait3A_85] : memref<32x40x128xi32, #tpu.memory_space<hbm>> -> memref<1x40x128xi32, #tpu.memory_space<hbm>>
    %dma_wait3A_87 = tpu.memref_squeeze %dma_wait3A_86 : memref<1x40x128xi32, #tpu.memory_space<hbm>> -> memref<40x128xi32, #tpu.memory_space<hbm>>
    tpu.wait_dma2 semaphore(%dma_wait3A_83 : memref<!tpu.dma_semaphore, #tpu.memory_space<semaphore_mem>>) src(%dma_wait3A_87 : memref<40x128xi32, #tpu.memory_space<hbm>>) dst(%arg9 : memref<40x128xi32, #tpu.memory_space<vmem>>)
    %scan3A_88 = arith.constant 0 : i32
    %scan3A_89 = arith.constant 0 : i32
    %scan3A_90 = arith.constant 40 : i32
    %scan3A_91 = arith.addi %scan3A_89, %scan3A_90 : i32
    %scan3A_92 = arith.constant 1 : i32
    scf.for %scan3A_114 = %scan3A_89 to %scan3A_91 step %scan3A_92  : i32 {
      %dma_wait3A_115 = arith.constant 0 : i32
      %dma_wait3A_116 = arith.constant 0 : i32
      %dma_wait3A_117 = arith.constant 0 : i32
      %dma_wait3A_118 = tpu.memref_slice %arg11[%dma_wait3A_116, %dma_wait3A_117] : memref<40x128xf32, #tpu.memory_space<vmem>> -> memref<1x128xf32, #tpu.memory_space<vmem>>
      %dma_wait3A_119 = tpu.memref_squeeze %dma_wait3A_118 : memref<1x128xf32, #tpu.memory_space<vmem>> -> memref<128xf32, #tpu.memory_space<vmem>>
      %dma_wait3A_120 = arith.constant 0 : i32
      %dma_wait3A_121 = tpu.memref_slice %arg8[%dma_wait3A_115, %dma_wait3A_120] : memref<40x128xi32, #tpu.memory_space<vmem>> -> memref<1x128xi32, #tpu.memory_space<vmem>>
      %dma_wait3A_122 = tpu.memref_squeeze %dma_wait3A_121 : memref<1x128xi32, #tpu.memory_space<vmem>> -> memref<128xi32, #tpu.memory_space<vmem>>
      %dma_wait3A_123 = arith.constant 0 : i32
      %dma_wait3A_124 = tpu.memref_slice %arg15[%dma_wait3A_123] : memref<200320xf32, #tpu.memory_space<vmem_shared>> -> memref<200320xf32, #tpu.memory_space<vmem_shared>>
      tpu.wait_indirect_dma semaphore(%arg18 : memref<!tpu.dma_semaphore, #tpu.memory_space<semaphore_mem>>) src(%dma_wait3A_124 : memref<200320xf32, #tpu.memory_space<vmem_shared>>) dst(%dma_wait3A_119 : memref<128xf32, #tpu.memory_space<vmem>>)
    }
    %scan3A_93 = arith.constant 40 : i32
    %scan3A_94 = arith.constant 0 : i32
    %scan3A_95 = arith.constant 0 : i32
    %scan3A_96 = arith.constant 40 : i32
    %scan3A_97 = arith.addi %scan3A_95, %scan3A_96 : i32
    %scan3A_98 = arith.constant 1 : i32
    scf.for %scan3A_114 = %scan3A_95 to %scan3A_97 step %scan3A_98  : i32 {
      %dma_start3A_115 = arith.constant 0 : i32
      %dma_start3A_116 = tpu.memref_slice %arg11[%scan3A_114, %dma_start3A_115] : memref<40x128xf32, #tpu.memory_space<vmem>> -> memref<1x128xf32, #tpu.memory_space<vmem>>
      %dma_start3A_117 = tpu.memref_squeeze %dma_start3A_116 : memref<1x128xf32, #tpu.memory_space<vmem>> -> memref<128xf32, #tpu.memory_space<vmem>>
      %dma_start3A_118 = arith.constant 0 : i32
      %dma_start3A_119 = tpu.memref_slice %arg9[%scan3A_114, %dma_start3A_118] : memref<40x128xi32, #tpu.memory_space<vmem>> -> memref<1x128xi32, #tpu.memory_space<vmem>>
      %dma_start3A_120 = tpu.memref_squeeze %dma_start3A_119 : memref<1x128xi32, #tpu.memory_space<vmem>> -> memref<128xi32, #tpu.memory_space<vmem>>
      %dma_start3A_121 = arith.constant 0 : i32
      %dma_start3A_122 = tpu.memref_slice %arg16[%dma_start3A_121] : memref<212352xf32, #tpu.memory_space<vmem_shared>> -> memref<212352xf32, #tpu.memory_space<vmem_shared>>
      tpu.enqueue_indirect_dma source(%dma_start3A_117 : memref<128xf32, #tpu.memory_space<vmem>>) target(%dma_start3A_122 : memref<212352xf32, #tpu.memory_space<vmem_shared>>) offsets(%dma_start3A_120 : memref<128xi32, #tpu.memory_space<vmem>>) semaphore(%arg19 : memref<!tpu.dma_semaphore, #tpu.memory_space<semaphore_mem>>) {add = true}
    }
    %scan3A_99 = arith.constant 40 : i32
    %scan3A_100 = arith.constant 0 : i32
    %scan3A_101 = arith.constant 0 : i32
    %scan3A_102 = arith.constant 40 : i32
    %scan3A_103 = arith.addi %scan3A_101, %scan3A_102 : i32
    %scan3A_104 = arith.constant 1 : i32
    scf.for %scan3A_114 = %scan3A_101 to %scan3A_103 step %scan3A_104  : i32 {
      %dma_wait3A_115 = arith.constant 0 : i32
      %dma_wait3A_116 = arith.constant 0 : i32
      %dma_wait3A_117 = arith.constant 0 : i32
      %dma_wait3A_118 = tpu.memref_slice %arg11[%dma_wait3A_115, %dma_wait3A_117] : memref<40x128xf32, #tpu.memory_space<vmem>> -> memref<1x128xf32, #tpu.memory_space<vmem>>
      %dma_wait3A_119 = tpu.memref_squeeze %dma_wait3A_118 : memref<1x128xf32, #tpu.memory_space<vmem>> -> memref<128xf32, #tpu.memory_space<vmem>>
      %dma_wait3A_120 = arith.constant 0 : i32
      %dma_wait3A_121 = tpu.memref_slice %arg9[%dma_wait3A_116, %dma_wait3A_120] : memref<40x128xi32, #tpu.memory_space<vmem>> -> memref<1x128xi32, #tpu.memory_space<vmem>>
      %dma_wait3A_122 = tpu.memref_squeeze %dma_wait3A_121 : memref<1x128xi32, #tpu.memory_space<vmem>> -> memref<128xi32, #tpu.memory_space<vmem>>
      %dma_wait3A_123 = arith.constant 0 : i32
      %dma_wait3A_124 = tpu.memref_slice %arg16[%dma_wait3A_123] : memref<212352xf32, #tpu.memory_space<vmem_shared>> -> memref<212352xf32, #tpu.memory_space<vmem_shared>>
      tpu.wait_indirect_dma semaphore(%arg19 : memref<!tpu.dma_semaphore, #tpu.memory_space<semaphore_mem>>) src(%dma_wait3A_119 : memref<128xf32, #tpu.memory_space<vmem>>) dst(%dma_wait3A_124 : memref<212352xf32, #tpu.memory_space<vmem_shared>>)
    }
    %scan3A_105 = arith.constant 40 : i32
    %barrier3A_106 = arith.constant 0 : index
    tpu.barrier barrier_id(%barrier3A_106)
    %mul3A_107 = arith.constant 13272 : i32
    %mul3A_108 = arith.muli %arg1, %mul3A_107 : i32
    "tpu.region"() ({
      %run_scoped3A = tpu.sem_alloc : memref<!tpu.dma_semaphore, #tpu.memory_space<semaphore_mem>>
      %dma_start3A_114 = tpu.memref_slice %arg16[%mul3A_108] : memref<212352xf32, #tpu.memory_space<vmem_shared>> -> memref<13272xf32, #tpu.memory_space<vmem_shared>>
      %dma_start3A_115 = tpu.memref_slice %arg16[%mul3A_108] : memref<212352xf32, #tpu.memory_space<vmem_shared>> -> memref<13272xf32, #tpu.memory_space<vmem_shared>>
      tpu.enqueue_dma source(%dma_start3A_115 : memref<13272xf32, #tpu.memory_space<vmem_shared>>) target(%arg13 : memref<13272xf32, #tpu.memory_space<vmem>>) target_semaphore(%run_scoped3A : memref<!tpu.dma_semaphore, #tpu.memory_space<semaphore_mem>>)
      %dma_wait3A_116 = tpu.memref_slice %arg16[%mul3A_108] : memref<212352xf32, #tpu.memory_space<vmem_shared>> -> memref<13272xf32, #tpu.memory_space<vmem_shared>>
      %dma_wait3A_117 = tpu.memref_slice %arg16[%mul3A_108] : memref<212352xf32, #tpu.memory_space<vmem_shared>> -> memref<13272xf32, #tpu.memory_space<vmem_shared>>
      tpu.wait_dma2 semaphore(%run_scoped3A : memref<!tpu.dma_semaphore, #tpu.memory_space<semaphore_mem>>) src(%dma_wait3A_117 : memref<13272xf32, #tpu.memory_space<vmem_shared>>) dst(%arg13 : memref<13272xf32, #tpu.memory_space<vmem>>)
      tpu.yield
    }) : () -> ()
    %mul3A_109 = arith.constant 212352 : i32
    %mul3A_110 = arith.muli %arg0, %mul3A_109 : i32
    %mul3A_111 = arith.constant 13272 : i32
    %mul3A_112 = arith.muli %arg1, %mul3A_111 : i32
    %add3A_113 = arith.addi %mul3A_110, %mul3A_112 : i32
    "tpu.region"() ({
      %run_scoped3A = tpu.sem_alloc : memref<!tpu.dma_semaphore, #tpu.memory_space<semaphore_mem>>
      %dma_start3A_114 = tpu.memref_slice %arg7[%add3A_113] : memref<424704xf32, #tpu.memory_space<hbm>> -> memref<13272xf32, #tpu.memory_space<hbm>>
      %dma_start3A_115 = tpu.memref_slice %arg7[%add3A_113] : memref<424704xf32, #tpu.memory_space<hbm>> -> memref<13272xf32, #tpu.memory_space<hbm>>
      tpu.enqueue_dma source(%arg13 : memref<13272xf32, #tpu.memory_space<vmem>>) target(%dma_start3A_115 : memref<13272xf32, #tpu.memory_space<hbm>>) target_semaphore(%run_scoped3A : memref<!tpu.dma_semaphore, #tpu.memory_space<semaphore_mem>>)
      %dma_wait3A_116 = tpu.memref_slice %arg7[%add3A_113] : memref<424704xf32, #tpu.memory_space<hbm>> -> memref<13272xf32, #tpu.memory_space<hbm>>
      %dma_wait3A_117 = tpu.memref_slice %arg7[%add3A_113] : memref<424704xf32, #tpu.memory_space<hbm>> -> memref<13272xf32, #tpu.memory_space<hbm>>
      tpu.wait_dma2 semaphore(%run_scoped3A : memref<!tpu.dma_semaphore, #tpu.memory_space<semaphore_mem>>) src(%arg13 : memref<13272xf32, #tpu.memory_space<vmem>>) dst(%dma_wait3A_117 : memref<13272xf32, #tpu.memory_space<hbm>>)
      tpu.yield
    }) : () -> ()
    return
  }
}

module attributes {stable_mosaic.version = 14 : i64} {
  func.func @_encode_body(%arg0: i32, %arg1: memref<1x1x2000xi32, #tpu.memory_space<vmem>>, %arg2: memref<1x1x2000xi32, #tpu.memory_space<vmem>>, %arg3: memref<512x32xf32, #tpu.memory_space<vmem>>, %arg4: memref<106x32xf32, #tpu.memory_space<vmem>>, %arg5: memref<64x32xf32, #tpu.memory_space<vmem>>, %arg6: memref<1x32xf32, #tpu.memory_space<vmem>>, %arg7: memref<32x32xf32, #tpu.memory_space<vmem>>, %arg8: memref<1x32xf32, #tpu.memory_space<vmem>>, %arg9: memref<20x32xf32, #tpu.memory_space<vmem>>, %arg10: memref<2000x32xf32, #tpu.memory_space<vmem>>, %arg11: memref<2000x20xf32, #tpu.memory_space<vmem>>) attributes {dimension_semantics = [#tpu.dimension_semantics<arbitrary>], iteration_bounds = array<i64: 5>, scalar_prefetch = 0 : i64, scratch_operands = 0 : i64, tpu.core_type = #tpu.core_type<tc>, window_params = [{transform_indices = @transform_0, window_bounds = array<i64: 1, 1, 2000>}, {transform_indices = @transform_1, window_bounds = array<i64: 1, 1, 2000>}, {pipeline_mode = #tpu.pipeline_mode<synchronous>, transform_indices = @transform_2, window_bounds = array<i64: 512, 32>}, {pipeline_mode = #tpu.pipeline_mode<synchronous>, transform_indices = @transform_3, window_bounds = array<i64: 106, 32>}, {pipeline_mode = #tpu.pipeline_mode<synchronous>, transform_indices = @transform_4, window_bounds = array<i64: 64, 32>}, {pipeline_mode = #tpu.pipeline_mode<synchronous>, transform_indices = @transform_5, window_bounds = array<i64: 1, 32>}, {pipeline_mode = #tpu.pipeline_mode<synchronous>, transform_indices = @transform_6, window_bounds = array<i64: 32, 32>}, {pipeline_mode = #tpu.pipeline_mode<synchronous>, transform_indices = @transform_7, window_bounds = array<i64: 1, 32>}, {pipeline_mode = #tpu.pipeline_mode<synchronous>, transform_indices = @transform_8, window_bounds = array<i64: 20, 32>}, {transform_indices = @transform_9, window_bounds = array<i64: 2000, 32>}, {transform_indices = @transform_10, window_bounds = array<i64: 2000, 20>}]} {
    %get3A = arith.constant 0 : index
    %get3A_0 = arith.constant 0 : index
    %get3A_1 = arith.constant 0 : index
    %get3A_2 = vector.load %arg1[%get3A, %get3A_0, %get3A_1] : memref<1x1x2000xi32, #tpu.memory_space<vmem>>, vector<1x1x2000xi32>
    %get3A_3 = vector.shape_cast %get3A_2 : vector<1x1x2000xi32> to vector<2000xi32>
    %broadcast_in_dim3A = vector.shape_cast %get3A_3 : vector<2000xi32> to vector<2000x1xi32>
    %iota3A = tpu.iota {dimensions = array<i32: 1>} : vector<2000x106xi32>
    %eq3A = vector.broadcast %broadcast_in_dim3A : vector<2000x1xi32> to vector<2000x106xi32>
    %eq3A_4 = arith.cmpi eq, %eq3A, %iota3A : vector<2000x106xi32>
    %convert_element_type3A = arith.extui %eq3A_4 : vector<2000x106xi1> to vector<2000x106xi32>
    %convert_element_type3A_5 = arith.sitofp %convert_element_type3A : vector<2000x106xi32> to vector<2000x106xf32>
    %get3A_6 = arith.constant 0 : index
    %get3A_7 = arith.constant 0 : index
    %get3A_8 = vector.load %arg4[%get3A_6, %get3A_7] : memref<106x32xf32, #tpu.memory_space<vmem>>, vector<106x32xf32>
    %dot_general3A = arith.constant dense<0.000000e+00> : vector<2000x32xf32>
    %dot_general3A_9 = tpu.matmul %convert_element_type3A_5, %get3A_8, %dot_general3A {dimension_numbers = #tpu.dot_dimension_numbers<[1], [0], [0], [1], [0, 0, 1, 1], [], []>, transpose_lhs_hint = false} : vector<2000x106xf32>, vector<106x32xf32>, vector<2000x32xf32> -> vector<2000x32xf32>
    %get3A_10 = arith.constant 0 : index
    %get3A_11 = arith.constant 0 : index
    %get3A_12 = arith.constant 0 : index
    %get3A_13 = vector.load %arg2[%get3A_10, %get3A_11, %get3A_12] : memref<1x1x2000xi32, #tpu.memory_space<vmem>>, vector<1x1x2000xi32>
    %get3A_14 = vector.shape_cast %get3A_13 : vector<1x1x2000xi32> to vector<2000xi32>
    %broadcast_in_dim3A_15 = vector.shape_cast %get3A_14 : vector<2000xi32> to vector<2000x1xi32>
    %iota3A_16 = tpu.iota {dimensions = array<i32: 1>} : vector<2000x512xi32>
    %eq3A_17 = vector.broadcast %broadcast_in_dim3A_15 : vector<2000x1xi32> to vector<2000x512xi32>
    %eq3A_18 = arith.cmpi eq, %eq3A_17, %iota3A_16 : vector<2000x512xi32>
    %convert_element_type3A_19 = arith.extui %eq3A_18 : vector<2000x512xi1> to vector<2000x512xi32>
    %convert_element_type3A_20 = arith.sitofp %convert_element_type3A_19 : vector<2000x512xi32> to vector<2000x512xf32>
    %get3A_21 = arith.constant 0 : index
    %get3A_22 = arith.constant 0 : index
    %get3A_23 = vector.load %arg3[%get3A_21, %get3A_22] : memref<512x32xf32, #tpu.memory_space<vmem>>, vector<512x32xf32>
    %dot_general3A_24 = arith.constant dense<0.000000e+00> : vector<2000x32xf32>
    %dot_general3A_25 = tpu.matmul %convert_element_type3A_20, %get3A_23, %dot_general3A_24 {dimension_numbers = #tpu.dot_dimension_numbers<[1], [0], [0], [1], [0, 0, 1, 1], [], []>, transpose_lhs_hint = false} : vector<2000x512xf32>, vector<512x32xf32>, vector<2000x32xf32> -> vector<2000x32xf32>
    %concatenate3A = tpu.concatenate %dot_general3A_9, %dot_general3A_25 in 1 : vector<2000x32xf32>, vector<2000x32xf32> -> vector<2000x64xf32>
    %get3A_26 = arith.constant 0 : index
    %get3A_27 = arith.constant 0 : index
    %get3A_28 = vector.load %arg5[%get3A_26, %get3A_27] : memref<64x32xf32, #tpu.memory_space<vmem>>, vector<64x32xf32>
    %dot_general3A_29 = arith.constant dense<0.000000e+00> : vector<2000x32xf32>
    %dot_general3A_30 = tpu.matmul %concatenate3A, %get3A_28, %dot_general3A_29 {dimension_numbers = #tpu.dot_dimension_numbers<[1], [0], [0], [1], [0, 0, 1, 1], [], []>, transpose_lhs_hint = false} : vector<2000x64xf32>, vector<64x32xf32>, vector<2000x32xf32> -> vector<2000x32xf32>
    %get3A_31 = arith.constant 0 : index
    %get3A_32 = arith.constant 0 : index
    %get3A_33 = vector.load %arg6[%get3A_31, %get3A_32] : memref<1x32xf32, #tpu.memory_space<vmem>>, vector<1x32xf32>
    %add3A = vector.broadcast %get3A_33 : vector<1x32xf32> to vector<2000x32xf32>
    %add3A_34 = arith.addf %dot_general3A_30, %add3A : vector<2000x32xf32>
    %ge3A = arith.constant 0.000000e+00 : f32
    %ge3A_35 = vector.broadcast %ge3A : f32 to vector<2000x32xf32>
    %ge3A_36 = arith.cmpf oge, %add3A_34, %ge3A_35 : vector<2000x32xf32>
    %mul3A = arith.constant 0.00999999977 : f32
    %mul3A_37 = vector.broadcast %mul3A : f32 to vector<2000x32xf32>
    %mul3A_38 = arith.mulf %mul3A_37, %add3A_34 : vector<2000x32xf32>
    %select_n3A = arith.select %ge3A_36, %add3A_34, %mul3A_38 : vector<2000x32xi1>, vector<2000x32xf32>
    %get3A_39 = arith.constant 0 : index
    %get3A_40 = arith.constant 0 : index
    %get3A_41 = vector.load %arg7[%get3A_39, %get3A_40] : memref<32x32xf32, #tpu.memory_space<vmem>>, vector<32x32xf32>
    %dot_general3A_42 = arith.constant dense<0.000000e+00> : vector<2000x32xf32>
    %dot_general3A_43 = tpu.matmul %select_n3A, %get3A_41, %dot_general3A_42 {dimension_numbers = #tpu.dot_dimension_numbers<[1], [0], [0], [1], [0, 0, 1, 1], [], []>, transpose_lhs_hint = false} : vector<2000x32xf32>, vector<32x32xf32>, vector<2000x32xf32> -> vector<2000x32xf32>
    %get3A_44 = arith.constant 0 : index
    %get3A_45 = arith.constant 0 : index
    %get3A_46 = vector.load %arg8[%get3A_44, %get3A_45] : memref<1x32xf32, #tpu.memory_space<vmem>>, vector<1x32xf32>
    %add3A_47 = vector.broadcast %get3A_46 : vector<1x32xf32> to vector<2000x32xf32>
    %add3A_48 = arith.addf %dot_general3A_43, %add3A_47 : vector<2000x32xf32>
    %swap3A = arith.constant 0 : index
    %swap3A_49 = arith.constant 0 : index
    %swap3A_50 = vector.load %arg10[%swap3A, %swap3A_49] : memref<2000x32xf32, #tpu.memory_space<vmem>>, vector<2000x32xf32>
    tpu.vector_store %arg10[%swap3A, %swap3A_49], %add3A_48 {strides = array<i32>} : memref<2000x32xf32, #tpu.memory_space<vmem>>, vector<2000x32xf32>,
    %get3A_51 = arith.constant 0 : index
    %get3A_52 = arith.constant 0 : index
    %get3A_53 = vector.load %arg9[%get3A_51, %get3A_52] : memref<20x32xf32, #tpu.memory_space<vmem>>, vector<20x32xf32>
    %dot_general3A_54 = arith.constant dense<0.000000e+00> : vector<2000x20xf32>
    %dot_general3A_55 = tpu.matmul %add3A_48, %get3A_53, %dot_general3A_54 {dimension_numbers = #tpu.dot_dimension_numbers<[1], [1], [0], [0], [0, 0, 1, 0], [], []>, transpose_lhs_hint = false} : vector<2000x32xf32>, vector<20x32xf32>, vector<2000x20xf32> -> vector<2000x20xf32>
    %swap3A_56 = arith.constant 0 : index
    %swap3A_57 = arith.constant 0 : index
    %swap3A_58 = vector.load %arg11[%swap3A_56, %swap3A_57] : memref<2000x20xf32, #tpu.memory_space<vmem>>, vector<2000x20xf32>
    tpu.vector_store %arg11[%swap3A_56, %swap3A_57], %dot_general3A_55 {strides = array<i32>} : memref<2000x20xf32, #tpu.memory_space<vmem>>, vector<2000x20xf32>,
    return
  }
  func.func @transform_0(%arg0: i32) -> (i32, i32, i32) {
    %c0_i32 = arith.constant 0 : i32
    %c0_i32_0 = arith.constant 0 : i32
    %c0_i32_1 = arith.constant 0 : i32
    return %arg0, %c0_i32, %c0_i32_0 : i32, i32, i32
  }
  func.func @transform_1(%arg0: i32) -> (i32, i32, i32) {
    %c0_i32 = arith.constant 0 : i32
    %c0_i32_0 = arith.constant 0 : i32
    %c0_i32_1 = arith.constant 0 : i32
    return %arg0, %c0_i32, %c0_i32_0 : i32, i32, i32
  }
  func.func @transform_2(%arg0: i32) -> (i32, i32) {
    %c0_i32 = arith.constant 0 : i32
    %c0_i32_0 = arith.constant 0 : i32
    %c0_i32_1 = arith.constant 0 : i32
    return %c0_i32, %c0_i32_0 : i32, i32
  }
  func.func @transform_3(%arg0: i32) -> (i32, i32) {
    %c0_i32 = arith.constant 0 : i32
    %c0_i32_0 = arith.constant 0 : i32
    %c0_i32_1 = arith.constant 0 : i32
    return %c0_i32, %c0_i32_0 : i32, i32
  }
  func.func @transform_4(%arg0: i32) -> (i32, i32) {
    %c0_i32 = arith.constant 0 : i32
    %c0_i32_0 = arith.constant 0 : i32
    %c0_i32_1 = arith.constant 0 : i32
    return %c0_i32, %c0_i32_0 : i32, i32
  }
  func.func @transform_5(%arg0: i32) -> (i32, i32) {
    %c0_i32 = arith.constant 0 : i32
    %c0_i32_0 = arith.constant 0 : i32
    %c0_i32_1 = arith.constant 0 : i32
    return %c0_i32, %c0_i32_0 : i32, i32
  }
  func.func @transform_6(%arg0: i32) -> (i32, i32) {
    %c0_i32 = arith.constant 0 : i32
    %c0_i32_0 = arith.constant 0 : i32
    %c0_i32_1 = arith.constant 0 : i32
    return %c0_i32, %c0_i32_0 : i32, i32
  }
  func.func @transform_7(%arg0: i32) -> (i32, i32) {
    %c0_i32 = arith.constant 0 : i32
    %c0_i32_0 = arith.constant 0 : i32
    %c0_i32_1 = arith.constant 0 : i32
    return %c0_i32, %c0_i32_0 : i32, i32
  }
  func.func @transform_8(%arg0: i32) -> (i32, i32) {
    %c0_i32 = arith.constant 0 : i32
    %c0_i32_0 = arith.constant 0 : i32
    %c0_i32_1 = arith.constant 0 : i32
    return %c0_i32, %c0_i32_0 : i32, i32
  }
  func.func @transform_9(%arg0: i32) -> (i32, i32) {
    %c0_i32 = arith.constant 0 : i32
    %c0_i32_0 = arith.constant 0 : i32
    return %arg0, %c0_i32 : i32, i32
  }
  func.func @transform_10(%arg0: i32) -> (i32, i32) {
    %c0_i32 = arith.constant 0 : i32
    %c0_i32_0 = arith.constant 0 : i32
    return %arg0, %c0_i32 : i32, i32
  }
}

module attributes {stable_mosaic.version = 14 : i64} {
  func.func @_step_first_body(%arg0: i32, %arg1: memref<2000x32xf32, #tpu.memory_space<vmem>>, %arg2: memref<2x2000x21xf32, #tpu.memory_space<vmem>>, %arg3: memref<20x32xf32, #tpu.memory_space<vmem>>, %arg4: memref<32x32xf32, #tpu.memory_space<vmem>>, %arg5: memref<1x32xf32, #tpu.memory_space<vmem>>, %arg6: memref<96x32xf32, #tpu.memory_space<vmem>>, %arg7: memref<96x32xf32, #tpu.memory_space<vmem>>, %arg8: memref<3x32xf32, #tpu.memory_space<vmem>>, %arg9: memref<3x32xf32, #tpu.memory_space<vmem>>, %arg10: memref<2000x32xf32, #tpu.memory_space<vmem>>, %arg11: memref<2000x20xf32, #tpu.memory_space<vmem>>, %arg12: memref<2000x1xf32, #tpu.memory_space<vmem>>) attributes {dimension_semantics = [#tpu.dimension_semantics<arbitrary>], iteration_bounds = array<i64: 5>, scalar_prefetch = 0 : i64, scratch_operands = 0 : i64, tpu.core_type = #tpu.core_type<tc>, window_params = [{transform_indices = @transform_0, window_bounds = array<i64: 2000, 32>}, {transform_indices = @transform_1, window_bounds = array<i64: 2, 2000, 21>}, {pipeline_mode = #tpu.pipeline_mode<synchronous>, transform_indices = @transform_2, window_bounds = array<i64: 20, 32>}, {pipeline_mode = #tpu.pipeline_mode<synchronous>, transform_indices = @transform_3, window_bounds = array<i64: 32, 32>}, {pipeline_mode = #tpu.pipeline_mode<synchronous>, transform_indices = @transform_4, window_bounds = array<i64: 1, 32>}, {pipeline_mode = #tpu.pipeline_mode<synchronous>, transform_indices = @transform_5, window_bounds = array<i64: 96, 32>}, {pipeline_mode = #tpu.pipeline_mode<synchronous>, transform_indices = @transform_6, window_bounds = array<i64: 96, 32>}, {pipeline_mode = #tpu.pipeline_mode<synchronous>, transform_indices = @transform_7, window_bounds = array<i64: 3, 32>}, {pipeline_mode = #tpu.pipeline_mode<synchronous>, transform_indices = @transform_8, window_bounds = array<i64: 3, 32>}, {transform_indices = @transform_9, window_bounds = array<i64: 2000, 32>}, {transform_indices = @transform_10, window_bounds = array<i64: 2000, 20>}, {transform_indices = @transform_11, window_bounds = array<i64: 2000, 1>}]} {
    %get3A = arith.constant 0 : index
    %get3A_0 = arith.constant 0 : index
    %get3A_1 = vector.load %arg1[%get3A, %get3A_0] : memref<2000x32xf32, #tpu.memory_space<vmem>>, vector<2000x32xf32>
    %get3A_2 = arith.constant 0 : index
    %get3A_3 = arith.constant 0 : index
    %get3A_4 = arith.constant 0 : index
    %get3A_5 = vector.load %arg2[%get3A_2, %get3A_3, %get3A_4] : memref<2x2000x21xf32, #tpu.memory_space<vmem>>, vector<1x2000x21xf32>
    %get3A_6 = vector.shape_cast %get3A_5 : vector<1x2000x21xf32> to vector<2000x21xf32>
    %get3A_7 = arith.constant 1 : index
    %get3A_8 = arith.constant 0 : index
    %get3A_9 = arith.constant 0 : index
    %get3A_10 = vector.load %arg2[%get3A_7, %get3A_8, %get3A_9] : memref<2x2000x21xf32, #tpu.memory_space<vmem>>, vector<1x2000x21xf32>
    %get3A_11 = vector.shape_cast %get3A_10 : vector<1x2000x21xf32> to vector<2000x21xf32>
    %add3A = arith.addf %get3A_6, %get3A_11 : vector<2000x21xf32>
    %slice3A = vector.extract_strided_slice %add3A {offsets = [0, 20], sizes = [2000, 1], strides = [1, 1]} : vector<2000x21xf32> to vector<2000x1xf32>
    %max3A = arith.constant 1.000000e+00 : f32
    %max3A_12 = vector.broadcast %max3A : f32 to vector<2000x1xf32>
    %max3A_13 = arith.maximumf %slice3A, %max3A_12 : vector<2000x1xf32>
    %div3A = arith.constant 1.000000e+00 : f32
    %div3A_14 = vector.broadcast %div3A : f32 to vector<2000x1xf32>
    %div3A_15 = arith.divf %div3A_14, %max3A_13 : vector<2000x1xf32>
    %swap3A = arith.constant 0 : index
    %swap3A_16 = arith.constant 0 : index
    %swap3A_17 = vector.load %arg12[%swap3A, %swap3A_16] : memref<2000x1xf32, #tpu.memory_space<vmem>>, vector<2000x1xf32>
    tpu.vector_store %arg12[%swap3A, %swap3A_16], %div3A_15 {strides = array<i32>} : memref<2000x1xf32, #tpu.memory_space<vmem>>, vector<2000x1xf32>,
    %slice3A_18 = vector.extract_strided_slice %add3A {offsets = [0, 0], sizes = [2000, 20], strides = [1, 1]} : vector<2000x21xf32> to vector<2000x20xf32>
    %get3A_19 = arith.constant 0 : index
    %get3A_20 = arith.constant 0 : index
    %get3A_21 = vector.load %arg3[%get3A_19, %get3A_20] : memref<20x32xf32, #tpu.memory_space<vmem>>, vector<20x32xf32>
    %dot_general3A = arith.constant dense<0.000000e+00> : vector<2000x32xf32>
    %dot_general3A_22 = tpu.matmul %slice3A_18, %get3A_21, %dot_general3A {dimension_numbers = #tpu.dot_dimension_numbers<[1], [0], [0], [1], [0, 0, 1, 1], [], []>, transpose_lhs_hint = false} : vector<2000x20xf32>, vector<20x32xf32>, vector<2000x32xf32> -> vector<2000x32xf32>
    %mul3A = vector.broadcast %div3A_15 : vector<2000x1xf32> to vector<2000x32xf32>
    %mul3A_23 = arith.mulf %dot_general3A_22, %mul3A : vector<2000x32xf32>
    %get3A_24 = arith.constant 0 : index
    %get3A_25 = arith.constant 0 : index
    %get3A_26 = vector.load %arg4[%get3A_24, %get3A_25] : memref<32x32xf32, #tpu.memory_space<vmem>>, vector<32x32xf32>
    %dot_general3A_27 = arith.constant dense<0.000000e+00> : vector<2000x32xf32>
    %dot_general3A_28 = tpu.matmul %get3A_1, %get3A_26, %dot_general3A_27 {dimension_numbers = #tpu.dot_dimension_numbers<[1], [0], [0], [1], [0, 0, 1, 1], [], []>, transpose_lhs_hint = false} : vector<2000x32xf32>, vector<32x32xf32>, vector<2000x32xf32> -> vector<2000x32xf32>
    %add3A_29 = arith.addf %dot_general3A_28, %mul3A_23 : vector<2000x32xf32>
    %get3A_30 = arith.constant 0 : index
    %get3A_31 = arith.constant 0 : index
    %get3A_32 = vector.load %arg5[%get3A_30, %get3A_31] : memref<1x32xf32, #tpu.memory_space<vmem>>, vector<1x32xf32>
    %add3A_33 = vector.broadcast %get3A_32 : vector<1x32xf32> to vector<2000x32xf32>
    %add3A_34 = arith.addf %add3A_29, %add3A_33 : vector<2000x32xf32>
    %ge3A = arith.constant 0.000000e+00 : f32
    %ge3A_35 = vector.broadcast %ge3A : f32 to vector<2000x32xf32>
    %ge3A_36 = arith.cmpf oge, %add3A_34, %ge3A_35 : vector<2000x32xf32>
    %mul3A_37 = arith.constant 0.00999999977 : f32
    %mul3A_38 = vector.broadcast %mul3A_37 : f32 to vector<2000x32xf32>
    %mul3A_39 = arith.mulf %mul3A_38, %add3A_34 : vector<2000x32xf32>
    %select_n3A = arith.select %ge3A_36, %add3A_34, %mul3A_39 : vector<2000x32xi1>, vector<2000x32xf32>
    %get3A_40 = arith.constant 0 : index
    %get3A_41 = arith.constant 0 : index
    %get3A_42 = vector.load %arg6[%get3A_40, %get3A_41] : memref<96x32xf32, #tpu.memory_space<vmem>>, vector<96x32xf32>
    %get3A_43 = arith.constant 0 : index
    %get3A_44 = arith.constant 0 : index
    %get3A_45 = vector.load %arg7[%get3A_43, %get3A_44] : memref<96x32xf32, #tpu.memory_space<vmem>>, vector<96x32xf32>
    %get3A_46 = arith.constant 0 : index
    %get3A_47 = arith.constant 0 : index
    %get3A_48 = vector.load %arg8[%get3A_46, %get3A_47] : memref<3x32xf32, #tpu.memory_space<vmem>>, vector<3x32xf32>
    %get3A_49 = arith.constant 0 : index
    %get3A_50 = arith.constant 0 : index
    %get3A_51 = vector.load %arg9[%get3A_49, %get3A_50] : memref<3x32xf32, #tpu.memory_space<vmem>>, vector<3x32xf32>
    %slice3A_52 = vector.extract_strided_slice %get3A_42 {offsets = [0, 0], sizes = [32, 32], strides = [1, 1]} : vector<96x32xf32> to vector<32x32xf32>
    %dot_general3A_53 = arith.constant dense<0.000000e+00> : vector<2000x32xf32>
    %dot_general3A_54 = tpu.matmul %select_n3A, %slice3A_52, %dot_general3A_53 {dimension_numbers = #tpu.dot_dimension_numbers<[1], [1], [0], [0], [0, 0, 1, 0], [], []>, transpose_lhs_hint = false} : vector<2000x32xf32>, vector<32x32xf32>, vector<2000x32xf32> -> vector<2000x32xf32>
    %slice3A_55 = vector.extract_strided_slice %get3A_48 {offsets = [0, 0], sizes = [1, 32], strides = [1, 1]} : vector<3x32xf32> to vector<1x32xf32>
    %add3A_56 = vector.broadcast %slice3A_55 : vector<1x32xf32> to vector<2000x32xf32>
    %add3A_57 = arith.addf %dot_general3A_54, %add3A_56 : vector<2000x32xf32>
    %slice3A_58 = vector.extract_strided_slice %get3A_45 {offsets = [0, 0], sizes = [32, 32], strides = [1, 1]} : vector<96x32xf32> to vector<32x32xf32>
    %dot_general3A_59 = arith.constant dense<0.000000e+00> : vector<2000x32xf32>
    %dot_general3A_60 = tpu.matmul %get3A_1, %slice3A_58, %dot_general3A_59 {dimension_numbers = #tpu.dot_dimension_numbers<[1], [1], [0], [0], [0, 0, 1, 0], [], []>, transpose_lhs_hint = false} : vector<2000x32xf32>, vector<32x32xf32>, vector<2000x32xf32> -> vector<2000x32xf32>
    %add3A_61 = arith.addf %add3A_57, %dot_general3A_60 : vector<2000x32xf32>
    %slice3A_62 = vector.extract_strided_slice %get3A_51 {offsets = [0, 0], sizes = [1, 32], strides = [1, 1]} : vector<3x32xf32> to vector<1x32xf32>
    %add3A_63 = vector.broadcast %slice3A_62 : vector<1x32xf32> to vector<2000x32xf32>
    %add3A_64 = arith.addf %add3A_61, %add3A_63 : vector<2000x32xf32>
    %logistic3A = arith.negf %add3A_64 : vector<2000x32xf32>
    %logistic3A_65 = math.exp %logistic3A : vector<2000x32xf32>
    %logistic3A_66 = arith.constant 1.000000e+00 : f32
    %logistic3A_67 = vector.broadcast %logistic3A_66 : f32 to vector<2000x32xf32>
    %logistic3A_68 = arith.addf %logistic3A_67, %logistic3A_65 : vector<2000x32xf32>
    %logistic3A_69 = arith.divf %logistic3A_67, %logistic3A_68 : vector<2000x32xf32>
    %slice3A_70 = vector.extract_strided_slice %get3A_42 {offsets = [32, 0], sizes = [32, 32], strides = [1, 1]} : vector<96x32xf32> to vector<32x32xf32>
    %dot_general3A_71 = arith.constant dense<0.000000e+00> : vector<2000x32xf32>
    %dot_general3A_72 = tpu.matmul %select_n3A, %slice3A_70, %dot_general3A_71 {dimension_numbers = #tpu.dot_dimension_numbers<[1], [1], [0], [0], [0, 0, 1, 0], [], []>, transpose_lhs_hint = false} : vector<2000x32xf32>, vector<32x32xf32>, vector<2000x32xf32> -> vector<2000x32xf32>
    %slice3A_73 = vector.extract_strided_slice %get3A_48 {offsets = [1, 0], sizes = [1, 32], strides = [1, 1]} : vector<3x32xf32> to vector<1x32xf32>
    %add3A_74 = vector.broadcast %slice3A_73 : vector<1x32xf32> to vector<2000x32xf32>
    %add3A_75 = arith.addf %dot_general3A_72, %add3A_74 : vector<2000x32xf32>
    %slice3A_76 = vector.extract_strided_slice %get3A_45 {offsets = [32, 0], sizes = [32, 32], strides = [1, 1]} : vector<96x32xf32> to vector<32x32xf32>
    %dot_general3A_77 = arith.constant dense<0.000000e+00> : vector<2000x32xf32>
    %dot_general3A_78 = tpu.matmul %get3A_1, %slice3A_76, %dot_general3A_77 {dimension_numbers = #tpu.dot_dimension_numbers<[1], [1], [0], [0], [0, 0, 1, 0], [], []>, transpose_lhs_hint = false} : vector<2000x32xf32>, vector<32x32xf32>, vector<2000x32xf32> -> vector<2000x32xf32>
    %add3A_79 = arith.addf %add3A_75, %dot_general3A_78 : vector<2000x32xf32>
    %slice3A_80 = vector.extract_strided_slice %get3A_51 {offsets = [1, 0], sizes = [1, 32], strides = [1, 1]} : vector<3x32xf32> to vector<1x32xf32>
    %add3A_81 = vector.broadcast %slice3A_80 : vector<1x32xf32> to vector<2000x32xf32>
    %add3A_82 = arith.addf %add3A_79, %add3A_81 : vector<2000x32xf32>
    %logistic3A_83 = arith.negf %add3A_82 : vector<2000x32xf32>
    %logistic3A_84 = math.exp %logistic3A_83 : vector<2000x32xf32>
    %logistic3A_85 = arith.constant 1.000000e+00 : f32
    %logistic3A_86 = vector.broadcast %logistic3A_85 : f32 to vector<2000x32xf32>
    %logistic3A_87 = arith.addf %logistic3A_86, %logistic3A_84 : vector<2000x32xf32>
    %logistic3A_88 = arith.divf %logistic3A_86, %logistic3A_87 : vector<2000x32xf32>
    %slice3A_89 = vector.extract_strided_slice %get3A_42 {offsets = [64, 0], sizes = [32, 32], strides = [1, 1]} : vector<96x32xf32> to vector<32x32xf32>
    %dot_general3A_90 = arith.constant dense<0.000000e+00> : vector<2000x32xf32>
    %dot_general3A_91 = tpu.matmul %select_n3A, %slice3A_89, %dot_general3A_90 {dimension_numbers = #tpu.dot_dimension_numbers<[1], [1], [0], [0], [0, 0, 1, 0], [], []>, transpose_lhs_hint = false} : vector<2000x32xf32>, vector<32x32xf32>, vector<2000x32xf32> -> vector<2000x32xf32>
    %slice3A_92 = vector.extract_strided_slice %get3A_48 {offsets = [2, 0], sizes = [1, 32], strides = [1, 1]} : vector<3x32xf32> to vector<1x32xf32>
    %add3A_93 = vector.broadcast %slice3A_92 : vector<1x32xf32> to vector<2000x32xf32>
    %add3A_94 = arith.addf %dot_general3A_91, %add3A_93 : vector<2000x32xf32>
    %slice3A_95 = vector.extract_strided_slice %get3A_45 {offsets = [64, 0], sizes = [32, 32], strides = [1, 1]} : vector<96x32xf32> to vector<32x32xf32>
    %dot_general3A_96 = arith.constant dense<0.000000e+00> : vector<2000x32xf32>
    %dot_general3A_97 = tpu.matmul %get3A_1, %slice3A_95, %dot_general3A_96 {dimension_numbers = #tpu.dot_dimension_numbers<[1], [1], [0], [0], [0, 0, 1, 0], [], []>, transpose_lhs_hint = false} : vector<2000x32xf32>, vector<32x32xf32>, vector<2000x32xf32> -> vector<2000x32xf32>
    %slice3A_98 = vector.extract_strided_slice %get3A_51 {offsets = [2, 0], sizes = [1, 32], strides = [1, 1]} : vector<3x32xf32> to vector<1x32xf32>
    %add3A_99 = vector.broadcast %slice3A_98 : vector<1x32xf32> to vector<2000x32xf32>
    %add3A_100 = arith.addf %dot_general3A_97, %add3A_99 : vector<2000x32xf32>
    %mul3A_101 = arith.mulf %logistic3A_69, %add3A_100 : vector<2000x32xf32>
    %add3A_102 = arith.addf %add3A_94, %mul3A_101 : vector<2000x32xf32>
    %tanh3A = math.tanh %add3A_102 : vector<2000x32xf32>
    %sub3A = arith.constant 1.000000e+00 : f32
    %sub3A_103 = vector.broadcast %sub3A : f32 to vector<2000x32xf32>
    %sub3A_104 = arith.subf %sub3A_103, %logistic3A_88 : vector<2000x32xf32>
    %mul3A_105 = arith.mulf %sub3A_104, %tanh3A : vector<2000x32xf32>
    %mul3A_106 = arith.mulf %logistic3A_88, %get3A_1 : vector<2000x32xf32>
    %add3A_107 = arith.addf %mul3A_105, %mul3A_106 : vector<2000x32xf32>
    %swap3A_108 = arith.constant 0 : index
    %swap3A_109 = arith.constant 0 : index
    %swap3A_110 = vector.load %arg10[%swap3A_108, %swap3A_109] : memref<2000x32xf32, #tpu.memory_space<vmem>>, vector<2000x32xf32>
    tpu.vector_store %arg10[%swap3A_108, %swap3A_109], %add3A_107 {strides = array<i32>} : memref<2000x32xf32, #tpu.memory_space<vmem>>, vector<2000x32xf32>,
    %get3A_111 = arith.constant 0 : index
    %get3A_112 = arith.constant 0 : index
    %get3A_113 = vector.load %arg3[%get3A_111, %get3A_112] : memref<20x32xf32, #tpu.memory_space<vmem>>, vector<20x32xf32>
    %dot_general3A_114 = arith.constant dense<0.000000e+00> : vector<2000x20xf32>
    %dot_general3A_115 = tpu.matmul %add3A_107, %get3A_113, %dot_general3A_114 {dimension_numbers = #tpu.dot_dimension_numbers<[1], [1], [0], [0], [0, 0, 1, 0], [], []>, transpose_lhs_hint = false} : vector<2000x32xf32>, vector<20x32xf32>, vector<2000x20xf32> -> vector<2000x20xf32>
    %swap3A_116 = arith.constant 0 : index
    %swap3A_117 = arith.constant 0 : index
    %swap3A_118 = vector.load %arg11[%swap3A_116, %swap3A_117] : memref<2000x20xf32, #tpu.memory_space<vmem>>, vector<2000x20xf32>
    tpu.vector_store %arg11[%swap3A_116, %swap3A_117], %dot_general3A_115 {strides = array<i32>} : memref<2000x20xf32, #tpu.memory_space<vmem>>, vector<2000x20xf32>,
    return
  }
  func.func @transform_0(%arg0: i32) -> (i32, i32) {
    %c0_i32 = arith.constant 0 : i32
    %c0_i32_0 = arith.constant 0 : i32
    return %arg0, %c0_i32 : i32, i32
  }
  func.func @transform_1(%arg0: i32) -> (i32, i32, i32) {
    %c0_i32 = arith.constant 0 : i32
    %c0_i32_0 = arith.constant 0 : i32
    %c0_i32_1 = arith.constant 0 : i32
    return %c0_i32, %arg0, %c0_i32_0 : i32, i32, i32
  }
  func.func @transform_2(%arg0: i32) -> (i32, i32) {
    %c0_i32 = arith.constant 0 : i32
    %c0_i32_0 = arith.constant 0 : i32
    %c0_i32_1 = arith.constant 0 : i32
    return %c0_i32, %c0_i32_0 : i32, i32
  }
  func.func @transform_3(%arg0: i32) -> (i32, i32) {
    %c0_i32 = arith.constant 0 : i32
    %c0_i32_0 = arith.constant 0 : i32
    %c0_i32_1 = arith.constant 0 : i32
    return %c0_i32, %c0_i32_0 : i32, i32
  }
  func.func @transform_4(%arg0: i32) -> (i32, i32) {
    %c0_i32 = arith.constant 0 : i32
    %c0_i32_0 = arith.constant 0 : i32
    %c0_i32_1 = arith.constant 0 : i32
    return %c0_i32, %c0_i32_0 : i32, i32
  }
  func.func @transform_5(%arg0: i32) -> (i32, i32) {
    %c0_i32 = arith.constant 0 : i32
    %c0_i32_0 = arith.constant 0 : i32
    %c0_i32_1 = arith.constant 0 : i32
    return %c0_i32, %c0_i32_0 : i32, i32
  }
  func.func @transform_6(%arg0: i32) -> (i32, i32) {
    %c0_i32 = arith.constant 0 : i32
    %c0_i32_0 = arith.constant 0 : i32
    %c0_i32_1 = arith.constant 0 : i32
    return %c0_i32, %c0_i32_0 : i32, i32
  }
  func.func @transform_7(%arg0: i32) -> (i32, i32) {
    %c0_i32 = arith.constant 0 : i32
    %c0_i32_0 = arith.constant 0 : i32
    %c0_i32_1 = arith.constant 0 : i32
    return %c0_i32, %c0_i32_0 : i32, i32
  }
  func.func @transform_8(%arg0: i32) -> (i32, i32) {
    %c0_i32 = arith.constant 0 : i32
    %c0_i32_0 = arith.constant 0 : i32
    %c0_i32_1 = arith.constant 0 : i32
    return %c0_i32, %c0_i32_0 : i32, i32
  }
  func.func @transform_9(%arg0: i32) -> (i32, i32) {
    %c0_i32 = arith.constant 0 : i32
    %c0_i32_0 = arith.constant 0 : i32
    return %arg0, %c0_i32 : i32, i32
  }
  func.func @transform_10(%arg0: i32) -> (i32, i32) {
    %c0_i32 = arith.constant 0 : i32
    %c0_i32_0 = arith.constant 0 : i32
    return %arg0, %c0_i32 : i32, i32
  }
  func.func @transform_11(%arg0: i32) -> (i32, i32) {
    %c0_i32 = arith.constant 0 : i32
    %c0_i32_0 = arith.constant 0 : i32
    return %arg0, %c0_i32 : i32, i32
  }
}

module attributes {stable_mosaic.version = 14 : i64} {
  func.func @_step_rest_body(%arg0: i32, %arg1: memref<2000x32xf32, #tpu.memory_space<vmem>>, %arg2: memref<2x2000x21xf32, #tpu.memory_space<vmem>>, %arg3: memref<2000x1xf32, #tpu.memory_space<vmem>>, %arg4: memref<20x32xf32, #tpu.memory_space<vmem>>, %arg5: memref<32x32xf32, #tpu.memory_space<vmem>>, %arg6: memref<1x32xf32, #tpu.memory_space<vmem>>, %arg7: memref<96x32xf32, #tpu.memory_space<vmem>>, %arg8: memref<96x32xf32, #tpu.memory_space<vmem>>, %arg9: memref<3x32xf32, #tpu.memory_space<vmem>>, %arg10: memref<3x32xf32, #tpu.memory_space<vmem>>, %arg11: memref<2000x32xf32, #tpu.memory_space<vmem>>, %arg12: memref<2000x20xf32, #tpu.memory_space<vmem>>) attributes {dimension_semantics = [#tpu.dimension_semantics<arbitrary>], iteration_bounds = array<i64: 5>, scalar_prefetch = 0 : i64, scratch_operands = 0 : i64, tpu.core_type = #tpu.core_type<tc>, window_params = [{transform_indices = @transform_0, window_bounds = array<i64: 2000, 32>}, {transform_indices = @transform_1, window_bounds = array<i64: 2, 2000, 21>}, {transform_indices = @transform_2, window_bounds = array<i64: 2000, 1>}, {pipeline_mode = #tpu.pipeline_mode<synchronous>, transform_indices = @transform_3, window_bounds = array<i64: 20, 32>}, {pipeline_mode = #tpu.pipeline_mode<synchronous>, transform_indices = @transform_4, window_bounds = array<i64: 32, 32>}, {pipeline_mode = #tpu.pipeline_mode<synchronous>, transform_indices = @transform_5, window_bounds = array<i64: 1, 32>}, {pipeline_mode = #tpu.pipeline_mode<synchronous>, transform_indices = @transform_6, window_bounds = array<i64: 96, 32>}, {pipeline_mode = #tpu.pipeline_mode<synchronous>, transform_indices = @transform_7, window_bounds = array<i64: 96, 32>}, {pipeline_mode = #tpu.pipeline_mode<synchronous>, transform_indices = @transform_8, window_bounds = array<i64: 3, 32>}, {pipeline_mode = #tpu.pipeline_mode<synchronous>, transform_indices = @transform_9, window_bounds = array<i64: 3, 32>}, {transform_indices = @transform_10, window_bounds = array<i64: 2000, 32>}, {transform_indices = @transform_11, window_bounds = array<i64: 2000, 20>}]} {
    %get3A = arith.constant 0 : index
    %get3A_0 = arith.constant 0 : index
    %get3A_1 = vector.load %arg1[%get3A, %get3A_0] : memref<2000x32xf32, #tpu.memory_space<vmem>>, vector<2000x32xf32>
    %get3A_2 = arith.constant 0 : index
    %get3A_3 = arith.constant 0 : index
    %get3A_4 = arith.constant 0 : index
    %get3A_5 = vector.load %arg2[%get3A_2, %get3A_3, %get3A_4] : memref<2x2000x21xf32, #tpu.memory_space<vmem>>, vector<1x2000x21xf32>
    %get3A_6 = vector.shape_cast %get3A_5 : vector<1x2000x21xf32> to vector<2000x21xf32>
    %get3A_7 = arith.constant 1 : index
    %get3A_8 = arith.constant 0 : index
    %get3A_9 = arith.constant 0 : index
    %get3A_10 = vector.load %arg2[%get3A_7, %get3A_8, %get3A_9] : memref<2x2000x21xf32, #tpu.memory_space<vmem>>, vector<1x2000x21xf32>
    %get3A_11 = vector.shape_cast %get3A_10 : vector<1x2000x21xf32> to vector<2000x21xf32>
    %add3A = arith.addf %get3A_6, %get3A_11 : vector<2000x21xf32>
    %slice3A = vector.extract_strided_slice %add3A {offsets = [0, 0], sizes = [2000, 20], strides = [1, 1]} : vector<2000x21xf32> to vector<2000x20xf32>
    %get3A_12 = arith.constant 0 : index
    %get3A_13 = arith.constant 0 : index
    %get3A_14 = vector.load %arg4[%get3A_12, %get3A_13] : memref<20x32xf32, #tpu.memory_space<vmem>>, vector<20x32xf32>
    %dot_general3A = arith.constant dense<0.000000e+00> : vector<2000x32xf32>
    %dot_general3A_15 = tpu.matmul %slice3A, %get3A_14, %dot_general3A {dimension_numbers = #tpu.dot_dimension_numbers<[1], [0], [0], [1], [0, 0, 1, 1], [], []>, transpose_lhs_hint = false} : vector<2000x20xf32>, vector<20x32xf32>, vector<2000x32xf32> -> vector<2000x32xf32>
    %get3A_16 = arith.constant 0 : index
    %get3A_17 = arith.constant 0 : index
    %get3A_18 = vector.load %arg3[%get3A_16, %get3A_17] : memref<2000x1xf32, #tpu.memory_space<vmem>>, vector<2000x1xf32>
    %mul3A = vector.broadcast %get3A_18 : vector<2000x1xf32> to vector<2000x32xf32>
    %mul3A_19 = arith.mulf %dot_general3A_15, %mul3A : vector<2000x32xf32>
    %get3A_20 = arith.constant 0 : index
    %get3A_21 = arith.constant 0 : index
    %get3A_22 = vector.load %arg5[%get3A_20, %get3A_21] : memref<32x32xf32, #tpu.memory_space<vmem>>, vector<32x32xf32>
    %dot_general3A_23 = arith.constant dense<0.000000e+00> : vector<2000x32xf32>
    %dot_general3A_24 = tpu.matmul %get3A_1, %get3A_22, %dot_general3A_23 {dimension_numbers = #tpu.dot_dimension_numbers<[1], [0], [0], [1], [0, 0, 1, 1], [], []>, transpose_lhs_hint = false} : vector<2000x32xf32>, vector<32x32xf32>, vector<2000x32xf32> -> vector<2000x32xf32>
    %add3A_25 = arith.addf %dot_general3A_24, %mul3A_19 : vector<2000x32xf32>
    %get3A_26 = arith.constant 0 : index
    %get3A_27 = arith.constant 0 : index
    %get3A_28 = vector.load %arg6[%get3A_26, %get3A_27] : memref<1x32xf32, #tpu.memory_space<vmem>>, vector<1x32xf32>
    %add3A_29 = vector.broadcast %get3A_28 : vector<1x32xf32> to vector<2000x32xf32>
    %add3A_30 = arith.addf %add3A_25, %add3A_29 : vector<2000x32xf32>
    %ge3A = arith.constant 0.000000e+00 : f32
    %ge3A_31 = vector.broadcast %ge3A : f32 to vector<2000x32xf32>
    %ge3A_32 = arith.cmpf oge, %add3A_30, %ge3A_31 : vector<2000x32xf32>
    %mul3A_33 = arith.constant 0.00999999977 : f32
    %mul3A_34 = vector.broadcast %mul3A_33 : f32 to vector<2000x32xf32>
    %mul3A_35 = arith.mulf %mul3A_34, %add3A_30 : vector<2000x32xf32>
    %select_n3A = arith.select %ge3A_32, %add3A_30, %mul3A_35 : vector<2000x32xi1>, vector<2000x32xf32>
    %get3A_36 = arith.constant 0 : index
    %get3A_37 = arith.constant 0 : index
    %get3A_38 = vector.load %arg7[%get3A_36, %get3A_37] : memref<96x32xf32, #tpu.memory_space<vmem>>, vector<96x32xf32>
    %get3A_39 = arith.constant 0 : index
    %get3A_40 = arith.constant 0 : index
    %get3A_41 = vector.load %arg8[%get3A_39, %get3A_40] : memref<96x32xf32, #tpu.memory_space<vmem>>, vector<96x32xf32>
    %get3A_42 = arith.constant 0 : index
    %get3A_43 = arith.constant 0 : index
    %get3A_44 = vector.load %arg9[%get3A_42, %get3A_43] : memref<3x32xf32, #tpu.memory_space<vmem>>, vector<3x32xf32>
    %get3A_45 = arith.constant 0 : index
    %get3A_46 = arith.constant 0 : index
    %get3A_47 = vector.load %arg10[%get3A_45, %get3A_46] : memref<3x32xf32, #tpu.memory_space<vmem>>, vector<3x32xf32>
    %slice3A_48 = vector.extract_strided_slice %get3A_38 {offsets = [0, 0], sizes = [32, 32], strides = [1, 1]} : vector<96x32xf32> to vector<32x32xf32>
    %dot_general3A_49 = arith.constant dense<0.000000e+00> : vector<2000x32xf32>
    %dot_general3A_50 = tpu.matmul %select_n3A, %slice3A_48, %dot_general3A_49 {dimension_numbers = #tpu.dot_dimension_numbers<[1], [1], [0], [0], [0, 0, 1, 0], [], []>, transpose_lhs_hint = false} : vector<2000x32xf32>, vector<32x32xf32>, vector<2000x32xf32> -> vector<2000x32xf32>
    %slice3A_51 = vector.extract_strided_slice %get3A_44 {offsets = [0, 0], sizes = [1, 32], strides = [1, 1]} : vector<3x32xf32> to vector<1x32xf32>
    %add3A_52 = vector.broadcast %slice3A_51 : vector<1x32xf32> to vector<2000x32xf32>
    %add3A_53 = arith.addf %dot_general3A_50, %add3A_52 : vector<2000x32xf32>
    %slice3A_54 = vector.extract_strided_slice %get3A_41 {offsets = [0, 0], sizes = [32, 32], strides = [1, 1]} : vector<96x32xf32> to vector<32x32xf32>
    %dot_general3A_55 = arith.constant dense<0.000000e+00> : vector<2000x32xf32>
    %dot_general3A_56 = tpu.matmul %get3A_1, %slice3A_54, %dot_general3A_55 {dimension_numbers = #tpu.dot_dimension_numbers<[1], [1], [0], [0], [0, 0, 1, 0], [], []>, transpose_lhs_hint = false} : vector<2000x32xf32>, vector<32x32xf32>, vector<2000x32xf32> -> vector<2000x32xf32>
    %add3A_57 = arith.addf %add3A_53, %dot_general3A_56 : vector<2000x32xf32>
    %slice3A_58 = vector.extract_strided_slice %get3A_47 {offsets = [0, 0], sizes = [1, 32], strides = [1, 1]} : vector<3x32xf32> to vector<1x32xf32>
    %add3A_59 = vector.broadcast %slice3A_58 : vector<1x32xf32> to vector<2000x32xf32>
    %add3A_60 = arith.addf %add3A_57, %add3A_59 : vector<2000x32xf32>
    %logistic3A = arith.negf %add3A_60 : vector<2000x32xf32>
    %logistic3A_61 = math.exp %logistic3A : vector<2000x32xf32>
    %logistic3A_62 = arith.constant 1.000000e+00 : f32
    %logistic3A_63 = vector.broadcast %logistic3A_62 : f32 to vector<2000x32xf32>
    %logistic3A_64 = arith.addf %logistic3A_63, %logistic3A_61 : vector<2000x32xf32>
    %logistic3A_65 = arith.divf %logistic3A_63, %logistic3A_64 : vector<2000x32xf32>
    %slice3A_66 = vector.extract_strided_slice %get3A_38 {offsets = [32, 0], sizes = [32, 32], strides = [1, 1]} : vector<96x32xf32> to vector<32x32xf32>
    %dot_general3A_67 = arith.constant dense<0.000000e+00> : vector<2000x32xf32>
    %dot_general3A_68 = tpu.matmul %select_n3A, %slice3A_66, %dot_general3A_67 {dimension_numbers = #tpu.dot_dimension_numbers<[1], [1], [0], [0], [0, 0, 1, 0], [], []>, transpose_lhs_hint = false} : vector<2000x32xf32>, vector<32x32xf32>, vector<2000x32xf32> -> vector<2000x32xf32>
    %slice3A_69 = vector.extract_strided_slice %get3A_44 {offsets = [1, 0], sizes = [1, 32], strides = [1, 1]} : vector<3x32xf32> to vector<1x32xf32>
    %add3A_70 = vector.broadcast %slice3A_69 : vector<1x32xf32> to vector<2000x32xf32>
    %add3A_71 = arith.addf %dot_general3A_68, %add3A_70 : vector<2000x32xf32>
    %slice3A_72 = vector.extract_strided_slice %get3A_41 {offsets = [32, 0], sizes = [32, 32], strides = [1, 1]} : vector<96x32xf32> to vector<32x32xf32>
    %dot_general3A_73 = arith.constant dense<0.000000e+00> : vector<2000x32xf32>
    %dot_general3A_74 = tpu.matmul %get3A_1, %slice3A_72, %dot_general3A_73 {dimension_numbers = #tpu.dot_dimension_numbers<[1], [1], [0], [0], [0, 0, 1, 0], [], []>, transpose_lhs_hint = false} : vector<2000x32xf32>, vector<32x32xf32>, vector<2000x32xf32> -> vector<2000x32xf32>
    %add3A_75 = arith.addf %add3A_71, %dot_general3A_74 : vector<2000x32xf32>
    %slice3A_76 = vector.extract_strided_slice %get3A_47 {offsets = [1, 0], sizes = [1, 32], strides = [1, 1]} : vector<3x32xf32> to vector<1x32xf32>
    %add3A_77 = vector.broadcast %slice3A_76 : vector<1x32xf32> to vector<2000x32xf32>
    %add3A_78 = arith.addf %add3A_75, %add3A_77 : vector<2000x32xf32>
    %logistic3A_79 = arith.negf %add3A_78 : vector<2000x32xf32>
    %logistic3A_80 = math.exp %logistic3A_79 : vector<2000x32xf32>
    %logistic3A_81 = arith.constant 1.000000e+00 : f32
    %logistic3A_82 = vector.broadcast %logistic3A_81 : f32 to vector<2000x32xf32>
    %logistic3A_83 = arith.addf %logistic3A_82, %logistic3A_80 : vector<2000x32xf32>
    %logistic3A_84 = arith.divf %logistic3A_82, %logistic3A_83 : vector<2000x32xf32>
    %slice3A_85 = vector.extract_strided_slice %get3A_38 {offsets = [64, 0], sizes = [32, 32], strides = [1, 1]} : vector<96x32xf32> to vector<32x32xf32>
    %dot_general3A_86 = arith.constant dense<0.000000e+00> : vector<2000x32xf32>
    %dot_general3A_87 = tpu.matmul %select_n3A, %slice3A_85, %dot_general3A_86 {dimension_numbers = #tpu.dot_dimension_numbers<[1], [1], [0], [0], [0, 0, 1, 0], [], []>, transpose_lhs_hint = false} : vector<2000x32xf32>, vector<32x32xf32>, vector<2000x32xf32> -> vector<2000x32xf32>
    %slice3A_88 = vector.extract_strided_slice %get3A_44 {offsets = [2, 0], sizes = [1, 32], strides = [1, 1]} : vector<3x32xf32> to vector<1x32xf32>
    %add3A_89 = vector.broadcast %slice3A_88 : vector<1x32xf32> to vector<2000x32xf32>
    %add3A_90 = arith.addf %dot_general3A_87, %add3A_89 : vector<2000x32xf32>
    %slice3A_91 = vector.extract_strided_slice %get3A_41 {offsets = [64, 0], sizes = [32, 32], strides = [1, 1]} : vector<96x32xf32> to vector<32x32xf32>
    %dot_general3A_92 = arith.constant dense<0.000000e+00> : vector<2000x32xf32>
    %dot_general3A_93 = tpu.matmul %get3A_1, %slice3A_91, %dot_general3A_92 {dimension_numbers = #tpu.dot_dimension_numbers<[1], [1], [0], [0], [0, 0, 1, 0], [], []>, transpose_lhs_hint = false} : vector<2000x32xf32>, vector<32x32xf32>, vector<2000x32xf32> -> vector<2000x32xf32>
    %slice3A_94 = vector.extract_strided_slice %get3A_47 {offsets = [2, 0], sizes = [1, 32], strides = [1, 1]} : vector<3x32xf32> to vector<1x32xf32>
    %add3A_95 = vector.broadcast %slice3A_94 : vector<1x32xf32> to vector<2000x32xf32>
    %add3A_96 = arith.addf %dot_general3A_93, %add3A_95 : vector<2000x32xf32>
    %mul3A_97 = arith.mulf %logistic3A_65, %add3A_96 : vector<2000x32xf32>
    %add3A_98 = arith.addf %add3A_90, %mul3A_97 : vector<2000x32xf32>
    %tanh3A = math.tanh %add3A_98 : vector<2000x32xf32>
    %sub3A = arith.constant 1.000000e+00 : f32
    %sub3A_99 = vector.broadcast %sub3A : f32 to vector<2000x32xf32>
    %sub3A_100 = arith.subf %sub3A_99, %logistic3A_84 : vector<2000x32xf32>
    %mul3A_101 = arith.mulf %sub3A_100, %tanh3A : vector<2000x32xf32>
    %mul3A_102 = arith.mulf %logistic3A_84, %get3A_1 : vector<2000x32xf32>
    %add3A_103 = arith.addf %mul3A_101, %mul3A_102 : vector<2000x32xf32>
    %swap3A = arith.constant 0 : index
    %swap3A_104 = arith.constant 0 : index
    %swap3A_105 = vector.load %arg11[%swap3A, %swap3A_104] : memref<2000x32xf32, #tpu.memory_space<vmem>>, vector<2000x32xf32>
    tpu.vector_store %arg11[%swap3A, %swap3A_104], %add3A_103 {strides = array<i32>} : memref<2000x32xf32, #tpu.memory_space<vmem>>, vector<2000x32xf32>,
    %get3A_106 = arith.constant 0 : index
    %get3A_107 = arith.constant 0 : index
    %get3A_108 = vector.load %arg4[%get3A_106, %get3A_107] : memref<20x32xf32, #tpu.memory_space<vmem>>, vector<20x32xf32>
    %dot_general3A_109 = arith.constant dense<0.000000e+00> : vector<2000x20xf32>
    %dot_general3A_110 = tpu.matmul %add3A_103, %get3A_108, %dot_general3A_109 {dimension_numbers = #tpu.dot_dimension_numbers<[1], [1], [0], [0], [0, 0, 1, 0], [], []>, transpose_lhs_hint = false} : vector<2000x32xf32>, vector<20x32xf32>, vector<2000x20xf32> -> vector<2000x20xf32>
    %swap3A_111 = arith.constant 0 : index
    %swap3A_112 = arith.constant 0 : index
    %swap3A_113 = vector.load %arg12[%swap3A_111, %swap3A_112] : memref<2000x20xf32, #tpu.memory_space<vmem>>, vector<2000x20xf32>
    tpu.vector_store %arg12[%swap3A_111, %swap3A_112], %dot_general3A_110 {strides = array<i32>} : memref<2000x20xf32, #tpu.memory_space<vmem>>, vector<2000x20xf32>,
    return
  }
  func.func @transform_0(%arg0: i32) -> (i32, i32) {
    %c0_i32 = arith.constant 0 : i32
    %c0_i32_0 = arith.constant 0 : i32
    return %arg0, %c0_i32 : i32, i32
  }
  func.func @transform_1(%arg0: i32) -> (i32, i32, i32) {
    %c0_i32 = arith.constant 0 : i32
    %c0_i32_0 = arith.constant 0 : i32
    %c0_i32_1 = arith.constant 0 : i32
    return %c0_i32, %arg0, %c0_i32_0 : i32, i32, i32
  }
  func.func @transform_2(%arg0: i32) -> (i32, i32) {
    %c0_i32 = arith.constant 0 : i32
    %c0_i32_0 = arith.constant 0 : i32
    return %arg0, %c0_i32 : i32, i32
  }
  func.func @transform_3(%arg0: i32) -> (i32, i32) {
    %c0_i32 = arith.constant 0 : i32
    %c0_i32_0 = arith.constant 0 : i32
    %c0_i32_1 = arith.constant 0 : i32
    return %c0_i32, %c0_i32_0 : i32, i32
  }
  func.func @transform_4(%arg0: i32) -> (i32, i32) {
    %c0_i32 = arith.constant 0 : i32
    %c0_i32_0 = arith.constant 0 : i32
    %c0_i32_1 = arith.constant 0 : i32
    return %c0_i32, %c0_i32_0 : i32, i32
  }
  func.func @transform_5(%arg0: i32) -> (i32, i32) {
    %c0_i32 = arith.constant 0 : i32
    %c0_i32_0 = arith.constant 0 : i32
    %c0_i32_1 = arith.constant 0 : i32
    return %c0_i32, %c0_i32_0 : i32, i32
  }
  func.func @transform_6(%arg0: i32) -> (i32, i32) {
    %c0_i32 = arith.constant 0 : i32
    %c0_i32_0 = arith.constant 0 : i32
    %c0_i32_1 = arith.constant 0 : i32
    return %c0_i32, %c0_i32_0 : i32, i32
  }
  func.func @transform_7(%arg0: i32) -> (i32, i32) {
    %c0_i32 = arith.constant 0 : i32
    %c0_i32_0 = arith.constant 0 : i32
    %c0_i32_1 = arith.constant 0 : i32
    return %c0_i32, %c0_i32_0 : i32, i32
  }
  func.func @transform_8(%arg0: i32) -> (i32, i32) {
    %c0_i32 = arith.constant 0 : i32
    %c0_i32_0 = arith.constant 0 : i32
    %c0_i32_1 = arith.constant 0 : i32
    return %c0_i32, %c0_i32_0 : i32, i32
  }
  func.func @transform_9(%arg0: i32) -> (i32, i32) {
    %c0_i32 = arith.constant 0 : i32
    %c0_i32_0 = arith.constant 0 : i32
    %c0_i32_1 = arith.constant 0 : i32
    return %c0_i32, %c0_i32_0 : i32, i32
  }
  func.func @transform_10(%arg0: i32) -> (i32, i32) {
    %c0_i32 = arith.constant 0 : i32
    %c0_i32_0 = arith.constant 0 : i32
    return %arg0, %c0_i32 : i32, i32
  }
  func.func @transform_11(%arg0: i32) -> (i32, i32) {
    %c0_i32 = arith.constant 0 : i32
    %c0_i32_0 = arith.constant 0 : i32
    return %arg0, %c0_i32 : i32, i32
  }
}

module attributes {stable_mosaic.version = 14 : i64} {
  func.func @_step_last_body(%arg0: i32, %arg1: memref<2000x32xf32, #tpu.memory_space<vmem>>, %arg2: memref<2x2000x21xf32, #tpu.memory_space<vmem>>, %arg3: memref<2000x1xf32, #tpu.memory_space<vmem>>, %arg4: memref<1x1x2000xi32, #tpu.memory_space<vmem>>, %arg5: memref<20x32xf32, #tpu.memory_space<vmem>>, %arg6: memref<32x32xf32, #tpu.memory_space<vmem>>, %arg7: memref<1x32xf32, #tpu.memory_space<vmem>>, %arg8: memref<96x32xf32, #tpu.memory_space<vmem>>, %arg9: memref<96x32xf32, #tpu.memory_space<vmem>>, %arg10: memref<3x32xf32, #tpu.memory_space<vmem>>, %arg11: memref<3x32xf32, #tpu.memory_space<vmem>>, %arg12: memref<512x32xf32, #tpu.memory_space<vmem>>, %arg13: memref<512x33xf32, #tpu.memory_space<vmem>>) attributes {dimension_semantics = [#tpu.dimension_semantics<arbitrary>], iteration_bounds = array<i64: 5>, scalar_prefetch = 0 : i64, scratch_operands = 1 : i64, tpu.core_type = #tpu.core_type<tc>, window_params = [{transform_indices = @transform_0, window_bounds = array<i64: 2000, 32>}, {transform_indices = @transform_1, window_bounds = array<i64: 2, 2000, 21>}, {transform_indices = @transform_2, window_bounds = array<i64: 2000, 1>}, {transform_indices = @transform_3, window_bounds = array<i64: 1, 1, 2000>}, {pipeline_mode = #tpu.pipeline_mode<synchronous>, transform_indices = @transform_4, window_bounds = array<i64: 20, 32>}, {pipeline_mode = #tpu.pipeline_mode<synchronous>, transform_indices = @transform_5, window_bounds = array<i64: 32, 32>}, {pipeline_mode = #tpu.pipeline_mode<synchronous>, transform_indices = @transform_6, window_bounds = array<i64: 1, 32>}, {pipeline_mode = #tpu.pipeline_mode<synchronous>, transform_indices = @transform_7, window_bounds = array<i64: 96, 32>}, {pipeline_mode = #tpu.pipeline_mode<synchronous>, transform_indices = @transform_8, window_bounds = array<i64: 96, 32>}, {pipeline_mode = #tpu.pipeline_mode<synchronous>, transform_indices = @transform_9, window_bounds = array<i64: 3, 32>}, {pipeline_mode = #tpu.pipeline_mode<synchronous>, transform_indices = @transform_10, window_bounds = array<i64: 3, 32>}, {pipeline_mode = #tpu.pipeline_mode<synchronous>, transform_indices = @transform_11, window_bounds = array<i64: 512, 32>}]} {
    %get3A = arith.constant 0 : index
    %get3A_0 = arith.constant 0 : index
    %get3A_1 = vector.load %arg1[%get3A, %get3A_0] : memref<2000x32xf32, #tpu.memory_space<vmem>>, vector<2000x32xf32>
    %get3A_2 = arith.constant 0 : index
    %get3A_3 = arith.constant 0 : index
    %get3A_4 = arith.constant 0 : index
    %get3A_5 = vector.load %arg2[%get3A_2, %get3A_3, %get3A_4] : memref<2x2000x21xf32, #tpu.memory_space<vmem>>, vector<1x2000x21xf32>
    %get3A_6 = vector.shape_cast %get3A_5 : vector<1x2000x21xf32> to vector<2000x21xf32>
    %get3A_7 = arith.constant 1 : index
    %get3A_8 = arith.constant 0 : index
    %get3A_9 = arith.constant 0 : index
    %get3A_10 = vector.load %arg2[%get3A_7, %get3A_8, %get3A_9] : memref<2x2000x21xf32, #tpu.memory_space<vmem>>, vector<1x2000x21xf32>
    %get3A_11 = vector.shape_cast %get3A_10 : vector<1x2000x21xf32> to vector<2000x21xf32>
    %add3A = arith.addf %get3A_6, %get3A_11 : vector<2000x21xf32>
    %slice3A = vector.extract_strided_slice %add3A {offsets = [0, 0], sizes = [2000, 20], strides = [1, 1]} : vector<2000x21xf32> to vector<2000x20xf32>
    %get3A_12 = arith.constant 0 : index
    %get3A_13 = arith.constant 0 : index
    %get3A_14 = vector.load %arg5[%get3A_12, %get3A_13] : memref<20x32xf32, #tpu.memory_space<vmem>>, vector<20x32xf32>
    %dot_general3A = arith.constant dense<0.000000e+00> : vector<2000x32xf32>
    %dot_general3A_15 = tpu.matmul %slice3A, %get3A_14, %dot_general3A {dimension_numbers = #tpu.dot_dimension_numbers<[1], [0], [0], [1], [0, 0, 1, 1], [], []>, transpose_lhs_hint = false} : vector<2000x20xf32>, vector<20x32xf32>, vector<2000x32xf32> -> vector<2000x32xf32>
    %get3A_16 = arith.constant 0 : index
    %get3A_17 = arith.constant 0 : index
    %get3A_18 = vector.load %arg3[%get3A_16, %get3A_17] : memref<2000x1xf32, #tpu.memory_space<vmem>>, vector<2000x1xf32>
    %mul3A = vector.broadcast %get3A_18 : vector<2000x1xf32> to vector<2000x32xf32>
    %mul3A_19 = arith.mulf %dot_general3A_15, %mul3A : vector<2000x32xf32>
    %get3A_20 = arith.constant 0 : index
    %get3A_21 = arith.constant 0 : index
    %get3A_22 = vector.load %arg6[%get3A_20, %get3A_21] : memref<32x32xf32, #tpu.memory_space<vmem>>, vector<32x32xf32>
    %dot_general3A_23 = arith.constant dense<0.000000e+00> : vector<2000x32xf32>
    %dot_general3A_24 = tpu.matmul %get3A_1, %get3A_22, %dot_general3A_23 {dimension_numbers = #tpu.dot_dimension_numbers<[1], [0], [0], [1], [0, 0, 1, 1], [], []>, transpose_lhs_hint = false} : vector<2000x32xf32>, vector<32x32xf32>, vector<2000x32xf32> -> vector<2000x32xf32>
    %add3A_25 = arith.addf %dot_general3A_24, %mul3A_19 : vector<2000x32xf32>
    %get3A_26 = arith.constant 0 : index
    %get3A_27 = arith.constant 0 : index
    %get3A_28 = vector.load %arg7[%get3A_26, %get3A_27] : memref<1x32xf32, #tpu.memory_space<vmem>>, vector<1x32xf32>
    %add3A_29 = vector.broadcast %get3A_28 : vector<1x32xf32> to vector<2000x32xf32>
    %add3A_30 = arith.addf %add3A_25, %add3A_29 : vector<2000x32xf32>
    %ge3A = arith.constant 0.000000e+00 : f32
    %ge3A_31 = vector.broadcast %ge3A : f32 to vector<2000x32xf32>
    %ge3A_32 = arith.cmpf oge, %add3A_30, %ge3A_31 : vector<2000x32xf32>
    %mul3A_33 = arith.constant 0.00999999977 : f32
    %mul3A_34 = vector.broadcast %mul3A_33 : f32 to vector<2000x32xf32>
    %mul3A_35 = arith.mulf %mul3A_34, %add3A_30 : vector<2000x32xf32>
    %select_n3A = arith.select %ge3A_32, %add3A_30, %mul3A_35 : vector<2000x32xi1>, vector<2000x32xf32>
    %get3A_36 = arith.constant 0 : index
    %get3A_37 = arith.constant 0 : index
    %get3A_38 = vector.load %arg8[%get3A_36, %get3A_37] : memref<96x32xf32, #tpu.memory_space<vmem>>, vector<96x32xf32>
    %get3A_39 = arith.constant 0 : index
    %get3A_40 = arith.constant 0 : index
    %get3A_41 = vector.load %arg9[%get3A_39, %get3A_40] : memref<96x32xf32, #tpu.memory_space<vmem>>, vector<96x32xf32>
    %get3A_42 = arith.constant 0 : index
    %get3A_43 = arith.constant 0 : index
    %get3A_44 = vector.load %arg10[%get3A_42, %get3A_43] : memref<3x32xf32, #tpu.memory_space<vmem>>, vector<3x32xf32>
    %get3A_45 = arith.constant 0 : index
    %get3A_46 = arith.constant 0 : index
    %get3A_47 = vector.load %arg11[%get3A_45, %get3A_46] : memref<3x32xf32, #tpu.memory_space<vmem>>, vector<3x32xf32>
    %slice3A_48 = vector.extract_strided_slice %get3A_38 {offsets = [0, 0], sizes = [32, 32], strides = [1, 1]} : vector<96x32xf32> to vector<32x32xf32>
    %dot_general3A_49 = arith.constant dense<0.000000e+00> : vector<2000x32xf32>
    %dot_general3A_50 = tpu.matmul %select_n3A, %slice3A_48, %dot_general3A_49 {dimension_numbers = #tpu.dot_dimension_numbers<[1], [1], [0], [0], [0, 0, 1, 0], [], []>, transpose_lhs_hint = false} : vector<2000x32xf32>, vector<32x32xf32>, vector<2000x32xf32> -> vector<2000x32xf32>
    %slice3A_51 = vector.extract_strided_slice %get3A_44 {offsets = [0, 0], sizes = [1, 32], strides = [1, 1]} : vector<3x32xf32> to vector<1x32xf32>
    %add3A_52 = vector.broadcast %slice3A_51 : vector<1x32xf32> to vector<2000x32xf32>
    %add3A_53 = arith.addf %dot_general3A_50, %add3A_52 : vector<2000x32xf32>
    %slice3A_54 = vector.extract_strided_slice %get3A_41 {offsets = [0, 0], sizes = [32, 32], strides = [1, 1]} : vector<96x32xf32> to vector<32x32xf32>
    %dot_general3A_55 = arith.constant dense<0.000000e+00> : vector<2000x32xf32>
    %dot_general3A_56 = tpu.matmul %get3A_1, %slice3A_54, %dot_general3A_55 {dimension_numbers = #tpu.dot_dimension_numbers<[1], [1], [0], [0], [0, 0, 1, 0], [], []>, transpose_lhs_hint = false} : vector<2000x32xf32>, vector<32x32xf32>, vector<2000x32xf32> -> vector<2000x32xf32>
    %add3A_57 = arith.addf %add3A_53, %dot_general3A_56 : vector<2000x32xf32>
    %slice3A_58 = vector.extract_strided_slice %get3A_47 {offsets = [0, 0], sizes = [1, 32], strides = [1, 1]} : vector<3x32xf32> to vector<1x32xf32>
    %add3A_59 = vector.broadcast %slice3A_58 : vector<1x32xf32> to vector<2000x32xf32>
    %add3A_60 = arith.addf %add3A_57, %add3A_59 : vector<2000x32xf32>
    %logistic3A = arith.negf %add3A_60 : vector<2000x32xf32>
    %logistic3A_61 = math.exp %logistic3A : vector<2000x32xf32>
    %logistic3A_62 = arith.constant 1.000000e+00 : f32
    %logistic3A_63 = vector.broadcast %logistic3A_62 : f32 to vector<2000x32xf32>
    %logistic3A_64 = arith.addf %logistic3A_63, %logistic3A_61 : vector<2000x32xf32>
    %logistic3A_65 = arith.divf %logistic3A_63, %logistic3A_64 : vector<2000x32xf32>
    %slice3A_66 = vector.extract_strided_slice %get3A_38 {offsets = [32, 0], sizes = [32, 32], strides = [1, 1]} : vector<96x32xf32> to vector<32x32xf32>
    %dot_general3A_67 = arith.constant dense<0.000000e+00> : vector<2000x32xf32>
    %dot_general3A_68 = tpu.matmul %select_n3A, %slice3A_66, %dot_general3A_67 {dimension_numbers = #tpu.dot_dimension_numbers<[1], [1], [0], [0], [0, 0, 1, 0], [], []>, transpose_lhs_hint = false} : vector<2000x32xf32>, vector<32x32xf32>, vector<2000x32xf32> -> vector<2000x32xf32>
    %slice3A_69 = vector.extract_strided_slice %get3A_44 {offsets = [1, 0], sizes = [1, 32], strides = [1, 1]} : vector<3x32xf32> to vector<1x32xf32>
    %add3A_70 = vector.broadcast %slice3A_69 : vector<1x32xf32> to vector<2000x32xf32>
    %add3A_71 = arith.addf %dot_general3A_68, %add3A_70 : vector<2000x32xf32>
    %slice3A_72 = vector.extract_strided_slice %get3A_41 {offsets = [32, 0], sizes = [32, 32], strides = [1, 1]} : vector<96x32xf32> to vector<32x32xf32>
    %dot_general3A_73 = arith.constant dense<0.000000e+00> : vector<2000x32xf32>
    %dot_general3A_74 = tpu.matmul %get3A_1, %slice3A_72, %dot_general3A_73 {dimension_numbers = #tpu.dot_dimension_numbers<[1], [1], [0], [0], [0, 0, 1, 0], [], []>, transpose_lhs_hint = false} : vector<2000x32xf32>, vector<32x32xf32>, vector<2000x32xf32> -> vector<2000x32xf32>
    %add3A_75 = arith.addf %add3A_71, %dot_general3A_74 : vector<2000x32xf32>
    %slice3A_76 = vector.extract_strided_slice %get3A_47 {offsets = [1, 0], sizes = [1, 32], strides = [1, 1]} : vector<3x32xf32> to vector<1x32xf32>
    %add3A_77 = vector.broadcast %slice3A_76 : vector<1x32xf32> to vector<2000x32xf32>
    %add3A_78 = arith.addf %add3A_75, %add3A_77 : vector<2000x32xf32>
    %logistic3A_79 = arith.negf %add3A_78 : vector<2000x32xf32>
    %logistic3A_80 = math.exp %logistic3A_79 : vector<2000x32xf32>
    %logistic3A_81 = arith.constant 1.000000e+00 : f32
    %logistic3A_82 = vector.broadcast %logistic3A_81 : f32 to vector<2000x32xf32>
    %logistic3A_83 = arith.addf %logistic3A_82, %logistic3A_80 : vector<2000x32xf32>
    %logistic3A_84 = arith.divf %logistic3A_82, %logistic3A_83 : vector<2000x32xf32>
    %slice3A_85 = vector.extract_strided_slice %get3A_38 {offsets = [64, 0], sizes = [32, 32], strides = [1, 1]} : vector<96x32xf32> to vector<32x32xf32>
    %dot_general3A_86 = arith.constant dense<0.000000e+00> : vector<2000x32xf32>
    %dot_general3A_87 = tpu.matmul %select_n3A, %slice3A_85, %dot_general3A_86 {dimension_numbers = #tpu.dot_dimension_numbers<[1], [1], [0], [0], [0, 0, 1, 0], [], []>, transpose_lhs_hint = false} : vector<2000x32xf32>, vector<32x32xf32>, vector<2000x32xf32> -> vector<2000x32xf32>
    %slice3A_88 = vector.extract_strided_slice %get3A_44 {offsets = [2, 0], sizes = [1, 32], strides = [1, 1]} : vector<3x32xf32> to vector<1x32xf32>
    %add3A_89 = vector.broadcast %slice3A_88 : vector<1x32xf32> to vector<2000x32xf32>
    %add3A_90 = arith.addf %dot_general3A_87, %add3A_89 : vector<2000x32xf32>
    %slice3A_91 = vector.extract_strided_slice %get3A_41 {offsets = [64, 0], sizes = [32, 32], strides = [1, 1]} : vector<96x32xf32> to vector<32x32xf32>
    %dot_general3A_92 = arith.constant dense<0.000000e+00> : vector<2000x32xf32>
    %dot_general3A_93 = tpu.matmul %get3A_1, %slice3A_91, %dot_general3A_92 {dimension_numbers = #tpu.dot_dimension_numbers<[1], [1], [0], [0], [0, 0, 1, 0], [], []>, transpose_lhs_hint = false} : vector<2000x32xf32>, vector<32x32xf32>, vector<2000x32xf32> -> vector<2000x32xf32>
    %slice3A_94 = vector.extract_strided_slice %get3A_47 {offsets = [2, 0], sizes = [1, 32], strides = [1, 1]} : vector<3x32xf32> to vector<1x32xf32>
    %add3A_95 = vector.broadcast %slice3A_94 : vector<1x32xf32> to vector<2000x32xf32>
    %add3A_96 = arith.addf %dot_general3A_93, %add3A_95 : vector<2000x32xf32>
    %mul3A_97 = arith.mulf %logistic3A_65, %add3A_96 : vector<2000x32xf32>
    %add3A_98 = arith.addf %add3A_90, %mul3A_97 : vector<2000x32xf32>
    %tanh3A = math.tanh %add3A_98 : vector<2000x32xf32>
    %sub3A = arith.constant 1.000000e+00 : f32
    %sub3A_99 = vector.broadcast %sub3A : f32 to vector<2000x32xf32>
    %sub3A_100 = arith.subf %sub3A_99, %logistic3A_84 : vector<2000x32xf32>
    %mul3A_101 = arith.mulf %sub3A_100, %tanh3A : vector<2000x32xf32>
    %mul3A_102 = arith.mulf %logistic3A_84, %get3A_1 : vector<2000x32xf32>
    %add3A_103 = arith.addf %mul3A_101, %mul3A_102 : vector<2000x32xf32>
    %eq3A = arith.constant 0 : i32
    %eq3A_104 = arith.cmpi eq, %arg0, %eq3A : i32
    %convert_element_type3A = arith.extui %eq3A_104 : i1 to i32
    %cond3A = arith.constant 0 : i32
    %cond3A_105 = arith.cmpi ne, %convert_element_type3A, %cond3A : i32
    scf.if %cond3A_105 {
      %broadcast_in_dim3A_130 = arith.constant 0.000000e+00 : f32
      %broadcast_in_dim3A_131 = vector.broadcast %broadcast_in_dim3A_130 : f32 to vector<512x33xf32>
      %swap3A_132 = arith.constant 0 : index
      %swap3A_133 = arith.constant 0 : index
      %swap3A_134 = vector.load %arg13[%swap3A_132, %swap3A_133] : memref<512x33xf32, #tpu.memory_space<vmem>>, vector<512x33xf32>
      tpu.vector_store %arg13[%swap3A_132, %swap3A_133], %broadcast_in_dim3A_131 {strides = array<i32>} : memref<512x33xf32, #tpu.memory_space<vmem>>, vector<512x33xf32>,
    } else {
    }
    %get3A_106 = arith.constant 0 : index
    %get3A_107 = arith.constant 0 : index
    %get3A_108 = arith.constant 0 : index
    %get3A_109 = vector.load %arg4[%get3A_106, %get3A_107, %get3A_108] : memref<1x1x2000xi32, #tpu.memory_space<vmem>>, vector<1x1x2000xi32>
    %get3A_110 = vector.shape_cast %get3A_109 : vector<1x1x2000xi32> to vector<2000xi32>
    %broadcast_in_dim3A = vector.shape_cast %get3A_110 : vector<2000xi32> to vector<2000x1xi32>
    %iota3A = tpu.iota {dimensions = array<i32: 1>} : vector<2000x512xi32>
    %eq3A_111 = vector.broadcast %broadcast_in_dim3A : vector<2000x1xi32> to vector<2000x512xi32>
    %eq3A_112 = arith.cmpi eq, %eq3A_111, %iota3A : vector<2000x512xi32>
    %convert_element_type3A_113 = arith.extui %eq3A_112 : vector<2000x512xi1> to vector<2000x512xi32>
    %convert_element_type3A_114 = arith.sitofp %convert_element_type3A_113 : vector<2000x512xi32> to vector<2000x512xf32>
    %broadcast_in_dim3A_115 = arith.constant 1.000000e+00 : f32
    %broadcast_in_dim3A_116 = vector.broadcast %broadcast_in_dim3A_115 : f32 to vector<2000x1xf32>
    %concatenate3A = tpu.concatenate %add3A_103, %broadcast_in_dim3A_116 in 1 : vector<2000x32xf32>, vector<2000x1xf32> -> vector<2000x33xf32>
    %get3A_117 = arith.constant 0 : index
    %get3A_118 = arith.constant 0 : index
    %get3A_119 = vector.load %arg13[%get3A_117, %get3A_118] : memref<512x33xf32, #tpu.memory_space<vmem>>, vector<512x33xf32>
    %dot_general3A_120 = arith.constant dense<0.000000e+00> : vector<512x33xf32>
    %dot_general3A_121 = tpu.matmul %convert_element_type3A_114, %concatenate3A, %dot_general3A_120 {dimension_numbers = #tpu.dot_dimension_numbers<[0], [0], [1], [1], [0, 1, 1, 1], [], []>, transpose_lhs_hint = false} : vector<2000x512xf32>, vector<2000x33xf32>, vector<512x33xf32> -> vector<512x33xf32>
    %add3A_122 = arith.addf %get3A_119, %dot_general3A_121 : vector<512x33xf32>
    %swap3A = arith.constant 0 : index
    %swap3A_123 = arith.constant 0 : index
    %swap3A_124 = vector.load %arg13[%swap3A, %swap3A_123] : memref<512x33xf32, #tpu.memory_space<vmem>>, vector<512x33xf32>
    tpu.vector_store %arg13[%swap3A, %swap3A_123], %add3A_122 {strides = array<i32>} : memref<512x33xf32, #tpu.memory_space<vmem>>, vector<512x33xf32>,
    %eq3A_125 = arith.constant 4 : i32
    %eq3A_126 = arith.cmpi eq, %arg0, %eq3A_125 : i32
    %convert_element_type3A_127 = arith.extui %eq3A_126 : i1 to i32
    %cond3A_128 = arith.constant 0 : i32
    %cond3A_129 = arith.cmpi ne, %convert_element_type3A_127, %cond3A_128 : i32
    scf.if %cond3A_129 {
      %get3A_130 = arith.constant 0 : index
      %get3A_131 = arith.constant 0 : index
      %get3A_132 = vector.load %arg13[%get3A_130, %get3A_131] : memref<512x33xf32, #tpu.memory_space<vmem>>, vector<512x33xf32>
      %slice3A_133 = vector.extract_strided_slice %get3A_132 {offsets = [0, 0], sizes = [512, 32], strides = [1, 1]} : vector<512x33xf32> to vector<512x32xf32>
      %slice3A_134 = vector.extract_strided_slice %get3A_132 {offsets = [0, 32], sizes = [512, 1], strides = [1, 1]} : vector<512x33xf32> to vector<512x1xf32>
      %max3A = arith.constant 1.000000e+00 : f32
      %max3A_135 = vector.broadcast %max3A : f32 to vector<512x1xf32>
      %max3A_136 = arith.maximumf %slice3A_134, %max3A_135 : vector<512x1xf32>
      %div3A = vector.broadcast %max3A_136 : vector<512x1xf32> to vector<512x32xf32>
      %div3A_137 = arith.divf %slice3A_133, %div3A : vector<512x32xf32>
      %swap3A_138 = arith.constant 0 : index
      %swap3A_139 = arith.constant 0 : index
      %swap3A_140 = vector.load %arg12[%swap3A_138, %swap3A_139] : memref<512x32xf32, #tpu.memory_space<vmem>>, vector<512x32xf32>
      tpu.vector_store %arg12[%swap3A_138, %swap3A_139], %div3A_137 {strides = array<i32>} : memref<512x32xf32, #tpu.memory_space<vmem>>, vector<512x32xf32>,
    } else {
    }
    return
  }
  func.func @transform_0(%arg0: i32) -> (i32, i32) {
    %c0_i32 = arith.constant 0 : i32
    %c0_i32_0 = arith.constant 0 : i32
    return %arg0, %c0_i32 : i32, i32
  }
  func.func @transform_1(%arg0: i32) -> (i32, i32, i32) {
    %c0_i32 = arith.constant 0 : i32
    %c0_i32_0 = arith.constant 0 : i32
    %c0_i32_1 = arith.constant 0 : i32
    return %c0_i32, %arg0, %c0_i32_0 : i32, i32, i32
  }
  func.func @transform_2(%arg0: i32) -> (i32, i32) {
    %c0_i32 = arith.constant 0 : i32
    %c0_i32_0 = arith.constant 0 : i32
    return %arg0, %c0_i32 : i32, i32
  }
  func.func @transform_3(%arg0: i32) -> (i32, i32, i32) {
    %c0_i32 = arith.constant 0 : i32
    %c0_i32_0 = arith.constant 0 : i32
    %c0_i32_1 = arith.constant 0 : i32
    return %arg0, %c0_i32, %c0_i32_0 : i32, i32, i32
  }
  func.func @transform_4(%arg0: i32) -> (i32, i32) {
    %c0_i32 = arith.constant 0 : i32
    %c0_i32_0 = arith.constant 0 : i32
    %c0_i32_1 = arith.constant 0 : i32
    return %c0_i32, %c0_i32_0 : i32, i32
  }
  func.func @transform_5(%arg0: i32) -> (i32, i32) {
    %c0_i32 = arith.constant 0 : i32
    %c0_i32_0 = arith.constant 0 : i32
    %c0_i32_1 = arith.constant 0 : i32
    return %c0_i32, %c0_i32_0 : i32, i32
  }
  func.func @transform_6(%arg0: i32) -> (i32, i32) {
    %c0_i32 = arith.constant 0 : i32
    %c0_i32_0 = arith.constant 0 : i32
    %c0_i32_1 = arith.constant 0 : i32
    return %c0_i32, %c0_i32_0 : i32, i32
  }
  func.func @transform_7(%arg0: i32) -> (i32, i32) {
    %c0_i32 = arith.constant 0 : i32
    %c0_i32_0 = arith.constant 0 : i32
    %c0_i32_1 = arith.constant 0 : i32
    return %c0_i32, %c0_i32_0 : i32, i32
  }
  func.func @transform_8(%arg0: i32) -> (i32, i32) {
    %c0_i32 = arith.constant 0 : i32
    %c0_i32_0 = arith.constant 0 : i32
    %c0_i32_1 = arith.constant 0 : i32
    return %c0_i32, %c0_i32_0 : i32, i32
  }
  func.func @transform_9(%arg0: i32) -> (i32, i32) {
    %c0_i32 = arith.constant 0 : i32
    %c0_i32_0 = arith.constant 0 : i32
    %c0_i32_1 = arith.constant 0 : i32
    return %c0_i32, %c0_i32_0 : i32, i32
  }
  func.func @transform_10(%arg0: i32) -> (i32, i32) {
    %c0_i32 = arith.constant 0 : i32
    %c0_i32_0 = arith.constant 0 : i32
    %c0_i32_1 = arith.constant 0 : i32
    return %c0_i32, %c0_i32_0 : i32, i32
  }
  func.func @transform_11(%arg0: i32) -> (i32, i32) {
    %c0_i32 = arith.constant 0 : i32
    %c0_i32_0 = arith.constant 0 : i32
    %c0_i32_1 = arith.constant 0 : i32
    return %c0_i32, %c0_i32_0 : i32, i32
  }
}

</mosaic_0001>

<sc_bundles>
// kernel: kernel.12.cloned.1.call-start
scs
__scs_entry_jumppad:
0x0: {  	(pc) =	sbr.rel $0x88, $3  }
0x1: {  	(tag) =	ssettag $0x0;
	lr =	simm.s32 $0x1  }
0x2: {  	[smem:$0x3F90] =	sst lr;
	_ =	strace $0xD0000000  }
0x3: {  	_ = 	snop  }
0x4: {  	_ = 	snop  }
0x5: {  	_ = 	snop  }
0x6: {  	_ = 	snop  }
0x7: {  	_ = 	snop  }
__scs_overlays_trampoline_lowered:
0x8: {  	[smem:$0x3F9F] =	sst s0  }
0x9: {  	[smem:$0x3FA0] =	sst s1  }
0xa: {  	[smem:$0x3FA1] =	sst s2  }
0xb: {  	[smem:$0x3FA2] =	sst s3  }
0xc: {  	[smem:$0x3FA3] =	sst s4  }
0xd: {  	[smem:$0x3FA4] =	sst s5  }
0xe: {  	[smem:$0x3FA5] =	sst s6  }
0xf: {  	[smem:$0x3FA6] =	sst s7  }
0x10: {  	[smem:$0x3FA7] =	sst s8  }
0x11: {  	[smem:$0x3FA8] =	sst s9;
	s0 =	simm.s32 @!p0 $0x0  }
0x12: {  	s1 =	sld [smem:$0x3F8E];
	s0 =	simm.s32 @p0 $0x1  }
0x13: {  	[smem:$0x3FA9] =	sst s0;
	s0 =	simm.s32 @!p1 $0x0  }
0x14: {  	s2 =	sld [smem:$0x3F8D];
	s0 =	simm.s32 @p1 $0x1  }
0x15: {  	[smem:$0x3FAA] =	sst s0;
	s0 =	simm.s32 @!p2 $0x0  }
0x16: {  	s3 =	sld [smem:$0x3FDB];
	s0 =	simm.s32 @p2 $0x1  }
0x17: {  	s4 =	simm.s32 $0x1BF5;
	[smem:$0x3FAC] =	sst s0  }
0x18: {  	s0 =	sld [smem:$0x3F8F];
	_ =	swait.ge [sflag:s4], $0x0  }
0x19: {  	s7 =	sld [smem:$0x3F90]  }
0x1a: {  	s8 =	sadd.s32 $0xFFFFE003, lr  }
0x1b: {  	s9 =	sadd.s32 $0xFFFFFEF7, lr;
	s5 =	simm.s32 $0xFFFFFFFF;
	p2 =	slt.u32 s8, $0xFFFFF086  }
0x1c: {  	p1 =	slt.u32 s9, $0xF7A;
	s5 =	simm.s32 @!p2 $0x0  }
0x1d: {  	s5 =	simm.s32 @p1 $0x1;
	p0 =	seq.s32 s7, s2  }
0x1e: {  	s7 =	smul.u32 @!p0 $0xF7A, s2;
	p2 =	seq.s32 @!p0 s5, $0x0  }
0x1f: {  	s9 =	smul.u32 $0xF7A, s1;
	s8 =	simm.s32 @!p0 $0x1BF5;
	p2 =	por !p2, p0  }
0x20: {  	[sflag:s8] =	ssyncset.s32 @!p0 $0xFFFFF086;
	s6 =	sadd.s32 @!p0 s3, s7;
	s7 =	simm.s32 @!p0 $0x108  }
0x21: {  	s3 =	sadd.s32 s3, s9;
	s6 =	sadd.s32 @!p0 $0x88, s6;
	s7 =	simm.s32 @p2 $0x1082  }
0x22: {  	[simem:s7], [sflag:s8] =	dma.local @!p0 [hbm:s6], $0xF7A  }
0x23: {  	s9 =	sor.u32 $0xD0000000, s2;
	s6 =	simm.s32 $0x108;
	_ =	swait.ge @!p0 [sflag:s8], $0x0  }
0x24: {  	s3 =	sadd.s32 $0x88, s3;
	s6 =	simm.s32 @!p1 $0x1082;
	[sflag:s4] =	ssyncset.s32 $0xFFFFF086  }
0x25: {  	[simem:s6], [sflag:s4] =	dma.local [hbm:s3], $0xF7A  }
0x26: {  	[smem:$0x3F90] =	sst s1;
	(tag) =	ssettag s2;
	_ =	strace s9  }
0x27: {  	s1 =	sld [smem:$0x3FA0]  }
0x28: {  	s2 =	sld [smem:$0x3FA1]  }
0x29: {  	s4 =	sld [smem:$0x3FA3]  }
0x2a: {  	p0 =	seq.s32 s5, $0x0;
	s5 =	sld [smem:$0x3FA4]  }
0x2b: {  	s6 =	sld [smem:$0x3FA5]  }
0x2c: {  	s7 =	sld [smem:$0x3FA6]  }
0x2d: {  	s3 =	simm.s32 $0x108;
	s8 =	sld [smem:$0x3FA7]  }
0x2e: {  	s3 =	simm.s32 @!p0 $0x1082;
	s9 =	sld [smem:$0x3FA8]  }
0x2f: {  	lr =	sadd.s32 s0, s3;
	s0 =	sld [smem:$0x3F9F]  }
0x30: {  	s3 =	sld [smem:$0x3FA2]  }
0x31: {  	[smem:$0x3FAB] =	sst s10  }
0x32: {  	s10 =	sld [smem:$0x3FA9];
	_ =	sdelay $0x3  }
0x33: {  	p0 =	seq.s32 s10, $0x1;
	s10 =	sld [smem:$0x3FAB];
	_ =	sdelay $0x3  }
0x34: {  	[smem:$0x3FAB] =	sst s10  }
0x35: {  	s10 =	sld [smem:$0x3FAA];
	_ =	sdelay $0x3  }
0x36: {  	p1 =	seq.s32 s10, $0x1;
	s10 =	sld [smem:$0x3FAB];
	_ =	sdelay $0x3  }
0x37: {  	[smem:$0x3FAB] =	sst s10  }
0x38: {  	s10 =	sld [smem:$0x3FAC]  }
0x39: {  	_ = 	snop;
	(pc) =	sbr.ind lr, $3  }
0x3a: {  	_ = 	snop  }
0x3b: {  	_ = 	snop  }
0x3c: {  	p2 =	seq.s32 s10, $0x1;
	s10 =	sld [smem:$0x3FAB]  }
0x3d: {  	_ =	shalt  }
0x3e: {  	_ =	shalt  }
0x3f: {  	_ =	shalt  }
0x40: {  	_ =	shalt  }
0x41: {  	_ =	shalt  }
0x42: {  	_ =	shalt  }
0x43: {  	_ =	shalt  }
0x44: {  	_ =	shalt  }
0x45: {  	_ =	shalt  }
0x46: {  	_ =	shalt  }
0x47: {  	_ =	shalt  }
0x48: {  	_ =	shalt  }
0x49: {  	_ =	shalt  }
0x4a: {  	_ =	shalt  }
0x4b: {  	_ =	shalt  }
0x4c: {  	_ =	shalt  }
0x4d: {  	_ =	shalt  }
0x4e: {  	_ =	shalt  }
0x4f: {  	_ =	shalt  }
0x50: {  	_ =	shalt  }
0x51: {  	_ =	shalt  }
0x52: {  	_ =	shalt  }
0x53: {  	_ =	shalt  }
0x54: {  	_ =	shalt  }
0x55: {  	_ =	shalt  }
0x56: {  	_ =	shalt  }
0x57: {  	_ =	shalt  }
0x58: {  	_ =	shalt  }
0x59: {  	_ =	shalt  }
0x5a: {  	_ =	shalt  }
0x5b: {  	_ =	shalt  }
0x5c: {  	_ =	shalt  }
0x5d: {  	_ =	shalt  }
0x5e: {  	_ =	shalt  }
0x5f: {  	_ =	shalt  }
0x60: {  	_ =	shalt  }
0x61: {  	_ =	shalt  }
0x62: {  	_ =	shalt  }
0x63: {  	_ =	shalt  }
0x64: {  	_ =	shalt  }
0x65: {  	_ =	shalt  }
0x66: {  	_ =	shalt  }
0x67: {  	_ =	shalt  }
0x68: {  	_ =	shalt  }
0x69: {  	_ =	shalt  }
0x6a: {  	_ =	shalt  }
0x6b: {  	_ =	shalt  }
0x6c: {  	_ =	shalt  }
0x6d: {  	_ =	shalt  }
0x6e: {  	_ =	shalt  }
0x6f: {  	_ =	shalt  }
0x70: {  	_ =	shalt  }
0x71: {  	_ =	shalt  }
0x72: {  	_ =	shalt  }
0x73: {  	_ =	shalt  }
0x74: {  	_ =	shalt  }
0x75: {  	_ =	shalt  }
0x76: {  	_ =	shalt  }
0x77: {  	_ =	shalt  }
0x78: {  	_ =	shalt  }
0x79: {  	_ =	shalt  }
0x7a: {  	_ =	shalt  }
0x7b: {  	_ =	shalt  }
0x7c: {  	_ =	shalt  }
0x7d: {  	_ =	shalt  }
0x7e: {  	_ =	shalt  }
0x7f: {  	_ =	shalt  }
0x80: {  	_ =	shalt  }
0x81: {  	_ =	shalt  }
0x82: {  	_ =	shalt  }
0x83: {  	_ =	shalt  }
0x84: {  	_ =	shalt  }
0x85: {  	_ =	shalt  }
0x86: {  	_ =	shalt  }
0x87: {  	_ =	shalt  }
.Lfunc_end0:
.L_simem_size_0:
called_computation.1_lowered:
.L_overlay_start_0:
0x88: {  	s2 =	sld [smem:$0x3FD9]  }
0x89: {  	s3 =	sld [smem:$0x3FFE];
	_ =	sdelay $0x1  }
0x8a: {  	s1 =	srdreg.scid  }
0x8b: {  	s0 =	sand.u32 $0x1, s1  }
0x8c: {  	s16 =	sshll.u32 s0, $0xA;
	s2 =	sadd.s32 s3, s2  }
0x8d: {  	s2 =	sadd.s32 s2, s16  }
0x8e: {  	[smem:$0x3FB7] =	sst s2  }
0x8f: {  	_ = 	snop  }
0x90: {  	(tm) =	ssettm $0x1  }
0x91: {  	s17 =	sld [smem:$0x3FFB];
	_ =	sdelay $0x3  }
0x92: {  	_ =	strace s17  }
0x93: {  	s2 =	sld [smem:$0x3FFC];
	_ =	sdelay $0x3  }
0x94: {  	_ =	strace s2  }
0x95: {  	s2 =	sld [smem:$0x3FFD];
	_ =	sdelay $0x3  }
0x96: {  	_ =	strace s2  }
0x97: {  	_ =	strace $0x8FFFFFFF  }
0x98: {  	s18 =	sld [smem:$0x3FDB];
	_ =	sdelay $0x1  }
0x99: {  	s19 =	simm.s32 $_scs_section_size  }
0x9a: {  	s4 =	simm.s32 $_size__tile_overlayer_lowered;
	s5 =	simm.s32 $_tile_overlayer_lowered  }
0x9b: {  	s22 =	simm.s32 $0x1BFF;
	s21 =	sshll.u32 s5, $0x1;
	s2 =	sadd.s32 s19, s18  }
0x9c: {  	s6 =	simm.s32 $0x0;
	s20 =	sshll.u32 s4, $0x1;
	s4 =	sadd.s32 s21, s2  }
0x9d: {  	[timem:s6], [sflag:s22] =	dma.local [hbm:s4], s20  }
0x9e: {  	_ =	swait.ge [sflag:s22], s20  }
0x9f: {  	s3 =	ssub.s32 $0x0, s20;
	[sflag:s22] =	ssyncset.done $0x0  }
0xa0: {  	[sflag:s22] =	ssyncadd.s32 s3;
	_ =	sdelay $0x1  }
0xa1: {  	s23 =	simm.s32 $0x1B8B  }
0xa2: {  	_ =	swait.ge [sflag:s23], $0x1  }
0xa3: {  	[sflag:s23] =	ssyncset.done $0x0  }
0xa4: {  	s25 =	simm.s32 $0x1B8E;
	s24 =	sld [smem:$0x3FFE];
	[sflag:s23] =	ssyncadd.s32 $0xFFFFFFFF  }
0xa5: {  	s26 =	simm.s32 $execute0_lowered;
	[smem:$0x3FD2] =	sst s25  }
0xa6: {  	s4 =	sshll.u32 s26, $0x1;
	_ =	strace $0x80000049;
	[dreg:$0x1] =	wrdreg $0xFFFFFFFF  }
0xa7: {  	s28 =	simm.s32 $_size_execute0_lowered;
	s2 =	sadd.s32 s2, s4;
	[dreg:$0x0] =	wrdreg $0x0  }
0xa8: {  	s4 =	sshll.u32 s28, $0x1;
	[dreg:$0x2] =	wrdreg s2  }
0xa9: {  	[dreg:$0x3] =	wrdreg s4  }
0xaa: {  	[dreg:$0x4] =	wrdreg $0xC0  }
0xab: {  	_ =	task [dreg:s6], $0x5FFFF  }
0xac: {  	[dreg:$0x1] =	wrdreg $0xFFFFFFFF  }
0xad: {  	[dreg:$0x0] =	wrdreg $0x60  }
0xae: {  	[dreg:$0x2] =	wrdreg s24  }
0xaf: {  	[dreg:$0x3] =	wrdreg $0xA4000  }
0xb0: {  	[dreg:$0x4] =	wrdreg $0xD4E80  }
0xb1: {  	[dreg:$0x5] =	wrdreg $0x9  }
0xb2: {  	_ =	task.clear_ibuf [dreg:s6], $0x6FFFF;
	_ =	strace $0x90000049  }
0xb3: {  	s29 =	simm.s32 $0x9;
	_ =	strace $0x8000004B  }
0xb4: {  	_ =	swait.ge [sflag:s29], $0x1  }
0xb5: {  	[sflag:s29] =	ssyncadd.s32 $0xFFFFFFFF  }
0xb6: {  	_ =	strace $0x9000004B  }
0xb7: {  	_ =	sfence  }
0xb8: {  	s30 =	sld [smem:$0x0];
	_ =	sdelay $0x2  }
0xb9: {  	s31 =	sshll.u32 s1, $0xD;
	s1 =	sshrl.u32 s1, $0x2  }
0xba: {  	s3 =	sand.u32 $0x4000, s31;
	s1 =	sadd.s32 s1, s30  }
0xbb: {  	s0 =	sor.u32 s3, s0;
	s1 =	sshll.u32 s1, $0x11  }
0xbc: {  	s0 =	sor.u32 s1, s0  }
0xbd: {  	s0 =	sadd.s32 $0x8F2B, s0  }
0xbe: {  	[sflag:s0] =	ssyncadd.remote.s32 $0x1  }
0xbf: {  	_ =	sfence.sel $0xFFFF  }
0xc0: {  	[dreg:$0x0] =	wrdreg $0xFFFFFFFF;
	(pc) =	sbr.abs _section_cstart, $3  }
0xc1: {  	[dreg:$0x1] =	wrdreg $0xFFFFFFFF  }
0xc2: {  	_ =	task.clear_ibuf [dreg:s6], $0x2FFFF;
	_ =	strace $0x9FFFFFFF  }
0xc3: {  	(tm) =	ssettm $0x7FFFFFFF  }
tec
execute0_lowered:
.L_overlay_start_1:
0x0: {  	(tag) =	ssettag $0x1  }
0x1: {  	s6 =	rddreg [dreg:$0x0]  }
0x2: {  	s2 =	rddreg [dreg:$0x1]  }
0x3: {  	s0 =	srdreg.scid;
	s3 =	rddreg [dreg:$0x2];
	s4 =	simm.s32 $0x0  }
0x4: {  	s15 =	simm.s32 $0x7000;
	s16 =	simm.s32 $0x4;
	s17 =	simm.s32 $0x8  }
0x5: {  	s18 =	simm.s32 $0x5;
	s19 =	simm.s32 $0x1;
	s20 =	simm.s32 $0x80  }
0x6: {  	s21 =	simm.s32 $0x2;
	s5 =	sand.u32 $0x1, s0;
	s0 =	stileid.u32  }
0x7: {  	s22 =	simm.s32 $0x6;
	s23 =	simm.s32 $0x7;
	s9 =	smul.u32 $0x30E8, s0  }
0x8: {  	s24 =	simm.s32 $0x0;
	s1 =	sshll.u32 s5, $0x4;
	s10 =	smul.u32 $0x33D8, s0  }
0x9: {  	s8 =	smul.u32 $0x33D80, s5;
	s5 =	ssub.s32 $0x2, s5;
	s1 =	sor.u32 s0, s1  }
0xa: {  	[smem:$0x7FF] =	sst s4;
	s31 =	sshrl.u32 s5, $0x1;
	s7 =	smul.u32 $0x280, s1  }
0xb: {  	s1 =	rddreg [dreg:$0x3];
	_ =	strace $0x8000004A;
	s11 =	sshrl.u32 s9, $0x3  }
0xc: {  	s8 =	sadd.s32 s10, s8;
	s12 =	sshrl.u32 s10, $0x3;
	s14 =	ssub.s32 s5, s31  }
0xd: {  	s9 =	sadd.s32 s9, s2;
	s10 =	sadd.s32 s10, s3;
	s11 =	sadd.s32 s11, s6  }
0xe: {  	s8 =	sshrl.u32 s8, $0x3;
	s12 =	sadd.s32 s12, s6;
	s7 =	sadd.s32 s7, s6  }
0xf: {  	s13 =	sadd.s32 s8, s6;
	s8 =	sadd.s32 $0x16800, s12;
	s12 =	smax.u32 s14, $0x1  }
0x10: {  	s14 =	simm.s32 $0x3C00;
	s5 =	sadd.s32 $0xC800, s7;
	s6 =	sadd.s32 $0x11800, s7  }
0x11: {  	s7 =	sadd.s32 $0x1600, s11;
	s11 =	sadd.s32 $0x1D000, s13;
	s13 =	simm.s32 $0x1400  }
.LBB2_1:
0x12: {  	[tilespmem:s4], [sflag:$0x1] =	stream.linear.gather [hbm4b:s5+s4], $0x1400, $0x38;
	[tilespmem:$0x108C0] =	vst v63  }
0x13: {  	_ = 	snop  }
0x14: {  	[tilespmem:s13], [sflag:$0x2] =	stream.linear.gather [hbm4b:s6+s4], $0x1400, $0x38;
	[tilespmem:$0x108C0] =	vst v63  }
0x15: {  	_ = 	snop  }
0x16: {  	[tilespmem:s14], [sflag:$0x4] =	stream.linear.gather [hbm4b:s7+s4], $0x30E8, $0x38;
	[tilespmem:$0x108C0] =	vst v63  }
0x17: {  	_ = 	snop  }
0x18: {  	[tilespmem:s15], [sflag:$0x5] =	stream.linear.gather [hbm4b:s8+s4], $0x33D8, $0x38;
	[tilespmem:$0x108C0] =	vst v63  }
0x19: {  	_ =	swait.ge [sflag:s16], $0x30E8  }
0x1a: {  	[sflag:s16] =	ssyncset.done $0x0  }
0x1b: {  	[sflag:s16] =	ssyncadd.s32 $0xFFFFCF18  }
0x1c: {  	[spmem:s9] =	stream.linear.scatter [tilespmem:s14], [sflag:$0x8], $0x30E8, $0x38;
	[tilespmem:$0x108C0] =	vst v63  }
0x1d: {  	_ =	swait.ge [sflag:s17], $0x30E8  }
0x1e: {  	[sflag:s17] =	ssyncset.done $0x0  }
0x1f: {  	[sflag:s17] =	ssyncadd.s32 $0xFFFFCF18  }
0x20: {  	_ =	swait.ge [sflag:s18], $0x33D8  }
0x21: {  	[sflag:s18] =	ssyncset.done $0x0  }
0x22: {  	[sflag:s18] =	ssyncadd.s32 $0xFFFFCC28  }
0x23: {  	[spmem:s10] =	stream.linear.scatter [tilespmem:s15], [sflag:$0x8], $0x33D8, $0x38;
	[tilespmem:$0x108C0] =	vst v63  }
0x24: {  	_ =	swait.ge [sflag:s17], $0x33D8  }
0x25: {  	[sflag:s17] =	ssyncset.done $0x0  }
0x26: {  	[sflag:s17] =	ssyncadd.s32 $0xFFFFCC28  }
0x27: {  	_ =	swait.ge [sflag:s19], $0x1400  }
0x28: {  	[sflag:s19] =	ssyncset.done $0x0  }
0x29: {  	s25 =	simm.s32 $0x200;
	[sflag:s19] =	ssyncadd.s32 $0xFFFFEC00  }
0x2a: {  	s26 =	simm.s32 $0x0;
	s28 =	simm.s32 $0x2800;
	[bflag:$0x0] =	sbarrier.arrive $0xFFFF  }
.LBB2_2:
0x2b: {  	[tilespmem:s28], [sflag:$0x6] =	stream.indirect.gather [spmem:s2], $0x1, s26, s20, $0xb8;
	[tilespmem:$0x108C0] =	vst v63  }
0x2c: {  	s26 =	smov.u32 s25;
	p0 =	sne.s32 s25, $0x4E00  }
.Ltmp0:
0x2d: {  	s25 =	sadd.s32 $0x200, s25;
	(pc) =	sbr.rel @p0 .LBB2_2-.Ltmp0, $3  }
0x2e: {  	_ =	sdelay $0x1  }
0x2f: {  	s26 =	sshra.s32 s26, $0x2  }
0x30: {  	s28 =	sadd.s32 $0x2800, s26  }
0x31: {  	[tilespmem:s28], [sflag:$0x6] =	stream.indirect.gather [spmem:s2], $0x1, s26, s20, $0xb8;
	[tilespmem:$0x108C0] =	vst v63  }
0x32: {  	_ =	swait.ge [sflag:s21], $0x1400  }
0x33: {  	[sflag:s21] =	ssyncset.done $0x0  }
0x34: {  	s25 =	simm.s32 $0x28;
	[sflag:s21] =	ssyncadd.s32 $0xFFFFEC00  }
.LBB2_4:
0x35: {  	p0 =	sne.s32 s25, $0x1  }
.Ltmp1:
0x36: {  	_ = 	snop;
	(pc) =	sbr.rel @p0 .LBB2_4-.Ltmp1, $4  }
0x37: {  	_ = 	snop  }
0x38: {  	_ =	swait.ge [sflag:s22], $0x80  }
0x39: {  	[sflag:s22] =	ssyncset.done $0x0  }
0x3a: {  	s25 =	sadd.s32 $0xFFFFFFFF, s25;
	[sflag:s22] =	ssyncadd.s32 $0xFFFFFF80  }
0x3b: {  	s25 =	simm.s32 $0x0  }
.LBB2_6:
0x3c: {  	p0 =	sne.s32 s25, $0x4E00  }
.Ltmp2:
0x3d: {  	_ = 	snop;
	(pc) =	sbr.rel @p0 .LBB2_6-.Ltmp2, $4  }
0x3e: {  	_ = 	snop  }
0x3f: {  	s26 =	sshra.s32 s25, $0x2  }
0x40: {  	s25 =	sadd.s32 $0x200, s25;
	s28 =	sadd.s32 $0x2800, s26;
	s26 =	sadd.s32 $0x1400, s26  }
0x41: {  	[spmem:s3] =	stream.indirect.scatter.add.f32 [tilespmem:s28], [sflag:$0x7], $0x1, s26, s20, $0xb8;
	[tilespmem:$0x108C0] =	vst v63  }
0x42: {  	_ =	swait.ge [sflag:s23], $0x80  }
0x43: {  	s25 =	simm.s32 $0x27;
	[sflag:s23] =	ssyncset.done $0x0  }
.LBB2_8:
0x44: {  	p0 =	sne.s32 s25, $0x1;
	s25 =	sadd.s32 $0xFFFFFFFF, s25;
	[sflag:s23] =	ssyncadd.s32 $0xFFFFFF80  }
.Ltmp3:
0x45: {  	(pc) =	sbr.rel @p0 .LBB2_8-.Ltmp3, $3  }
0x46: {  	_ =	sdelay $0x1  }
0x47: {  	_ =	swait.ge [sflag:s23], $0x80  }
0x48: {  	[sflag:s23] =	ssyncset.done $0x0  }
0x49: {  	[sflag:s23] =	ssyncadd.s32 $0xFFFFFF80  }
0x4a: {  	[bflag:$0x0] =	sbarrier.arrive $0xFFFF  }
0x4b: {  	[tilespmem:s14], [sflag:$0x8] =	stream.linear.gather [spmem:s10], $0x33D8, $0x38;
	[tilespmem:$0x108C0] =	vst v63  }
0x4c: {  	s24 =	sadd.s32 $0x1, s24;
	_ =	swait.ge [sflag:s17], $0x33D8  }
0x4d: {  	p0 =	sne.s32 s24, s12;
	[sflag:s17] =	ssyncset.done $0x0  }
.Ltmp4:
0x4e: {  	[sflag:s17] =	ssyncadd.s32 $0xFFFFCC28;
	(pc) =	sbr.rel @p0 .LBB2_1-.Ltmp4, $4  }
0x4f: {  	[hbm4b:s11+s4] =	stream.linear.scatter [tilespmem:s14], [sflag:$0x8], $0x33D8, $0x38;
	[tilespmem:$0x108C0] =	vst v63  }
0x50: {  	_ =	swait.ge [sflag:s17], $0x33D8  }
0x51: {  	[sflag:s17] =	ssyncset.done $0x0  }
0x52: {  	[sflag:s17] =	ssyncadd.s32 $0xFFFFCC28  }
0x53: {  	_ =	sfence.sel $0x180000  }
0x54: {  	[bflag:$0x0] =	sbarrier.arrive $0xFFFF  }
0x55: {  	p0 =	sne.s32 s0, $0x0;
	_ =	strace $0x9000004A  }
0x56: {  	s0 =	sadd.s32 @!p0 $0x100000, s1;
	[bflag:$0x2] =	sbarrier.arrive $0xFFFF  }
0x57: {  	[sflag:s0] =	ssyncadd.tile.s32 @!p0 $0x1;
	_ =	shalt  }
.Lfunc_end2:
_tile_overlayer_lowered:
.L_overlay_start_2:
0x58: {  	(tag) =	ssettag $0x2  }
0x59: {  	s0 =	rddreg [dreg:$0x0];
	s2 =	stileid.u32  }
0x5a: {  	s1 =	rddreg [dreg:$0x1];
	p0 =	sne.s32 s2, $0x0  }
0x5b: {  	s3 =	rddreg [dreg:$0x2];
	[bflag:$0x3] =	sbarrier.arrive $0xFFFF;
	s2 =	simm.s32 @!p0 $0x1C08  }
0x5c: {  	[timem:s3], [sflag:s2] =	dma.local @!p0 [hbm:s0], s1  }
0x5d: {  	s0 =	simm.s32 @!p0 $0x8  }
0x5e: {  	_ =	swait.ge @!p0 [sflag:s0], s1  }
0x5f: {  	s1 =	ssub.s32 @!p0 $0x0, s1;
	[sflag:s0] =	ssyncset.done @!p0 $0x0  }
0x60: {  	[sflag:s0] =	ssyncadd.s32 @!p0 s1  }
0x61: {  	[bflag:$0x3] =	sbarrier.arrive $0xFFFF  }
0x62: {  	_ =	shalt  }

// kernel: kernel.15.cloned.1.call-start
scs
__scs_entry_jumppad:
0x0: {  	(pc) =	sbr.rel $0x88, $3  }
0x1: {  	(tag) =	ssettag $0x0;
	lr =	simm.s32 $0x1  }
0x2: {  	[smem:$0x3F90] =	sst lr;
	_ =	strace $0xD0000000  }
0x3: {  	_ = 	snop  }
0x4: {  	_ = 	snop  }
0x5: {  	_ = 	snop  }
0x6: {  	_ = 	snop  }
0x7: {  	_ = 	snop  }
__scs_overlays_trampoline_lowered:
0x8: {  	[smem:$0x3F9F] =	sst s0  }
0x9: {  	[smem:$0x3FA0] =	sst s1  }
0xa: {  	[smem:$0x3FA1] =	sst s2  }
0xb: {  	[smem:$0x3FA2] =	sst s3  }
0xc: {  	[smem:$0x3FA3] =	sst s4  }
0xd: {  	[smem:$0x3FA4] =	sst s5  }
0xe: {  	[smem:$0x3FA5] =	sst s6  }
0xf: {  	[smem:$0x3FA6] =	sst s7  }
0x10: {  	[smem:$0x3FA7] =	sst s8  }
0x11: {  	[smem:$0x3FA8] =	sst s9;
	s0 =	simm.s32 @!p0 $0x0  }
0x12: {  	s1 =	sld [smem:$0x3F8E];
	s0 =	simm.s32 @p0 $0x1  }
0x13: {  	[smem:$0x3FA9] =	sst s0;
	s0 =	simm.s32 @!p1 $0x0  }
0x14: {  	s2 =	sld [smem:$0x3F8D];
	s0 =	simm.s32 @p1 $0x1  }
0x15: {  	[smem:$0x3FAA] =	sst s0;
	s0 =	simm.s32 @!p2 $0x0  }
0x16: {  	s3 =	sld [smem:$0x3FDB];
	s0 =	simm.s32 @p2 $0x1  }
0x17: {  	s4 =	simm.s32 $0x1BF5;
	[smem:$0x3FAC] =	sst s0  }
0x18: {  	s0 =	sld [smem:$0x3F8F];
	_ =	swait.ge [sflag:s4], $0x0  }
0x19: {  	s7 =	sld [smem:$0x3F90]  }
0x1a: {  	s8 =	sadd.s32 $0xFFFFE003, lr  }
0x1b: {  	s9 =	sadd.s32 $0xFFFFFEF7, lr;
	s5 =	simm.s32 $0xFFFFFFFF;
	p2 =	slt.u32 s8, $0xFFFFF086  }
0x1c: {  	p1 =	slt.u32 s9, $0xF7A;
	s5 =	simm.s32 @!p2 $0x0  }
0x1d: {  	s5 =	simm.s32 @p1 $0x1;
	p0 =	seq.s32 s7, s2  }
0x1e: {  	s7 =	smul.u32 @!p0 $0xF7A, s2;
	p2 =	seq.s32 @!p0 s5, $0x0  }
0x1f: {  	s9 =	smul.u32 $0xF7A, s1;
	s8 =	simm.s32 @!p0 $0x1BF5;
	p2 =	por !p2, p0  }
0x20: {  	[sflag:s8] =	ssyncset.s32 @!p0 $0xFFFFF086;
	s6 =	sadd.s32 @!p0 s3, s7;
	s7 =	simm.s32 @!p0 $0x108  }
0x21: {  	s3 =	sadd.s32 s3, s9;
	s6 =	sadd.s32 @!p0 $0x88, s6;
	s7 =	simm.s32 @p2 $0x1082  }
0x22: {  	[simem:s7], [sflag:s8] =	dma.local @!p0 [hbm:s6], $0xF7A  }
0x23: {  	s9 =	sor.u32 $0xD0000000, s2;
	s6 =	simm.s32 $0x108;
	_ =	swait.ge @!p0 [sflag:s8], $0x0  }
0x24: {  	s3 =	sadd.s32 $0x88, s3;
	s6 =	simm.s32 @!p1 $0x1082;
	[sflag:s4] =	ssyncset.s32 $0xFFFFF086  }
0x25: {  	[simem:s6], [sflag:s4] =	dma.local [hbm:s3], $0xF7A  }
0x26: {  	[smem:$0x3F90] =	sst s1;
	(tag) =	ssettag s2;
	_ =	strace s9  }
0x27: {  	s1 =	sld [smem:$0x3FA0]  }
0x28: {  	s2 =	sld [smem:$0x3FA1]  }
0x29: {  	s4 =	sld [smem:$0x3FA3]  }
0x2a: {  	p0 =	seq.s32 s5, $0x0;
	s5 =	sld [smem:$0x3FA4]  }
0x2b: {  	s6 =	sld [smem:$0x3FA5]  }
0x2c: {  	s7 =	sld [smem:$0x3FA6]  }
0x2d: {  	s3 =	simm.s32 $0x108;
	s8 =	sld [smem:$0x3FA7]  }
0x2e: {  	s3 =	simm.s32 @!p0 $0x1082;
	s9 =	sld [smem:$0x3FA8]  }
0x2f: {  	lr =	sadd.s32 s0, s3;
	s0 =	sld [smem:$0x3F9F]  }
0x30: {  	s3 =	sld [smem:$0x3FA2]  }
0x31: {  	[smem:$0x3FAB] =	sst s10  }
0x32: {  	s10 =	sld [smem:$0x3FA9];
	_ =	sdelay $0x3  }
0x33: {  	p0 =	seq.s32 s10, $0x1;
	s10 =	sld [smem:$0x3FAB];
	_ =	sdelay $0x3  }
0x34: {  	[smem:$0x3FAB] =	sst s10  }
0x35: {  	s10 =	sld [smem:$0x3FAA];
	_ =	sdelay $0x3  }
0x36: {  	p1 =	seq.s32 s10, $0x1;
	s10 =	sld [smem:$0x3FAB];
	_ =	sdelay $0x3  }
0x37: {  	[smem:$0x3FAB] =	sst s10  }
0x38: {  	s10 =	sld [smem:$0x3FAC]  }
0x39: {  	_ = 	snop;
	(pc) =	sbr.ind lr, $3  }
0x3a: {  	_ = 	snop  }
0x3b: {  	_ = 	snop  }
0x3c: {  	p2 =	seq.s32 s10, $0x1;
	s10 =	sld [smem:$0x3FAB]  }
0x3d: {  	_ =	shalt  }
0x3e: {  	_ =	shalt  }
0x3f: {  	_ =	shalt  }
0x40: {  	_ =	shalt  }
0x41: {  	_ =	shalt  }
0x42: {  	_ =	shalt  }
0x43: {  	_ =	shalt  }
0x44: {  	_ =	shalt  }
0x45: {  	_ =	shalt  }
0x46: {  	_ =	shalt  }
0x47: {  	_ =	shalt  }
0x48: {  	_ =	shalt  }
0x49: {  	_ =	shalt  }
0x4a: {  	_ =	shalt  }
0x4b: {  	_ =	shalt  }
0x4c: {  	_ =	shalt  }
0x4d: {  	_ =	shalt  }
0x4e: {  	_ =	shalt  }
0x4f: {  	_ =	shalt  }
0x50: {  	_ =	shalt  }
0x51: {  	_ =	shalt  }
0x52: {  	_ =	shalt  }
0x53: {  	_ =	shalt  }
0x54: {  	_ =	shalt  }
0x55: {  	_ =	shalt  }
0x56: {  	_ =	shalt  }
0x57: {  	_ =	shalt  }
0x58: {  	_ =	shalt  }
0x59: {  	_ =	shalt  }
0x5a: {  	_ =	shalt  }
0x5b: {  	_ =	shalt  }
0x5c: {  	_ =	shalt  }
0x5d: {  	_ =	shalt  }
0x5e: {  	_ =	shalt  }
0x5f: {  	_ =	shalt  }
0x60: {  	_ =	shalt  }
0x61: {  	_ =	shalt  }
0x62: {  	_ =	shalt  }
0x63: {  	_ =	shalt  }
0x64: {  	_ =	shalt  }
0x65: {  	_ =	shalt  }
0x66: {  	_ =	shalt  }
0x67: {  	_ =	shalt  }
0x68: {  	_ =	shalt  }
0x69: {  	_ =	shalt  }
0x6a: {  	_ =	shalt  }
0x6b: {  	_ =	shalt  }
0x6c: {  	_ =	shalt  }
0x6d: {  	_ =	shalt  }
0x6e: {  	_ =	shalt  }
0x6f: {  	_ =	shalt  }
0x70: {  	_ =	shalt  }
0x71: {  	_ =	shalt  }
0x72: {  	_ =	shalt  }
0x73: {  	_ =	shalt  }
0x74: {  	_ =	shalt  }
0x75: {  	_ =	shalt  }
0x76: {  	_ =	shalt  }
0x77: {  	_ =	shalt  }
0x78: {  	_ =	shalt  }
0x79: {  	_ =	shalt  }
0x7a: {  	_ =	shalt  }
0x7b: {  	_ =	shalt  }
0x7c: {  	_ =	shalt  }
0x7d: {  	_ =	shalt  }
0x7e: {  	_ =	shalt  }
0x7f: {  	_ =	shalt  }
0x80: {  	_ =	shalt  }
0x81: {  	_ =	shalt  }
0x82: {  	_ =	shalt  }
0x83: {  	_ =	shalt  }
0x84: {  	_ =	shalt  }
0x85: {  	_ =	shalt  }
0x86: {  	_ =	shalt  }
0x87: {  	_ =	shalt  }
.Lfunc_end0:
.L_simem_size_0:
called_computation.2_lowered:
.L_overlay_start_0:
0x88: {  	s2 =	sld [smem:$0x3FD9]  }
0x89: {  	s3 =	sld [smem:$0x3FFE];
	_ =	sdelay $0x1  }
0x8a: {  	s1 =	srdreg.scid  }
0x8b: {  	s0 =	sand.u32 $0x1, s1  }
0x8c: {  	s16 =	sshll.u32 s0, $0xA;
	s2 =	sadd.s32 s3, s2  }
0x8d: {  	s2 =	sadd.s32 s2, s16  }
0x8e: {  	[smem:$0x3FB7] =	sst s2  }
0x8f: {  	_ = 	snop  }
0x90: {  	(tm) =	ssettm $0x1  }
0x91: {  	s17 =	sld [smem:$0x3FFB];
	_ =	sdelay $0x3  }
0x92: {  	_ =	strace s17  }
0x93: {  	s2 =	sld [smem:$0x3FFC];
	_ =	sdelay $0x3  }
0x94: {  	_ =	strace s2  }
0x95: {  	s2 =	sld [smem:$0x3FFD];
	_ =	sdelay $0x3  }
0x96: {  	_ =	strace s2  }
0x97: {  	_ =	strace $0x8FFFFFFF  }
0x98: {  	s18 =	sld [smem:$0x3FDB];
	_ =	sdelay $0x1  }
0x99: {  	s19 =	simm.s32 $_scs_section_size  }
0x9a: {  	s4 =	simm.s32 $_size__tile_overlayer_lowered;
	s5 =	simm.s32 $_tile_overlayer_lowered  }
0x9b: {  	s22 =	simm.s32 $0x1BFF;
	s21 =	sshll.u32 s5, $0x1;
	s2 =	sadd.s32 s19, s18  }
0x9c: {  	s6 =	simm.s32 $0x0;
	s20 =	sshll.u32 s4, $0x1;
	s4 =	sadd.s32 s21, s2  }
0x9d: {  	[timem:s6], [sflag:s22] =	dma.local [hbm:s4], s20  }
0x9e: {  	_ =	swait.ge [sflag:s22], s20  }
0x9f: {  	s3 =	ssub.s32 $0x0, s20;
	[sflag:s22] =	ssyncset.done $0x0  }
0xa0: {  	[sflag:s22] =	ssyncadd.s32 s3;
	_ =	sdelay $0x1  }
0xa1: {  	s23 =	simm.s32 $0x1B8B  }
0xa2: {  	_ =	swait.ge [sflag:s23], $0x1  }
0xa3: {  	[sflag:s23] =	ssyncset.done $0x0  }
0xa4: {  	s25 =	simm.s32 $0x1B8E;
	s24 =	sld [smem:$0x3FFE];
	[sflag:s23] =	ssyncadd.s32 $0xFFFFFFFF  }
0xa5: {  	s26 =	simm.s32 $execute0_lowered;
	[smem:$0x3FD2] =	sst s25  }
0xa6: {  	s4 =	sshll.u32 s26, $0x1;
	_ =	strace $0x8000004C;
	[dreg:$0x1] =	wrdreg $0xFFFFFFFF  }
0xa7: {  	s28 =	simm.s32 $_size_execute0_lowered;
	s2 =	sadd.s32 s2, s4;
	[dreg:$0x0] =	wrdreg $0x0  }
0xa8: {  	s4 =	sshll.u32 s28, $0x1;
	[dreg:$0x2] =	wrdreg s2  }
0xa9: {  	[dreg:$0x3] =	wrdreg s4  }
0xaa: {  	[dreg:$0x4] =	wrdreg $0xC0  }
0xab: {  	_ =	task [dreg:s6], $0x5FFFF  }
0xac: {  	[dreg:$0x1] =	wrdreg $0xFFFFFFFF  }
0xad: {  	[dreg:$0x0] =	wrdreg $0x60  }
0xae: {  	[dreg:$0x2] =	wrdreg s24  }
0xaf: {  	[dreg:$0x3] =	wrdreg $0xA4000  }
0xb0: {  	[dreg:$0x4] =	wrdreg $0xD4E80  }
0xb1: {  	[dreg:$0x5] =	wrdreg $0x9  }
0xb2: {  	_ =	task.clear_ibuf [dreg:s6], $0x6FFFF;
	_ =	strace $0x9000004C  }
0xb3: {  	s29 =	simm.s32 $0x9;
	_ =	strace $0x8000004E  }
0xb4: {  	_ =	swait.ge [sflag:s29], $0x1  }
0xb5: {  	[sflag:s29] =	ssyncadd.s32 $0xFFFFFFFF  }
0xb6: {  	_ =	strace $0x9000004E  }
0xb7: {  	_ =	sfence  }
0xb8: {  	s30 =	sld [smem:$0x0];
	_ =	sdelay $0x2  }
0xb9: {  	s31 =	sshll.u32 s1, $0xD;
	s1 =	sshrl.u32 s1, $0x2  }
0xba: {  	s3 =	sand.u32 $0x4000, s31;
	s1 =	sadd.s32 s1, s30  }
0xbb: {  	s0 =	sor.u32 s3, s0;
	s1 =	sshll.u32 s1, $0x11  }
0xbc: {  	s0 =	sor.u32 s1, s0  }
0xbd: {  	s0 =	sadd.s32 $0x8F2B, s0  }
0xbe: {  	[sflag:s0] =	ssyncadd.remote.s32 $0x1  }
0xbf: {  	_ =	sfence.sel $0xFFFF  }
0xc0: {  	[dreg:$0x0] =	wrdreg $0xFFFFFFFF;
	(pc) =	sbr.abs _section_cstart, $3  }
0xc1: {  	[dreg:$0x1] =	wrdreg $0xFFFFFFFF  }
0xc2: {  	_ =	task.clear_ibuf [dreg:s6], $0x2FFFF;
	_ =	strace $0x9FFFFFFF  }
0xc3: {  	(tm) =	ssettm $0x7FFFFFFF  }
tec
execute0_lowered:
.L_overlay_start_1:
0x0: {  	(tag) =	ssettag $0x1  }
0x1: {  	s6 =	rddreg [dreg:$0x0]  }
0x2: {  	s2 =	rddreg [dreg:$0x1]  }
0x3: {  	s0 =	srdreg.scid;
	s3 =	rddreg [dreg:$0x2];
	s4 =	simm.s32 $0x0  }
0x4: {  	s15 =	simm.s32 $0x7000;
	s16 =	simm.s32 $0x4;
	s17 =	simm.s32 $0x8  }
0x5: {  	s18 =	simm.s32 $0x5;
	s19 =	simm.s32 $0x1;
	s20 =	simm.s32 $0x80  }
0x6: {  	s21 =	simm.s32 $0x2;
	s5 =	sand.u32 $0x1, s0;
	s0 =	stileid.u32  }
0x7: {  	s22 =	simm.s32 $0x6;
	s23 =	simm.s32 $0x7;
	s9 =	smul.u32 $0x30E8, s0  }
0x8: {  	s24 =	simm.s32 $0x0;
	s1 =	sshll.u32 s5, $0x4;
	s10 =	smul.u32 $0x33D8, s0  }
0x9: {  	s8 =	smul.u32 $0x33D80, s5;
	s5 =	ssub.s32 $0x2, s5;
	s1 =	sor.u32 s0, s1  }
0xa: {  	[smem:$0x7FF] =	sst s4;
	s31 =	sshrl.u32 s5, $0x1;
	s7 =	smul.u32 $0x280, s1  }
0xb: {  	s1 =	rddreg [dreg:$0x3];
	_ =	strace $0x8000004D;
	s11 =	sshrl.u32 s9, $0x3  }
0xc: {  	s8 =	sadd.s32 s10, s8;
	s12 =	sshrl.u32 s10, $0x3;
	s14 =	ssub.s32 s5, s31  }
0xd: {  	s9 =	sadd.s32 s9, s2;
	s10 =	sadd.s32 s10, s3;
	s11 =	sadd.s32 s11, s6  }
0xe: {  	s8 =	sshrl.u32 s8, $0x3;
	s12 =	sadd.s32 s12, s6;
	s7 =	sadd.s32 s7, s6  }
0xf: {  	s13 =	sadd.s32 s8, s6;
	s8 =	sadd.s32 $0x16800, s12;
	s12 =	smax.u32 s14, $0x1  }
0x10: {  	s14 =	simm.s32 $0x3C00;
	s5 =	sadd.s32 $0xC800, s7;
	s6 =	sadd.s32 $0x11800, s7  }
0x11: {  	s7 =	sadd.s32 $0x1600, s11;
	s11 =	sadd.s32 $0x1D000, s13;
	s13 =	simm.s32 $0x1400  }
.LBB2_1:
0x12: {  	[tilespmem:s4], [sflag:$0x1] =	stream.linear.gather [hbm4b:s5+s4], $0x1400, $0x38;
	[tilespmem:$0x108C0] =	vst v63  }
0x13: {  	_ = 	snop  }
0x14: {  	[tilespmem:s13], [sflag:$0x2] =	stream.linear.gather [hbm4b:s6+s4], $0x1400, $0x38;
	[tilespmem:$0x108C0] =	vst v63  }
0x15: {  	_ = 	snop  }
0x16: {  	[tilespmem:s14], [sflag:$0x4] =	stream.linear.gather [hbm4b:s7+s4], $0x30E8, $0x38;
	[tilespmem:$0x108C0] =	vst v63  }
0x17: {  	_ = 	snop  }
0x18: {  	[tilespmem:s15], [sflag:$0x5] =	stream.linear.gather [hbm4b:s8+s4], $0x33D8, $0x38;
	[tilespmem:$0x108C0] =	vst v63  }
0x19: {  	_ =	swait.ge [sflag:s16], $0x30E8  }
0x1a: {  	[sflag:s16] =	ssyncset.done $0x0  }
0x1b: {  	[sflag:s16] =	ssyncadd.s32 $0xFFFFCF18  }
0x1c: {  	[spmem:s9] =	stream.linear.scatter [tilespmem:s14], [sflag:$0x8], $0x30E8, $0x38;
	[tilespmem:$0x108C0] =	vst v63  }
0x1d: {  	_ =	swait.ge [sflag:s17], $0x30E8  }
0x1e: {  	[sflag:s17] =	ssyncset.done $0x0  }
0x1f: {  	[sflag:s17] =	ssyncadd.s32 $0xFFFFCF18  }
0x20: {  	_ =	swait.ge [sflag:s18], $0x33D8  }
0x21: {  	[sflag:s18] =	ssyncset.done $0x0  }
0x22: {  	[sflag:s18] =	ssyncadd.s32 $0xFFFFCC28  }
0x23: {  	[spmem:s10] =	stream.linear.scatter [tilespmem:s15], [sflag:$0x8], $0x33D8, $0x38;
	[tilespmem:$0x108C0] =	vst v63  }
0x24: {  	_ =	swait.ge [sflag:s17], $0x33D8  }
0x25: {  	[sflag:s17] =	ssyncset.done $0x0  }
0x26: {  	[sflag:s17] =	ssyncadd.s32 $0xFFFFCC28  }
0x27: {  	_ =	swait.ge [sflag:s19], $0x1400  }
0x28: {  	[sflag:s19] =	ssyncset.done $0x0  }
0x29: {  	s25 =	simm.s32 $0x200;
	[sflag:s19] =	ssyncadd.s32 $0xFFFFEC00  }
0x2a: {  	s26 =	simm.s32 $0x0;
	s28 =	simm.s32 $0x2800;
	[bflag:$0x0] =	sbarrier.arrive $0xFFFF  }
.LBB2_2:
0x2b: {  	[tilespmem:s28], [sflag:$0x6] =	stream.indirect.gather [spmem:s2], $0x1, s26, s20, $0xb8;
	[tilespmem:$0x108C0] =	vst v63  }
0x2c: {  	s26 =	smov.u32 s25;
	p0 =	sne.s32 s25, $0x4E00  }
.Ltmp0:
0x2d: {  	s25 =	sadd.s32 $0x200, s25;
	(pc) =	sbr.rel @p0 .LBB2_2-.Ltmp0, $3  }
0x2e: {  	_ =	sdelay $0x1  }
0x2f: {  	s26 =	sshra.s32 s26, $0x2  }
0x30: {  	s28 =	sadd.s32 $0x2800, s26  }
0x31: {  	[tilespmem:s28], [sflag:$0x6] =	stream.indirect.gather [spmem:s2], $0x1, s26, s20, $0xb8;
	[tilespmem:$0x108C0] =	vst v63  }
0x32: {  	_ =	swait.ge [sflag:s21], $0x1400  }
0x33: {  	[sflag:s21] =	ssyncset.done $0x0  }
0x34: {  	s25 =	simm.s32 $0x28;
	[sflag:s21] =	ssyncadd.s32 $0xFFFFEC00  }
.LBB2_4:
0x35: {  	p0 =	sne.s32 s25, $0x1  }
.Ltmp1:
0x36: {  	_ = 	snop;
	(pc) =	sbr.rel @p0 .LBB2_4-.Ltmp1, $4  }
0x37: {  	_ = 	snop  }
0x38: {  	_ =	swait.ge [sflag:s22], $0x80  }
0x39: {  	[sflag:s22] =	ssyncset.done $0x0  }
0x3a: {  	s25 =	sadd.s32 $0xFFFFFFFF, s25;
	[sflag:s22] =	ssyncadd.s32 $0xFFFFFF80  }
0x3b: {  	s25 =	simm.s32 $0x0  }
.LBB2_6:
0x3c: {  	p0 =	sne.s32 s25, $0x4E00  }
.Ltmp2:
0x3d: {  	_ = 	snop;
	(pc) =	sbr.rel @p0 .LBB2_6-.Ltmp2, $4  }
0x3e: {  	_ = 	snop  }
0x3f: {  	s26 =	sshra.s32 s25, $0x2  }
0x40: {  	s25 =	sadd.s32 $0x200, s25;
	s28 =	sadd.s32 $0x2800, s26;
	s26 =	sadd.s32 $0x1400, s26  }
0x41: {  	[spmem:s3] =	stream.indirect.scatter.add.f32 [tilespmem:s28], [sflag:$0x7], $0x1, s26, s20, $0xb8;
	[tilespmem:$0x108C0] =	vst v63  }
0x42: {  	_ =	swait.ge [sflag:s23], $0x80  }
0x43: {  	s25 =	simm.s32 $0x27;
	[sflag:s23] =	ssyncset.done $0x0  }
.LBB2_8:
0x44: {  	p0 =	sne.s32 s25, $0x1;
	s25 =	sadd.s32 $0xFFFFFFFF, s25;
	[sflag:s23] =	ssyncadd.s32 $0xFFFFFF80  }
.Ltmp3:
0x45: {  	(pc) =	sbr.rel @p0 .LBB2_8-.Ltmp3, $3  }
0x46: {  	_ =	sdelay $0x1  }
0x47: {  	_ =	swait.ge [sflag:s23], $0x80  }
0x48: {  	[sflag:s23] =	ssyncset.done $0x0  }
0x49: {  	[sflag:s23] =	ssyncadd.s32 $0xFFFFFF80  }
0x4a: {  	[bflag:$0x0] =	sbarrier.arrive $0xFFFF  }
0x4b: {  	[tilespmem:s14], [sflag:$0x8] =	stream.linear.gather [spmem:s10], $0x33D8, $0x38;
	[tilespmem:$0x108C0] =	vst v63  }
0x4c: {  	s24 =	sadd.s32 $0x1, s24;
	_ =	swait.ge [sflag:s17], $0x33D8  }
0x4d: {  	p0 =	sne.s32 s24, s12;
	[sflag:s17] =	ssyncset.done $0x0  }
.Ltmp4:
0x4e: {  	[sflag:s17] =	ssyncadd.s32 $0xFFFFCC28;
	(pc) =	sbr.rel @p0 .LBB2_1-.Ltmp4, $4  }
0x4f: {  	[hbm4b:s11+s4] =	stream.linear.scatter [tilespmem:s14], [sflag:$0x8], $0x33D8, $0x38;
	[tilespmem:$0x108C0] =	vst v63  }
0x50: {  	_ =	swait.ge [sflag:s17], $0x33D8  }
0x51: {  	[sflag:s17] =	ssyncset.done $0x0  }
0x52: {  	[sflag:s17] =	ssyncadd.s32 $0xFFFFCC28  }
0x53: {  	_ =	sfence.sel $0x180000  }
0x54: {  	[bflag:$0x0] =	sbarrier.arrive $0xFFFF  }
0x55: {  	p0 =	sne.s32 s0, $0x0;
	_ =	strace $0x9000004D  }
0x56: {  	s0 =	sadd.s32 @!p0 $0x100000, s1;
	[bflag:$0x2] =	sbarrier.arrive $0xFFFF  }
0x57: {  	[sflag:s0] =	ssyncadd.tile.s32 @!p0 $0x1;
	_ =	shalt  }
.Lfunc_end2:
_tile_overlayer_lowered:
.L_overlay_start_2:
0x58: {  	(tag) =	ssettag $0x2  }
0x59: {  	s0 =	rddreg [dreg:$0x0];
	s2 =	stileid.u32  }
0x5a: {  	s1 =	rddreg [dreg:$0x1];
	p0 =	sne.s32 s2, $0x0  }
0x5b: {  	s3 =	rddreg [dreg:$0x2];
	[bflag:$0x3] =	sbarrier.arrive $0xFFFF;
	s2 =	simm.s32 @!p0 $0x1C08  }
0x5c: {  	[timem:s3], [sflag:s2] =	dma.local @!p0 [hbm:s0], s1  }
0x5d: {  	s0 =	simm.s32 @!p0 $0x8  }
0x5e: {  	_ =	swait.ge @!p0 [sflag:s0], s1  }
0x5f: {  	s1 =	ssub.s32 @!p0 $0x0, s1;
	[sflag:s0] =	ssyncset.done @!p0 $0x0  }
0x60: {  	[sflag:s0] =	ssyncadd.s32 @!p0 s1  }
0x61: {  	[bflag:$0x3] =	sbarrier.arrive $0xFFFF  }
0x62: {  	_ =	shalt  }

// kernel: kernel.9.cloned.1.call-start
scs
__scs_entry_jumppad:
0x0: {  	(pc) =	sbr.rel $0x88, $3  }
0x1: {  	(tag) =	ssettag $0x0;
	lr =	simm.s32 $0x1  }
0x2: {  	[smem:$0x3F90] =	sst lr;
	_ =	strace $0xD0000000  }
0x3: {  	_ = 	snop  }
0x4: {  	_ = 	snop  }
0x5: {  	_ = 	snop  }
0x6: {  	_ = 	snop  }
0x7: {  	_ = 	snop  }
__scs_overlays_trampoline_lowered:
0x8: {  	[smem:$0x3F9F] =	sst s0  }
0x9: {  	[smem:$0x3FA0] =	sst s1  }
0xa: {  	[smem:$0x3FA1] =	sst s2  }
0xb: {  	[smem:$0x3FA2] =	sst s3  }
0xc: {  	[smem:$0x3FA3] =	sst s4  }
0xd: {  	[smem:$0x3FA4] =	sst s5  }
0xe: {  	[smem:$0x3FA5] =	sst s6  }
0xf: {  	[smem:$0x3FA6] =	sst s7  }
0x10: {  	[smem:$0x3FA7] =	sst s8  }
0x11: {  	[smem:$0x3FA8] =	sst s9;
	s0 =	simm.s32 @!p0 $0x0  }
0x12: {  	s1 =	sld [smem:$0x3F8E];
	s0 =	simm.s32 @p0 $0x1  }
0x13: {  	[smem:$0x3FA9] =	sst s0;
	s0 =	simm.s32 @!p1 $0x0  }
0x14: {  	s2 =	sld [smem:$0x3F8D];
	s0 =	simm.s32 @p1 $0x1  }
0x15: {  	[smem:$0x3FAA] =	sst s0;
	s0 =	simm.s32 @!p2 $0x0  }
0x16: {  	s3 =	sld [smem:$0x3FDB];
	s0 =	simm.s32 @p2 $0x1  }
0x17: {  	s4 =	simm.s32 $0x1BF5;
	[smem:$0x3FAC] =	sst s0  }
0x18: {  	s0 =	sld [smem:$0x3F8F];
	_ =	swait.ge [sflag:s4], $0x0  }
0x19: {  	s7 =	sld [smem:$0x3F90]  }
0x1a: {  	s8 =	sadd.s32 $0xFFFFE003, lr  }
0x1b: {  	s9 =	sadd.s32 $0xFFFFFEF7, lr;
	s5 =	simm.s32 $0xFFFFFFFF;
	p2 =	slt.u32 s8, $0xFFFFF086  }
0x1c: {  	p1 =	slt.u32 s9, $0xF7A;
	s5 =	simm.s32 @!p2 $0x0  }
0x1d: {  	s5 =	simm.s32 @p1 $0x1;
	p0 =	seq.s32 s7, s2  }
0x1e: {  	s7 =	smul.u32 @!p0 $0xF7A, s2;
	p2 =	seq.s32 @!p0 s5, $0x0  }
0x1f: {  	s9 =	smul.u32 $0xF7A, s1;
	s8 =	simm.s32 @!p0 $0x1BF5;
	p2 =	por !p2, p0  }
0x20: {  	[sflag:s8] =	ssyncset.s32 @!p0 $0xFFFFF086;
	s6 =	sadd.s32 @!p0 s3, s7;
	s7 =	simm.s32 @!p0 $0x108  }
0x21: {  	s3 =	sadd.s32 s3, s9;
	s6 =	sadd.s32 @!p0 $0x88, s6;
	s7 =	simm.s32 @p2 $0x1082  }
0x22: {  	[simem:s7], [sflag:s8] =	dma.local @!p0 [hbm:s6], $0xF7A  }
0x23: {  	s9 =	sor.u32 $0xD0000000, s2;
	s6 =	simm.s32 $0x108;
	_ =	swait.ge @!p0 [sflag:s8], $0x0  }
0x24: {  	s3 =	sadd.s32 $0x88, s3;
	s6 =	simm.s32 @!p1 $0x1082;
	[sflag:s4] =	ssyncset.s32 $0xFFFFF086  }
0x25: {  	[simem:s6], [sflag:s4] =	dma.local [hbm:s3], $0xF7A  }
0x26: {  	[smem:$0x3F90] =	sst s1;
	(tag) =	ssettag s2;
	_ =	strace s9  }
0x27: {  	s1 =	sld [smem:$0x3FA0]  }
0x28: {  	s2 =	sld [smem:$0x3FA1]  }
0x29: {  	s4 =	sld [smem:$0x3FA3]  }
0x2a: {  	p0 =	seq.s32 s5, $0x0;
	s5 =	sld [smem:$0x3FA4]  }
0x2b: {  	s6 =	sld [smem:$0x3FA5]  }
0x2c: {  	s7 =	sld [smem:$0x3FA6]  }
0x2d: {  	s3 =	simm.s32 $0x108;
	s8 =	sld [smem:$0x3FA7]  }
0x2e: {  	s3 =	simm.s32 @!p0 $0x1082;
	s9 =	sld [smem:$0x3FA8]  }
0x2f: {  	lr =	sadd.s32 s0, s3;
	s0 =	sld [smem:$0x3F9F]  }
0x30: {  	s3 =	sld [smem:$0x3FA2]  }
0x31: {  	[smem:$0x3FAB] =	sst s10  }
0x32: {  	s10 =	sld [smem:$0x3FA9];
	_ =	sdelay $0x3  }
0x33: {  	p0 =	seq.s32 s10, $0x1;
	s10 =	sld [smem:$0x3FAB];
	_ =	sdelay $0x3  }
0x34: {  	[smem:$0x3FAB] =	sst s10  }
0x35: {  	s10 =	sld [smem:$0x3FAA];
	_ =	sdelay $0x3  }
0x36: {  	p1 =	seq.s32 s10, $0x1;
	s10 =	sld [smem:$0x3FAB];
	_ =	sdelay $0x3  }
0x37: {  	[smem:$0x3FAB] =	sst s10  }
0x38: {  	s10 =	sld [smem:$0x3FAC]  }
0x39: {  	_ = 	snop;
	(pc) =	sbr.ind lr, $3  }
0x3a: {  	_ = 	snop  }
0x3b: {  	_ = 	snop  }
0x3c: {  	p2 =	seq.s32 s10, $0x1;
	s10 =	sld [smem:$0x3FAB]  }
0x3d: {  	_ =	shalt  }
0x3e: {  	_ =	shalt  }
0x3f: {  	_ =	shalt  }
0x40: {  	_ =	shalt  }
0x41: {  	_ =	shalt  }
0x42: {  	_ =	shalt  }
0x43: {  	_ =	shalt  }
0x44: {  	_ =	shalt  }
0x45: {  	_ =	shalt  }
0x46: {  	_ =	shalt  }
0x47: {  	_ =	shalt  }
0x48: {  	_ =	shalt  }
0x49: {  	_ =	shalt  }
0x4a: {  	_ =	shalt  }
0x4b: {  	_ =	shalt  }
0x4c: {  	_ =	shalt  }
0x4d: {  	_ =	shalt  }
0x4e: {  	_ =	shalt  }
0x4f: {  	_ =	shalt  }
0x50: {  	_ =	shalt  }
0x51: {  	_ =	shalt  }
0x52: {  	_ =	shalt  }
0x53: {  	_ =	shalt  }
0x54: {  	_ =	shalt  }
0x55: {  	_ =	shalt  }
0x56: {  	_ =	shalt  }
0x57: {  	_ =	shalt  }
0x58: {  	_ =	shalt  }
0x59: {  	_ =	shalt  }
0x5a: {  	_ =	shalt  }
0x5b: {  	_ =	shalt  }
0x5c: {  	_ =	shalt  }
0x5d: {  	_ =	shalt  }
0x5e: {  	_ =	shalt  }
0x5f: {  	_ =	shalt  }
0x60: {  	_ =	shalt  }
0x61: {  	_ =	shalt  }
0x62: {  	_ =	shalt  }
0x63: {  	_ =	shalt  }
0x64: {  	_ =	shalt  }
0x65: {  	_ =	shalt  }
0x66: {  	_ =	shalt  }
0x67: {  	_ =	shalt  }
0x68: {  	_ =	shalt  }
0x69: {  	_ =	shalt  }
0x6a: {  	_ =	shalt  }
0x6b: {  	_ =	shalt  }
0x6c: {  	_ =	shalt  }
0x6d: {  	_ =	shalt  }
0x6e: {  	_ =	shalt  }
0x6f: {  	_ =	shalt  }
0x70: {  	_ =	shalt  }
0x71: {  	_ =	shalt  }
0x72: {  	_ =	shalt  }
0x73: {  	_ =	shalt  }
0x74: {  	_ =	shalt  }
0x75: {  	_ =	shalt  }
0x76: {  	_ =	shalt  }
0x77: {  	_ =	shalt  }
0x78: {  	_ =	shalt  }
0x79: {  	_ =	shalt  }
0x7a: {  	_ =	shalt  }
0x7b: {  	_ =	shalt  }
0x7c: {  	_ =	shalt  }
0x7d: {  	_ =	shalt  }
0x7e: {  	_ =	shalt  }
0x7f: {  	_ =	shalt  }
0x80: {  	_ =	shalt  }
0x81: {  	_ =	shalt  }
0x82: {  	_ =	shalt  }
0x83: {  	_ =	shalt  }
0x84: {  	_ =	shalt  }
0x85: {  	_ =	shalt  }
0x86: {  	_ =	shalt  }
0x87: {  	_ =	shalt  }
.Lfunc_end0:
.L_simem_size_0:
called_computation_lowered:
.L_overlay_start_0:
0x88: {  	s2 =	sld [smem:$0x3FD9]  }
0x89: {  	s3 =	sld [smem:$0x3FFE];
	_ =	sdelay $0x1  }
0x8a: {  	s1 =	srdreg.scid  }
0x8b: {  	s0 =	sand.u32 $0x1, s1  }
0x8c: {  	s16 =	sshll.u32 s0, $0xA;
	s2 =	sadd.s32 s3, s2  }
0x8d: {  	s2 =	sadd.s32 s2, s16  }
0x8e: {  	[smem:$0x3FB7] =	sst s2  }
0x8f: {  	_ = 	snop  }
0x90: {  	(tm) =	ssettm $0x1  }
0x91: {  	s17 =	sld [smem:$0x3FFB];
	_ =	sdelay $0x3  }
0x92: {  	_ =	strace s17  }
0x93: {  	s2 =	sld [smem:$0x3FFC];
	_ =	sdelay $0x3  }
0x94: {  	_ =	strace s2  }
0x95: {  	s2 =	sld [smem:$0x3FFD];
	_ =	sdelay $0x3  }
0x96: {  	_ =	strace s2  }
0x97: {  	_ =	strace $0x8FFFFFFF  }
0x98: {  	s18 =	sld [smem:$0x3FDB];
	_ =	sdelay $0x1  }
0x99: {  	s19 =	simm.s32 $_scs_section_size  }
0x9a: {  	s4 =	simm.s32 $_size__tile_overlayer_lowered;
	s5 =	simm.s32 $_tile_overlayer_lowered  }
0x9b: {  	s22 =	simm.s32 $0x1BFF;
	s21 =	sshll.u32 s5, $0x1;
	s2 =	sadd.s32 s19, s18  }
0x9c: {  	s6 =	simm.s32 $0x0;
	s20 =	sshll.u32 s4, $0x1;
	s4 =	sadd.s32 s21, s2  }
0x9d: {  	[timem:s6], [sflag:s22] =	dma.local [hbm:s4], s20  }
0x9e: {  	_ =	swait.ge [sflag:s22], s20  }
0x9f: {  	s3 =	ssub.s32 $0x0, s20;
	[sflag:s22] =	ssyncset.done $0x0  }
0xa0: {  	[sflag:s22] =	ssyncadd.s32 s3;
	_ =	sdelay $0x1  }
0xa1: {  	s23 =	simm.s32 $0x1B8B  }
0xa2: {  	_ =	swait.ge [sflag:s23], $0x1  }
0xa3: {  	[sflag:s23] =	ssyncset.done $0x0  }
0xa4: {  	s25 =	simm.s32 $0x1B8E;
	s24 =	sld [smem:$0x3FFE];
	[sflag:s23] =	ssyncadd.s32 $0xFFFFFFFF  }
0xa5: {  	s26 =	simm.s32 $execute0_lowered;
	[smem:$0x3FD2] =	sst s25  }
0xa6: {  	s4 =	sshll.u32 s26, $0x1;
	_ =	strace $0x80000046;
	[dreg:$0x1] =	wrdreg $0xFFFFFFFF  }
0xa7: {  	s28 =	simm.s32 $_size_execute0_lowered;
	s2 =	sadd.s32 s2, s4;
	[dreg:$0x0] =	wrdreg $0x0  }
0xa8: {  	s4 =	sshll.u32 s28, $0x1;
	[dreg:$0x2] =	wrdreg s2  }
0xa9: {  	[dreg:$0x3] =	wrdreg s4  }
0xaa: {  	[dreg:$0x4] =	wrdreg $0xC0  }
0xab: {  	_ =	task [dreg:s6], $0x5FFFF  }
0xac: {  	[dreg:$0x1] =	wrdreg $0xFFFFFFFF  }
0xad: {  	[dreg:$0x0] =	wrdreg $0x60  }
0xae: {  	[dreg:$0x2] =	wrdreg s24  }
0xaf: {  	[dreg:$0x3] =	wrdreg $0xB8800  }
0xb0: {  	[dreg:$0x4] =	wrdreg $0xE9680  }
0xb1: {  	[dreg:$0x5] =	wrdreg $0x9  }
0xb2: {  	_ =	task.clear_ibuf [dreg:s6], $0x6FFFF;
	_ =	strace $0x90000046  }
0xb3: {  	s29 =	simm.s32 $0x9;
	_ =	strace $0x80000048  }
0xb4: {  	_ =	swait.ge [sflag:s29], $0x1  }
0xb5: {  	[sflag:s29] =	ssyncadd.s32 $0xFFFFFFFF  }
0xb6: {  	_ =	strace $0x90000048  }
0xb7: {  	_ =	sfence  }
0xb8: {  	s30 =	sld [smem:$0x0];
	_ =	sdelay $0x2  }
0xb9: {  	s31 =	sshll.u32 s1, $0xD;
	s1 =	sshrl.u32 s1, $0x2  }
0xba: {  	s3 =	sand.u32 $0x4000, s31;
	s1 =	sadd.s32 s1, s30  }
0xbb: {  	s0 =	sor.u32 s3, s0;
	s1 =	sshll.u32 s1, $0x11  }
0xbc: {  	s0 =	sor.u32 s1, s0  }
0xbd: {  	s0 =	sadd.s32 $0x8F2B, s0  }
0xbe: {  	[sflag:s0] =	ssyncadd.remote.s32 $0x1  }
0xbf: {  	_ =	sfence.sel $0xFFFF  }
0xc0: {  	[dreg:$0x0] =	wrdreg $0xFFFFFFFF;
	(pc) =	sbr.abs _section_cstart, $3  }
0xc1: {  	[dreg:$0x1] =	wrdreg $0xFFFFFFFF  }
0xc2: {  	_ =	task.clear_ibuf [dreg:s6], $0x2FFFF;
	_ =	strace $0x9FFFFFFF  }
0xc3: {  	(tm) =	ssettm $0x7FFFFFFF  }
tec
execute0_lowered:
.L_overlay_start_1:
0x0: {  	(tag) =	ssettag $0x1  }
0x1: {  	s0 =	srdreg.scid  }
0x2: {  	s1 =	rddreg [dreg:$0x0];
	s6 =	stileid.u32  }
0x3: {  	s2 =	rddreg [dreg:$0x1];
	s15 =	simm.s32 $0x2800;
	s16 =	simm.s32 $0x5080  }
0x4: {  	s17 =	simm.s32 $0x8480;
	s18 =	simm.s32 $0x4;
	s19 =	simm.s32 $0x8  }
0x5: {  	s20 =	simm.s32 $0x5;
	s21 =	simm.s32 $0x1;
	s22 =	simm.s32 $0x3  }
0x6: {  	s23 =	simm.s32 $0x80;
	s24 =	simm.s32 $0x2;
	s25 =	simm.s32 $0x5000  }
0x7: {  	s14 =	simm.s32 $0x6;
	s0 =	sand.u32 $0x1, s0;
	s10 =	smul.u32 $0x30E8, s6  }
0x8: {  	s28 =	simm.s32 $0x0;
	s11 =	smul.u32 $0x33D8, s6;
	s3 =	sshll.u32 s0, $0x4  }
0x9: {  	s7 =	smul.u32 $0x33D80, s0;
	s0 =	ssub.s32 $0x2, s0;
	s4 =	sor.u32 s6, s3  }
0xa: {  	s3 =	rddreg [dreg:$0x2];
	s26 =	sshrl.u32 s10, $0x3;
	s30 =	sshrl.u32 s11, $0x3  }
0xb: {  	s31 =	sshrl.u32 s0, $0x1;
	s10 =	sadd.s32 s10, s2;
	s5 =	smul.u32 $0x280, s4  }
0xc: {  	s4 =	simm.s32 $0x0;
	s8 =	sadd.s32 s26, s1;
	s29 =	sadd.s32 s11, s7  }
0xd: {  	s12 =	sadd.s32 s30, s1;
	s0 =	ssub.s32 s0, s31;
	s11 =	sadd.s32 s11, s3  }
0xe: {  	s26 =	simm.s32 $0x7;
	[smem:$0x7FF] =	sst s4;
	s8 =	sadd.s32 $0x1600, s8  }
0xf: {  	s13 =	smax.u32 s0, $0x1;
	s9 =	sadd.s32 s5, s1;
	s5 =	sshrl.u32 s29, $0x3  }
0x10: {  	s0 =	simm.s32 $0x3B80;
	_ =	strace $0x80000047;
	s1 =	sadd.s32 s5, s1  }
0x11: {  	s5 =	sadd.s32 $0xC800, s9;
	s6 =	sadd.s32 $0x11800, s9;
	s7 =	sadd.s32 $0x7800, s9  }
0x12: {  	v0 =	vimm.f32 $1.000000000e+00;
	s9 =	sadd.s32 $0x16800, s12;
	s12 =	sadd.s32 $0x1D000, s1;
	s1 =	simm.s32 $0x3B00  }
.LBB2_1:
0x13: {  	[tilespmem:s4], [sflag:$0x1] =	stream.linear.gather [hbm4b:s5+s4], $0x1400, $0x38;
	[tilespmem:$0x11D40] =	vst v63  }
0x14: {  	s29 =	simm.s32 $0x1400  }
0x15: {  	[tilespmem:s29], [sflag:$0x2] =	stream.linear.gather [hbm4b:s6+s4], $0x1400, $0x38;
	[tilespmem:$0x11D40] =	vst v63  }
0x16: {  	_ = 	snop  }
0x17: {  	[tilespmem:s15], [sflag:$0x3] =	stream.linear.gather [hbm4b:s7+s4], $0x1400, $0x38;
	[tilespmem:$0x11D40] =	vst v63  }
0x18: {  	[tilespmem:$0x5000] =	vst v0  }
0x19: {  	[tilespmem:$0x5010] =	vst v0  }
0x1a: {  	[tilespmem:$0x5020] =	vst v0  }
0x1b: {  	[tilespmem:$0x5030] =	vst v0  }
0x1c: {  	[tilespmem:$0x5040] =	vst v0  }
0x1d: {  	[tilespmem:$0x5050] =	vst v0  }
0x1e: {  	[tilespmem:$0x5060] =	vst v0  }
0x1f: {  	[tilespmem:$0x5070] =	vst v0  }
0x20: {  	[tilespmem:s16], [sflag:$0x4] =	stream.linear.gather [hbm4b:s8+s4], $0x30E8, $0x38;
	[tilespmem:$0x11D40] =	vst v63  }
0x21: {  	_ = 	snop  }
0x22: {  	[tilespmem:s17], [sflag:$0x5] =	stream.linear.gather [hbm4b:s9+s4], $0x33D8, $0x38;
	[tilespmem:$0x11D40] =	vst v63  }
0x23: {  	_ =	swait.ge [sflag:s18], $0x30E8  }
0x24: {  	[sflag:s18] =	ssyncset.done $0x0  }
0x25: {  	[sflag:s18] =	ssyncadd.s32 $0xFFFFCF18  }
0x26: {  	[spmem:s10] =	stream.linear.scatter [tilespmem:s16], [sflag:$0x8], $0x30E8, $0x38;
	[tilespmem:$0x11D40] =	vst v63  }
0x27: {  	_ =	swait.ge [sflag:s19], $0x30E8  }
0x28: {  	[sflag:s19] =	ssyncset.done $0x0  }
0x29: {  	[sflag:s19] =	ssyncadd.s32 $0xFFFFCF18  }
0x2a: {  	_ =	swait.ge [sflag:s20], $0x33D8  }
0x2b: {  	[sflag:s20] =	ssyncset.done $0x0  }
0x2c: {  	[sflag:s20] =	ssyncadd.s32 $0xFFFFCC28  }
0x2d: {  	[spmem:s11] =	stream.linear.scatter [tilespmem:s17], [sflag:$0x8], $0x33D8, $0x38;
	[tilespmem:$0x11D40] =	vst v63  }
0x2e: {  	_ =	swait.ge [sflag:s19], $0x33D8  }
0x2f: {  	[sflag:s19] =	ssyncset.done $0x0  }
0x30: {  	[sflag:s19] =	ssyncadd.s32 $0xFFFFCC28  }
0x31: {  	_ =	swait.ge [sflag:s21], $0x1400  }
0x32: {  	[sflag:s21] =	ssyncset.done $0x0  }
0x33: {  	[sflag:s21] =	ssyncadd.s32 $0xFFFFEC00  }
0x34: {  	_ =	swait.ge [sflag:s22], $0x1400  }
0x35: {  	[sflag:s22] =	ssyncset.done $0x0  }
0x36: {  	s30 =	simm.s32 $0x0;
	[sflag:s22] =	ssyncadd.s32 $0xFFFFEC00  }
0x37: {  	s31 =	simm.s32 $0x3C00;
	s29 =	simm.s32 $0x200;
	[bflag:$0x0] =	sbarrier.arrive $0xFFFF  }
.LBB2_2:
0x38: {  	[tilespmem:s31], [sflag:$0x6] =	stream.indirect.gather [spmem:s2], $0x1, s30, s23, $0xb8;
	[tilespmem:$0x11D40] =	vst v63  }
0x39: {  	s30 =	smov.u32 s29;
	p0 =	sne.s32 s29, $0x4E00  }
.Ltmp0:
0x3a: {  	s29 =	sadd.s32 $0x200, s29;
	(pc) =	sbr.rel @p0 .LBB2_2-.Ltmp0, $3  }
0x3b: {  	_ =	sdelay $0x1  }
0x3c: {  	s30 =	sshra.s32 s30, $0x2  }
0x3d: {  	s31 =	sadd.s32 $0x3C00, s30  }
0x3e: {  	[tilespmem:s31], [sflag:$0x6] =	stream.indirect.gather [spmem:s2], $0x1, s30, s23, $0xb8;
	[tilespmem:$0x11D40] =	vst v63  }
0x3f: {  	_ =	swait.ge [sflag:s24], $0x1400  }
0x40: {  	[sflag:s24] =	ssyncset.done $0x0  }
0x41: {  	[sflag:s24] =	ssyncadd.s32 $0xFFFFEC00  }
0x42: {  	[spmem:s3] =	stream.indirect.scatter.add.f32 [tilespmem:s25], [sflag:$0x7], $0x1, s15, s23, $0xb8;
	[tilespmem:$0x11D40] =	vst v63  }
0x43: {  	s29 =	simm.s32 $0x2880  }
0x44: {  	[spmem:s3] =	stream.indirect.scatter.add.f32 [tilespmem:s25], [sflag:$0x7], $0x1, s29, s23, $0xb8;
	[tilespmem:$0x11D40] =	vst v63  }
0x45: {  	s29 =	simm.s32 $0x2900  }
0x46: {  	[spmem:s3] =	stream.indirect.scatter.add.f32 [tilespmem:s25], [sflag:$0x7], $0x1, s29, s23, $0xb8;
	[tilespmem:$0x11D40] =	vst v63  }
0x47: {  	s29 =	simm.s32 $0x2980  }
0x48: {  	[spmem:s3] =	stream.indirect.scatter.add.f32 [tilespmem:s25], [sflag:$0x7], $0x1, s29, s23, $0xb8;
	[tilespmem:$0x11D40] =	vst v63  }
0x49: {  	s29 =	simm.s32 $0x2A00  }
0x4a: {  	[spmem:s3] =	stream.indirect.scatter.add.f32 [tilespmem:s25], [sflag:$0x7], $0x1, s29, s23, $0xb8;
	[tilespmem:$0x11D40] =	vst v63  }
0x4b: {  	s29 =	simm.s32 $0x2A80  }
0x4c: {  	[spmem:s3] =	stream.indirect.scatter.add.f32 [tilespmem:s25], [sflag:$0x7], $0x1, s29, s23, $0xb8;
	[tilespmem:$0x11D40] =	vst v63  }
0x4d: {  	s29 =	simm.s32 $0x2B00  }
0x4e: {  	[spmem:s3] =	stream.indirect.scatter.add.f32 [tilespmem:s25], [sflag:$0x7], $0x1, s29, s23, $0xb8;
	[tilespmem:$0x11D40] =	vst v63  }
0x4f: {  	s29 =	simm.s32 $0x2B80  }
0x50: {  	[spmem:s3] =	stream.indirect.scatter.add.f32 [tilespmem:s25], [sflag:$0x7], $0x1, s29, s23, $0xb8;
	[tilespmem:$0x11D40] =	vst v63  }
0x51: {  	s29 =	simm.s32 $0x2C00  }
0x52: {  	[spmem:s3] =	stream.indirect.scatter.add.f32 [tilespmem:s25], [sflag:$0x7], $0x1, s29, s23, $0xb8;
	[tilespmem:$0x11D40] =	vst v63  }
0x53: {  	s29 =	simm.s32 $0x2C80  }
0x54: {  	[spmem:s3] =	stream.indirect.scatter.add.f32 [tilespmem:s25], [sflag:$0x7], $0x1, s29, s23, $0xb8;
	[tilespmem:$0x11D40] =	vst v63  }
0x55: {  	s29 =	simm.s32 $0x2D00  }
0x56: {  	[spmem:s3] =	stream.indirect.scatter.add.f32 [tilespmem:s25], [sflag:$0x7], $0x1, s29, s23, $0xb8;
	[tilespmem:$0x11D40] =	vst v63  }
0x57: {  	s29 =	simm.s32 $0x2D80  }
0x58: {  	[spmem:s3] =	stream.indirect.scatter.add.f32 [tilespmem:s25], [sflag:$0x7], $0x1, s29, s23, $0xb8;
	[tilespmem:$0x11D40] =	vst v63  }
0x59: {  	s29 =	simm.s32 $0x2E00  }
0x5a: {  	[spmem:s3] =	stream.indirect.scatter.add.f32 [tilespmem:s25], [sflag:$0x7], $0x1, s29, s23, $0xb8;
	[tilespmem:$0x11D40] =	vst v63  }
0x5b: {  	s29 =	simm.s32 $0x2E80  }
0x5c: {  	[spmem:s3] =	stream.indirect.scatter.add.f32 [tilespmem:s25], [sflag:$0x7], $0x1, s29, s23, $0xb8;
	[tilespmem:$0x11D40] =	vst v63  }
0x5d: {  	s29 =	simm.s32 $0x2F00  }
0x5e: {  	[spmem:s3] =	stream.indirect.scatter.add.f32 [tilespmem:s25], [sflag:$0x7], $0x1, s29, s23, $0xb8;
	[tilespmem:$0x11D40] =	vst v63  }
0x5f: {  	s29 =	simm.s32 $0x2F80  }
0x60: {  	[spmem:s3] =	stream.indirect.scatter.add.f32 [tilespmem:s25], [sflag:$0x7], $0x1, s29, s23, $0xb8;
	[tilespmem:$0x11D40] =	vst v63  }
0x61: {  	s29 =	simm.s32 $0x3000  }
0x62: {  	[spmem:s3] =	stream.indirect.scatter.add.f32 [tilespmem:s25], [sflag:$0x7], $0x1, s29, s23, $0xb8;
	[tilespmem:$0x11D40] =	vst v63  }
0x63: {  	s29 =	simm.s32 $0x3080  }
0x64: {  	[spmem:s3] =	stream.indirect.scatter.add.f32 [tilespmem:s25], [sflag:$0x7], $0x1, s29, s23, $0xb8;
	[tilespmem:$0x11D40] =	vst v63  }
0x65: {  	s29 =	simm.s32 $0x3100  }
0x66: {  	[spmem:s3] =	stream.indirect.scatter.add.f32 [tilespmem:s25], [sflag:$0x7], $0x1, s29, s23, $0xb8;
	[tilespmem:$0x11D40] =	vst v63  }
0x67: {  	s29 =	simm.s32 $0x3180  }
0x68: {  	[spmem:s3] =	stream.indirect.scatter.add.f32 [tilespmem:s25], [sflag:$0x7], $0x1, s29, s23, $0xb8;
	[tilespmem:$0x11D40] =	vst v63  }
0x69: {  	s29 =	simm.s32 $0x3200  }
0x6a: {  	[spmem:s3] =	stream.indirect.scatter.add.f32 [tilespmem:s25], [sflag:$0x7], $0x1, s29, s23, $0xb8;
	[tilespmem:$0x11D40] =	vst v63  }
0x6b: {  	s29 =	simm.s32 $0x3280  }
0x6c: {  	[spmem:s3] =	stream.indirect.scatter.add.f32 [tilespmem:s25], [sflag:$0x7], $0x1, s29, s23, $0xb8;
	[tilespmem:$0x11D40] =	vst v63  }
0x6d: {  	s29 =	simm.s32 $0x3300  }
0x6e: {  	[spmem:s3] =	stream.indirect.scatter.add.f32 [tilespmem:s25], [sflag:$0x7], $0x1, s29, s23, $0xb8;
	[tilespmem:$0x11D40] =	vst v63  }
0x6f: {  	s29 =	simm.s32 $0x3380  }
0x70: {  	[spmem:s3] =	stream.indirect.scatter.add.f32 [tilespmem:s25], [sflag:$0x7], $0x1, s29, s23, $0xb8;
	[tilespmem:$0x11D40] =	vst v63  }
0x71: {  	s29 =	simm.s32 $0x3400  }
0x72: {  	[spmem:s3] =	stream.indirect.scatter.add.f32 [tilespmem:s25], [sflag:$0x7], $0x1, s29, s23, $0xb8;
	[tilespmem:$0x11D40] =	vst v63  }
0x73: {  	s29 =	simm.s32 $0x3480  }
0x74: {  	[spmem:s3] =	stream.indirect.scatter.add.f32 [tilespmem:s25], [sflag:$0x7], $0x1, s29, s23, $0xb8;
	[tilespmem:$0x11D40] =	vst v63  }
0x75: {  	s29 =	simm.s32 $0x3500  }
0x76: {  	[spmem:s3] =	stream.indirect.scatter.add.f32 [tilespmem:s25], [sflag:$0x7], $0x1, s29, s23, $0xb8;
	[tilespmem:$0x11D40] =	vst v63  }
0x77: {  	s29 =	simm.s32 $0x3580  }
0x78: {  	[spmem:s3] =	stream.indirect.scatter.add.f32 [tilespmem:s25], [sflag:$0x7], $0x1, s29, s23, $0xb8;
	[tilespmem:$0x11D40] =	vst v63  }
0x79: {  	s29 =	simm.s32 $0x3600  }
0x7a: {  	[spmem:s3] =	stream.indirect.scatter.add.f32 [tilespmem:s25], [sflag:$0x7], $0x1, s29, s23, $0xb8;
	[tilespmem:$0x11D40] =	vst v63  }
0x7b: {  	s29 =	simm.s32 $0x3680  }
0x7c: {  	[spmem:s3] =	stream.indirect.scatter.add.f32 [tilespmem:s25], [sflag:$0x7], $0x1, s29, s23, $0xb8;
	[tilespmem:$0x11D40] =	vst v63  }
0x7d: {  	s29 =	simm.s32 $0x3700  }
0x7e: {  	[spmem:s3] =	stream.indirect.scatter.add.f32 [tilespmem:s25], [sflag:$0x7], $0x1, s29, s23, $0xb8;
	[tilespmem:$0x11D40] =	vst v63  }
0x7f: {  	s29 =	simm.s32 $0x3780  }
0x80: {  	[spmem:s3] =	stream.indirect.scatter.add.f32 [tilespmem:s25], [sflag:$0x7], $0x1, s29, s23, $0xb8;
	[tilespmem:$0x11D40] =	vst v63  }
0x81: {  	s29 =	simm.s32 $0x3800  }
0x82: {  	[spmem:s3] =	stream.indirect.scatter.add.f32 [tilespmem:s25], [sflag:$0x7], $0x1, s29, s23, $0xb8;
	[tilespmem:$0x11D40] =	vst v63  }
0x83: {  	s29 =	simm.s32 $0x3880  }
0x84: {  	[spmem:s3] =	stream.indirect.scatter.add.f32 [tilespmem:s25], [sflag:$0x7], $0x1, s29, s23, $0xb8;
	[tilespmem:$0x11D40] =	vst v63  }
0x85: {  	s29 =	simm.s32 $0x3900  }
0x86: {  	[spmem:s3] =	stream.indirect.scatter.add.f32 [tilespmem:s25], [sflag:$0x7], $0x1, s29, s23, $0xb8;
	[tilespmem:$0x11D40] =	vst v63  }
0x87: {  	s29 =	simm.s32 $0x3980  }
0x88: {  	[spmem:s3] =	stream.indirect.scatter.add.f32 [tilespmem:s25], [sflag:$0x7], $0x1, s29, s23, $0xb8;
	[tilespmem:$0x11D40] =	vst v63  }
0x89: {  	s29 =	simm.s32 $0x3A00  }
0x8a: {  	[spmem:s3] =	stream.indirect.scatter.add.f32 [tilespmem:s25], [sflag:$0x7], $0x1, s29, s23, $0xb8;
	[tilespmem:$0x11D40] =	vst v63  }
0x8b: {  	s29 =	simm.s32 $0x3A80  }
0x8c: {  	[spmem:s3] =	stream.indirect.scatter.add.f32 [tilespmem:s25], [sflag:$0x7], $0x1, s29, s23, $0xb8;
	[tilespmem:$0x11D40] =	vst v63  }
0x8d: {  	_ = 	snop  }
0x8e: {  	[spmem:s3] =	stream.indirect.scatter.add.f32 [tilespmem:s25], [sflag:$0x7], $0x1, s1, s23, $0xb8;
	[tilespmem:$0x11D40] =	vst v63  }
0x8f: {  	s29 =	simm.s32 $0x28  }
0x90: {  	[spmem:s3] =	stream.indirect.scatter.add.f32 [tilespmem:s25], [sflag:$0x7], $0x1, s0, s23, $0xb8;
	[tilespmem:$0x11D40] =	vst v63  }
.LBB2_4:
0x91: {  	p0 =	sne.s32 s29, $0x1  }
.Ltmp1:
0x92: {  	_ = 	snop;
	(pc) =	sbr.rel @p0 .LBB2_4-.Ltmp1, $4  }
0x93: {  	_ = 	snop  }
0x94: {  	_ =	swait.ge [sflag:s14], $0x80  }
0x95: {  	[sflag:s14] =	ssyncset.done $0x0  }
0x96: {  	s29 =	sadd.s32 $0xFFFFFFFF, s29;
	[sflag:s14] =	ssyncadd.s32 $0xFFFFFF80  }
0x97: {  	s29 =	simm.s32 $0x0  }
.LBB2_6:
0x98: {  	p0 =	sne.s32 s29, $0x4E00  }
.Ltmp2:
0x99: {  	_ = 	snop;
	(pc) =	sbr.rel @p0 .LBB2_6-.Ltmp2, $4  }
0x9a: {  	_ = 	snop  }
0x9b: {  	s30 =	sshra.s32 s29, $0x2  }
0x9c: {  	s29 =	sadd.s32 $0x200, s29;
	s31 =	sadd.s32 $0x3C00, s30;
	s30 =	sadd.s32 $0x1400, s30  }
0x9d: {  	[spmem:s3] =	stream.indirect.scatter.add.f32 [tilespmem:s31], [sflag:$0x7], $0x1, s30, s23, $0xb8;
	[tilespmem:$0x11D40] =	vst v63  }
0x9e: {  	_ =	swait.ge [sflag:s26], $0x80  }
0x9f: {  	s29 =	simm.s32 $0x4F;
	[sflag:s26] =	ssyncset.done $0x0  }
.LBB2_8:
0xa0: {  	p0 =	sne.s32 s29, $0x1;
	s29 =	sadd.s32 $0xFFFFFFFF, s29;
	[sflag:s26] =	ssyncadd.s32 $0xFFFFFF80  }
.Ltmp3:
0xa1: {  	(pc) =	sbr.rel @p0 .LBB2_8-.Ltmp3, $3  }
0xa2: {  	_ =	sdelay $0x1  }
0xa3: {  	_ =	swait.ge [sflag:s26], $0x80  }
0xa4: {  	[sflag:s26] =	ssyncset.done $0x0  }
0xa5: {  	[sflag:s26] =	ssyncadd.s32 $0xFFFFFF80  }
0xa6: {  	[bflag:$0x0] =	sbarrier.arrive $0xFFFF  }
0xa7: {  	[tilespmem:s16], [sflag:$0x8] =	stream.linear.gather [spmem:s11], $0x33D8, $0x38;
	[tilespmem:$0x11D40] =	vst v63  }
0xa8: {  	s28 =	sadd.s32 $0x1, s28;
	_ =	swait.ge [sflag:s19], $0x33D8  }
0xa9: {  	p0 =	sne.s32 s28, s13;
	[sflag:s19] =	ssyncset.done $0x0  }
.Ltmp4:
0xaa: {  	[sflag:s19] =	ssyncadd.s32 $0xFFFFCC28;
	(pc) =	sbr.rel @p0 .LBB2_1-.Ltmp4, $4  }
0xab: {  	[hbm4b:s12+s4] =	stream.linear.scatter [tilespmem:s16], [sflag:$0x8], $0x33D8, $0x38;
	[tilespmem:$0x11D40] =	vst v63  }
0xac: {  	_ =	swait.ge [sflag:s19], $0x33D8  }
0xad: {  	[sflag:s19] =	ssyncset.done $0x0  }
0xae: {  	[sflag:s19] =	ssyncadd.s32 $0xFFFFCC28  }
0xaf: {  	_ =	sfence.sel $0x180000  }
0xb0: {  	[bflag:$0x0] =	sbarrier.arrive $0xFFFF  }
0xb1: {  	_ =	strace $0x90000047  }
0xb2: {  	s0 =	stileid.u32;
	[bflag:$0x2] =	sbarrier.arrive $0xFFFF  }
0xb3: {  	p0 =	sne.s32 s0, $0x0;
	s0 =	rddreg [dreg:$0x3]  }
0xb4: {  	s0 =	sadd.s32 @!p0 $0x100000, s0  }
0xb5: {  	[sflag:s0] =	ssyncadd.tile.s32 @!p0 $0x1;
	_ =	shalt  }
.Lfunc_end2:
_tile_overlayer_lowered:
.L_overlay_start_2:
0xb6: {  	(tag) =	ssettag $0x2  }
0xb7: {  	s0 =	rddreg [dreg:$0x0];
	s2 =	stileid.u32  }
0xb8: {  	s1 =	rddreg [dreg:$0x1];
	p0 =	sne.s32 s2, $0x0  }
0xb9: {  	s3 =	rddreg [dreg:$0x2];
	[bflag:$0x3] =	sbarrier.arrive $0xFFFF;
	s2 =	simm.s32 @!p0 $0x1C08  }
0xba: {  	[timem:s3], [sflag:s2] =	dma.local @!p0 [hbm:s0], s1  }
0xbb: {  	s0 =	simm.s32 @!p0 $0x8  }
0xbc: {  	_ =	swait.ge @!p0 [sflag:s0], s1  }
0xbd: {  	s1 =	ssub.s32 @!p0 $0x0, s1;
	[sflag:s0] =	ssyncset.done @!p0 $0x0  }
0xbe: {  	[sflag:s0] =	ssyncadd.s32 @!p0 s1  }
0xbf: {  	[bflag:$0x3] =	sbarrier.arrive $0xFFFF  }
0xc0: {  	_ =	shalt  }

</sc_bundles>
